<compile_context>
chip_gen: v7x
topology: tpu7x:2x2x1
jax: 0.10.2.dev20260603
libtpu: 0.0.44.dev20260713+nightly
codegen_flags: <defaults>
</compile_context>

<pallas_src>
import functools

import jax
import jax.numpy as jnp
from jax import lax
from jax.experimental import pallas as pl
from jax.experimental.pallas import tpu as pltpu
from jax.experimental.pallas import tpu_sc as plsc

NUM_U = 20000
NUM_V = 30000
N = NUM_U + NUM_V
DIM = 64
HALF = 32
NC = 2
NS = 16
N_PAD = 50048
RPT = N_PAD // NS
TRASH = N
L = 128
KB = 7
GPT_POS = 392
GPT_NEG = 98
GP = NS * GPT_POS
GN = NS * GPT_NEG
ALPHA = 1.0 / 3.0

RPT_OUT = N // NS
RCH = 125
NCH = RPT_OUT // RCH


def _build_chain(body):
    mesh = plsc.VectorSubcoreMesh(
        core_axis_name="c", subcore_axis_name="s",
        num_cores=NC, num_subcores=NS)
    return functools.partial(
        pl.kernel,
        out_type=[jax.ShapeDtypeStruct((N, DIM), jnp.float32),
                  jax.ShapeDtypeStruct((2 * N_PAD, HALF), jnp.float32)],
        mesh=mesh,
        scratch_types=[
            pltpu.VMEM_SHARED((N_PAD, HALF), jnp.float32),
            pltpu.VMEM((KB, 2, L), jnp.int32),
            pltpu.VMEM((KB * L, HALF), jnp.float32),
            pltpu.SemaphoreType.DMA,
            pltpu.SemaphoreType.DMA,
        ],
        compiler_params=pltpu.CompilerParams(use_tc_tiling_on_sc=False),
    )(body)


def _chain_ops(acc, edgeb, rows, gsem, ssem):
    c = lax.axis_index("c")
    s = lax.axis_index("s")

    def init_from(tab):
        pltpu.sync_copy(tab.at[pl.ds(c * N_PAD + s * RPT, RPT)],
                        acc.at[pl.ds(s * RPT, RPT)])
        plsc.subcore_barrier()

    def writeback(out):
        pltpu.sync_copy(acc.at[pl.ds(s * RPT, RPT)],
                        out.at[pl.ds(c * N_PAD + s * RPT, RPT)])
        plsc.subcore_barrier()

    def seg(table, edges, gpt):
        gtot = edges.shape[0] // 2
        nb = gpt // KB

        def body(b, carry):
            g0 = s * gpt + b * KB
            pltpu.sync_copy(edges.at[pl.ds(c * gtot + g0, KB)], edgeb)
            gd = [pltpu.async_copy(
                table.at[edgeb.at[j, 0]], rows.at[pl.ds(j * L, L)], gsem)
                for j in range(KB)]
            sd = []
            for j in range(KB):
                gd[j].wait()
                sd.append(pltpu.async_copy(
                    rows.at[pl.ds(j * L, L)], acc.at[edgeb.at[j, 1]], ssem,
                    add=True))
            for d in sd:
                d.wait()
            return carry

        lax.fori_loop(0, nb, body, 0)
        plsc.subcore_barrier()

    def combine(base_tab, mid_tab, out):
        a, b2, d, o = 0, 128, 256, 384

        def chunk(t, carry):
            r0 = s * RPT_OUT + t * RCH
            pltpu.sync_copy(base_tab.at[pl.ds(c * N_PAD + r0, RCH)],
                            rows.at[pl.ds(a, RCH)])
            pltpu.sync_copy(mid_tab.at[pl.ds(c * N_PAD + r0, RCH)],
                            rows.at[pl.ds(b2, RCH)])
            pltpu.sync_copy(acc.at[pl.ds(r0, RCH)], rows.at[pl.ds(d, RCH)])

            def row(i, carry2):
                for h in (0, 16):
                    v = (rows[a + i, pl.ds(h, 16)]
                         + rows[b2 + i, pl.ds(h, 16)]
                         + rows[d + i, pl.ds(h, 16)]) * ALPHA
                    rows[o + i, pl.ds(h, 16)] = v
                return carry2

            lax.fori_loop(0, RCH, row, 0)
            pltpu.sync_copy(rows.at[pl.ds(o, RCH)],
                            out.at[pl.ds(r0, RCH), pl.ds(c * HALF, HALF)])
            return carry

        lax.fori_loop(0, NCH, chunk, 0)
        plsc.subcore_barrier()

    return init_from, writeback, seg, combine


def _pos_body(x0, sp, pos, xp1, acc, edgeb, rows, gsem, ssem):
    init_from, writeback, seg, combine = _chain_ops(acc, edgeb, rows,
                                                    gsem, ssem)
    init_from(x0)
    seg(x0, sp, GPT_POS)
    writeback(xp1)
    seg(xp1, sp, GPT_POS)
    combine(x0, xp1, pos)


def _neg_body(x0, en, sn, neg, xn1, acc, edgeb, rows, gsem, ssem):
    init_from, writeback, seg, combine = _chain_ops(acc, edgeb, rows,
                                                    gsem, ssem)
    init_from(x0)
    seg(x0, sn, GPT_NEG)
    writeback(xn1)
    seg(xn1, sn, GPT_NEG)
    combine(en, xn1, neg)


@functools.cache
def _build_pos():
    return _build_chain(_pos_body)


@functools.cache
def _build_neg():
    return _build_chain(_neg_body)


def _halves(x):
    z = jnp.zeros((N_PAD - N, HALF), jnp.float32)
    return jnp.concatenate([x[:, :HALF], z, x[:, HALF:], z], axis=0)


def _prep_edges(ei, gpt):
    tot = NS * gpt * L
    e = ei.shape[1]
    src = jnp.pad(ei[0], (0, tot - e)).reshape(tot // L, L)
    dst = jnp.pad(ei[1], (0, tot - e),
                  constant_values=TRASH).reshape(tot // L, L)
    both = jnp.stack([
        jnp.stack([src, dst], axis=1),
        jnp.stack([src + N_PAD, dst], axis=1),
    ])
    return both.reshape(2 * tot // L, 2, L)


def kernel(user_embedding, item_embedding, user_neg_embedding,
           item_neg_embedding, pos_edge_index, neg_edge_index):
    ego_pos = jnp.concatenate([user_embedding, item_embedding], axis=0)
    ego_neg = jnp.concatenate([user_neg_embedding, item_neg_embedding], axis=0)
    x0 = _halves(ego_pos)
    en = _halves(ego_neg)
    sp = _prep_edges(pos_edge_index, GPT_POS)
    sn = _prep_edges(neg_edge_index, GPT_NEG)

    pos, _ = _build_pos()(x0, sp)
    neg, _ = _build_neg()(x0, en, sn)
    return pos, neg

# --- scband reference (transcript-rebuilt; emitter-appended) ---
"""Pipeline reference for scband-pone-gnn-76544907149487 (READ-ONLY COPY).

The authoritative reference and input builder live on the scoring server;
editing this copy changes nothing except your own understanding.
"""

import jax, jax.numpy as jnp
import numpy as np

NUM_U = 20000
NUM_V = 30000
NUM_NODES = NUM_U + NUM_V
DIM = 64
NUM_LAYER = 2
E_POS = 800000
E_NEG = 200000


def _xavier_normal(k, shape):
    std = float(np.sqrt(2.0 / (shape[0] + shape[1])))
    return jax.random.normal(k, shape, dtype=jnp.float32) * std


def setup_inputs(seed: int = 0) -> dict:
    key = jax.random.key(seed)
    k1, k2, k3, k4, k5, k6 = jax.random.split(key, 6)
    user_embedding = _xavier_normal(k1, (NUM_U, DIM))
    item_embedding = _xavier_normal(k2, (NUM_V, DIM))
    user_neg_embedding = _xavier_normal(k3, (NUM_U, DIM))
    item_neg_embedding = _xavier_normal(k4, (NUM_V, DIM))
    pos_edge_index = jax.random.randint(k5, (2, E_POS), 0, NUM_NODES, dtype=jnp.int32)
    neg_edge_index = jax.random.randint(k6, (2, E_NEG), 0, NUM_NODES, dtype=jnp.int32)
    return {
        "user_embedding": user_embedding,
        "item_embedding": item_embedding,
        "user_neg_embedding": user_neg_embedding,
        "item_neg_embedding": item_neg_embedding,
        "pos_edge_index": pos_edge_index,
        "neg_edge_index": neg_edge_index,
    }


def _light_gin_conv(xp, xn, pos_edge_index, neg_edge_index):
    # LightGIN-style propagation: sum-aggregate neighbor messages over the
    # respective (pos / neg) signed edge set, plus self connection (eps=0).
    msg_p = jnp.take(xp, pos_edge_index[0], axis=0)
    agg_p = jax.ops.segment_sum(msg_p, pos_edge_index[1], num_segments=NUM_NODES)
    msg_n = jnp.take(xn, neg_edge_index[0], axis=0)
    agg_n = jax.ops.segment_sum(msg_n, neg_edge_index[1], num_segments=NUM_NODES)
    return agg_p + xp, agg_n + xn


def reference(user_embedding, item_embedding, user_neg_embedding, item_neg_embedding, pos_edge_index, neg_edge_index):
    alpha = 1.0 / (NUM_LAYER + 1)
    ego_pos = jnp.concatenate([user_embedding, item_embedding], axis=0)
    ego_neg = jnp.concatenate([user_neg_embedding, item_neg_embedding], axis=0)
    # torch code seeds BOTH channels of ego_embeddings with the positive embeddings
    xp, xn = ego_pos, ego_pos
    pos_emb = ego_pos * alpha
    neg_emb = ego_neg * alpha
    for _ in range(NUM_LAYER):
        xp, xn = _light_gin_conv(xp, xn, pos_edge_index, neg_edge_index)
        pos_emb = pos_emb + xp * alpha
        neg_emb = neg_emb + xn * alpha
    return pos_emb, neg_emb

if __name__ == "__main__":
    import jax
    _d = setup_inputs()
    print(jax.jit(kernel)(*tuple(_d.values())))

</pallas_src>

<mosaic_0001>
#map = affine_map<(d0, d1) -> (0, 0)>
#map1 = affine_map<(d0, d1) -> (0, 0, 0)>
module attributes {stable_mosaic.version = 14 : i64} {
  func.func @_neg_body(%arg0: i32, %arg1: i32, %arg2: memref<100096x32xf32, #tpu.memory_space<hbm>>, %arg3: memref<100096x32xf32, #tpu.memory_space<hbm>>, %arg4: memref<3136x2x128xi32, #tpu.memory_space<hbm>>, %arg5: memref<50000x64xf32, #tpu.memory_space<hbm>>, %arg6: memref<100096x32xf32, #tpu.memory_space<hbm>>, %arg7: memref<50048x32xf32, #tpu.memory_space<vmem_shared>>, %arg8: memref<7x2x128xi32, #tpu.memory_space<vmem>>, %arg9: memref<896x32xf32, #tpu.memory_space<vmem>>, %arg10: memref<!tpu.dma_semaphore, #tpu.memory_space<semaphore_mem>>, %arg11: memref<!tpu.dma_semaphore, #tpu.memory_space<semaphore_mem>>) attributes {dimension_semantics = [#tpu.dimension_semantics<core_parallel>, #tpu.dimension_semantics<subcore_parallel>], iteration_bounds = array<i64: 2, 16>, scalar_prefetch = 0 : i64, scratch_operands = 5 : i64, tpu.core_type = #tpu.core_type<sc_vector_subcore>, window_params = [{transform_indices = #map}, {transform_indices = #map}, {transform_indices = #map1}, {transform_indices = #map}, {transform_indices = #map}]} {
    %mul3A = arith.constant 50048 : i32
    %mul3A_0 = arith.muli %arg0, %mul3A : i32
    %mul3A_1 = arith.constant 3128 : i32
    %mul3A_2 = arith.muli %arg1, %mul3A_1 : i32
    %add3A = arith.addi %mul3A_0, %mul3A_2 : i32
    %mul3A_3 = arith.constant 3128 : i32
    %mul3A_4 = arith.muli %arg1, %mul3A_3 : i32
    "tpu.region"() ({
      %run_scoped3A = tpu.sem_alloc : memref<!tpu.dma_semaphore, #tpu.memory_space<semaphore_mem>>
      %dma_start3A = arith.constant 0 : i32
      %dma_start3A_33 = tpu.memref_slice %arg7[%mul3A_4, %dma_start3A] : memref<50048x32xf32, #tpu.memory_space<vmem_shared>> -> memref<3128x32xf32, #tpu.memory_space<vmem_shared>>
      %dma_start3A_34 = arith.constant 0 : i32
      %dma_start3A_35 = tpu.memref_slice %arg2[%add3A, %dma_start3A_34] : memref<100096x32xf32, #tpu.memory_space<hbm>> -> memref<3128x32xf32, #tpu.memory_space<hbm>>
      tpu.enqueue_dma source(%dma_start3A_35 : memref<3128x32xf32, #tpu.memory_space<hbm>>) target(%dma_start3A_33 : memref<3128x32xf32, #tpu.memory_space<vmem_shared>>) target_semaphore(%run_scoped3A : memref<!tpu.dma_semaphore, #tpu.memory_space<semaphore_mem>>)
      %dma_wait3A = arith.constant 0 : i32
      %dma_wait3A_36 = tpu.memref_slice %arg7[%mul3A_4, %dma_wait3A] : memref<50048x32xf32, #tpu.memory_space<vmem_shared>> -> memref<3128x32xf32, #tpu.memory_space<vmem_shared>>
      %dma_wait3A_37 = arith.constant 0 : i32
      %dma_wait3A_38 = tpu.memref_slice %arg2[%add3A, %dma_wait3A_37] : memref<100096x32xf32, #tpu.memory_space<hbm>> -> memref<3128x32xf32, #tpu.memory_space<hbm>>
      tpu.wait_dma2 semaphore(%run_scoped3A : memref<!tpu.dma_semaphore, #tpu.memory_space<semaphore_mem>>) src(%dma_wait3A_38 : memref<3128x32xf32, #tpu.memory_space<hbm>>) dst(%dma_wait3A_36 : memref<3128x32xf32, #tpu.memory_space<vmem_shared>>)
      tpu.yield
    }) : () -> ()
    %barrier3A = arith.constant 0 : index
    tpu.barrier barrier_id(%barrier3A)
    %scan3A = arith.constant 0 : i32
    %scan3A_5 = arith.constant 0 : i32
    %scan3A_6 = arith.constant 14 : i32
    %scan3A_7 = arith.addi %scan3A_5, %scan3A_6 : i32
    %scan3A_8 = arith.constant 1 : i32
    scf.for %scan3A_33 = %scan3A_5 to %scan3A_7 step %scan3A_8  : i32 {
      %mul3A_34 = arith.constant 98 : i32
      %mul3A_35 = arith.muli %arg1, %mul3A_34 : i32
      %mul3A_36 = arith.constant 7 : i32
      %mul3A_37 = arith.muli %scan3A_33, %mul3A_36 : i32
      %add3A_38 = arith.addi %mul3A_35, %mul3A_37 : i32
      %mul3A_39 = arith.constant 1568 : i32
      %mul3A_40 = arith.muli %arg0, %mul3A_39 : i32
      %add3A_41 = arith.addi %mul3A_40, %add3A_38 : i32
      "tpu.region"() ({
        %run_scoped3A = tpu.sem_alloc : memref<!tpu.dma_semaphore, #tpu.memory_space<semaphore_mem>>
        %dma_start3A_348 = arith.constant 0 : i32
        %dma_start3A_349 = arith.constant 0 : i32
        %dma_start3A_350 = tpu.memref_slice %arg4[%add3A_41, %dma_start3A_348, %dma_start3A_349] : memref<3136x2x128xi32, #tpu.memory_space<hbm>> -> memref<7x2x128xi32, #tpu.memory_space<hbm>>
        %dma_start3A_351 = arith.constant 0 : i32
        %dma_start3A_352 = arith.constant 0 : i32
        %dma_start3A_353 = tpu.memref_slice %arg4[%add3A_41, %dma_start3A_351, %dma_start3A_352] : memref<3136x2x128xi32, #tpu.memory_space<hbm>> -> memref<7x2x128xi32, #tpu.memory_space<hbm>>
        tpu.enqueue_dma source(%dma_start3A_353 : memref<7x2x128xi32, #tpu.memory_space<hbm>>) target(%arg8 : memref<7x2x128xi32, #tpu.memory_space<vmem>>) target_semaphore(%run_scoped3A : memref<!tpu.dma_semaphore, #tpu.memory_space<semaphore_mem>>)
        %dma_wait3A_354 = arith.constant 0 : i32
        %dma_wait3A_355 = arith.constant 0 : i32
        %dma_wait3A_356 = tpu.memref_slice %arg4[%add3A_41, %dma_wait3A_354, %dma_wait3A_355] : memref<3136x2x128xi32, #tpu.memory_space<hbm>> -> memref<7x2x128xi32, #tpu.memory_space<hbm>>
        %dma_wait3A_357 = arith.constant 0 : i32
        %dma_wait3A_358 = arith.constant 0 : i32
        %dma_wait3A_359 = tpu.memref_slice %arg4[%add3A_41, %dma_wait3A_357, %dma_wait3A_358] : memref<3136x2x128xi32, #tpu.memory_space<hbm>> -> memref<7x2x128xi32, #tpu.memory_space<hbm>>
        tpu.wait_dma2 semaphore(%run_scoped3A : memref<!tpu.dma_semaphore, #tpu.memory_space<semaphore_mem>>) src(%dma_wait3A_359 : memref<7x2x128xi32, #tpu.memory_space<hbm>>) dst(%arg8 : memref<7x2x128xi32, #tpu.memory_space<vmem>>)
        tpu.yield
      }) : () -> ()
      %dma_start3A = arith.constant 0 : i32
      %dma_start3A_42 = arith.constant 0 : i32
      %dma_start3A_43 = arith.constant 0 : i32
      %dma_start3A_44 = arith.constant 0 : i32
      %dma_start3A_45 = tpu.memref_slice %arg9[%dma_start3A_43, %dma_start3A_44] : memref<896x32xf32, #tpu.memory_space<vmem>> -> memref<128x32xf32, #tpu.memory_space<vmem>>
      %dma_start3A_46 = arith.constant 0 : i32
      %dma_start3A_47 = tpu.memref_slice %arg8[%dma_start3A, %dma_start3A_42, %dma_start3A_46] : memref<7x2x128xi32, #tpu.memory_space<vmem>> -> memref<1x1x128xi32, #tpu.memory_space<vmem>>
      %dma_start3A_48 = tpu.memref_squeeze %dma_start3A_47 : memref<1x1x128xi32, #tpu.memory_space<vmem>> -> memref<128xi32, #tpu.memory_space<vmem>>
      %dma_start3A_49 = arith.constant 0 : i32
      %dma_start3A_50 = arith.constant 0 : i32
      %dma_start3A_51 = tpu.memref_slice %arg2[%dma_start3A_49, %dma_start3A_50] : memref<100096x32xf32, #tpu.memory_space<hbm>> -> memref<100096x32xf32, #tpu.memory_space<hbm>>
      tpu.enqueue_indirect_dma source(%dma_start3A_51 : memref<100096x32xf32, #tpu.memory_space<hbm>>) target(%dma_start3A_45 : memref<128x32xf32, #tpu.memory_space<vmem>>) offsets(%dma_start3A_48 : memref<128xi32, #tpu.memory_space<vmem>>) semaphore(%arg10 : memref<!tpu.dma_semaphore, #tpu.memory_space<semaphore_mem>>)
      %dma_start3A_52 = arith.constant 1 : i32
      %dma_start3A_53 = arith.constant 0 : i32
      %dma_start3A_54 = arith.constant 128 : i32
      %dma_start3A_55 = arith.constant 0 : i32
      %dma_start3A_56 = tpu.memref_slice %arg9[%dma_start3A_54, %dma_start3A_55] : memref<896x32xf32, #tpu.memory_space<vmem>> -> memref<128x32xf32, #tpu.memory_space<vmem>>
      %dma_start3A_57 = arith.constant 0 : i32
      %dma_start3A_58 = tpu.memref_slice %arg8[%dma_start3A_52, %dma_start3A_53, %dma_start3A_57] : memref<7x2x128xi32, #tpu.memory_space<vmem>> -> memref<1x1x128xi32, #tpu.memory_space<vmem>>
      %dma_start3A_59 = tpu.memref_squeeze %dma_start3A_58 : memref<1x1x128xi32, #tpu.memory_space<vmem>> -> memref<128xi32, #tpu.memory_space<vmem>>
      %dma_start3A_60 = arith.constant 0 : i32
      %dma_start3A_61 = arith.constant 0 : i32
      %dma_start3A_62 = tpu.memref_slice %arg2[%dma_start3A_60, %dma_start3A_61] : memref<100096x32xf32, #tpu.memory_space<hbm>> -> memref<100096x32xf32, #tpu.memory_space<hbm>>
      tpu.enqueue_indirect_dma source(%dma_start3A_62 : memref<100096x32xf32, #tpu.memory_space<hbm>>) target(%dma_start3A_56 : memref<128x32xf32, #tpu.memory_space<vmem>>) offsets(%dma_start3A_59 : memref<128xi32, #tpu.memory_space<vmem>>) semaphore(%arg10 : memref<!tpu.dma_semaphore, #tpu.memory_space<semaphore_mem>>)
      %dma_start3A_63 = arith.constant 2 : i32
      %dma_start3A_64 = arith.constant 0 : i32
      %dma_start3A_65 = arith.constant 256 : i32
      %dma_start3A_66 = arith.constant 0 : i32
      %dma_start3A_67 = tpu.memref_slice %arg9[%dma_start3A_65, %dma_start3A_66] : memref<896x32xf32, #tpu.memory_space<vmem>> -> memref<128x32xf32, #tpu.memory_space<vmem>>
      %dma_start3A_68 = arith.constant 0 : i32
      %dma_start3A_69 = tpu.memref_slice %arg8[%dma_start3A_63, %dma_start3A_64, %dma_start3A_68] : memref<7x2x128xi32, #tpu.memory_space<vmem>> -> memref<1x1x128xi32, #tpu.memory_space<vmem>>
      %dma_start3A_70 = tpu.memref_squeeze %dma_start3A_69 : memref<1x1x128xi32, #tpu.memory_space<vmem>> -> memref<128xi32, #tpu.memory_space<vmem>>
      %dma_start3A_71 = arith.constant 0 : i32
      %dma_start3A_72 = arith.constant 0 : i32
      %dma_start3A_73 = tpu.memref_slice %arg2[%dma_start3A_71, %dma_start3A_72] : memref<100096x32xf32, #tpu.memory_space<hbm>> -> memref<100096x32xf32, #tpu.memory_space<hbm>>
      tpu.enqueue_indirect_dma source(%dma_start3A_73 : memref<100096x32xf32, #tpu.memory_space<hbm>>) target(%dma_start3A_67 : memref<128x32xf32, #tpu.memory_space<vmem>>) offsets(%dma_start3A_70 : memref<128xi32, #tpu.memory_space<vmem>>) semaphore(%arg10 : memref<!tpu.dma_semaphore, #tpu.memory_space<semaphore_mem>>)
      %dma_start3A_74 = arith.constant 3 : i32
      %dma_start3A_75 = arith.constant 0 : i32
      %dma_start3A_76 = arith.constant 384 : i32
      %dma_start3A_77 = arith.constant 0 : i32
      %dma_start3A_78 = tpu.memref_slice %arg9[%dma_start3A_76, %dma_start3A_77] : memref<896x32xf32, #tpu.memory_space<vmem>> -> memref<128x32xf32, #tpu.memory_space<vmem>>
      %dma_start3A_79 = arith.constant 0 : i32
      %dma_start3A_80 = tpu.memref_slice %arg8[%dma_start3A_74, %dma_start3A_75, %dma_start3A_79] : memref<7x2x128xi32, #tpu.memory_space<vmem>> -> memref<1x1x128xi32, #tpu.memory_space<vmem>>
      %dma_start3A_81 = tpu.memref_squeeze %dma_start3A_80 : memref<1x1x128xi32, #tpu.memory_space<vmem>> -> memref<128xi32, #tpu.memory_space<vmem>>
      %dma_start3A_82 = arith.constant 0 : i32
      %dma_start3A_83 = arith.constant 0 : i32
      %dma_start3A_84 = tpu.memref_slice %arg2[%dma_start3A_82, %dma_start3A_83] : memref<100096x32xf32, #tpu.memory_space<hbm>> -> memref<100096x32xf32, #tpu.memory_space<hbm>>
      tpu.enqueue_indirect_dma source(%dma_start3A_84 : memref<100096x32xf32, #tpu.memory_space<hbm>>) target(%dma_start3A_78 : memref<128x32xf32, #tpu.memory_space<vmem>>) offsets(%dma_start3A_81 : memref<128xi32, #tpu.memory_space<vmem>>) semaphore(%arg10 : memref<!tpu.dma_semaphore, #tpu.memory_space<semaphore_mem>>)
      %dma_start3A_85 = arith.constant 4 : i32
      %dma_start3A_86 = arith.constant 0 : i32
      %dma_start3A_87 = arith.constant 512 : i32
      %dma_start3A_88 = arith.constant 0 : i32
      %dma_start3A_89 = tpu.memref_slice %arg9[%dma_start3A_87, %dma_start3A_88] : memref<896x32xf32, #tpu.memory_space<vmem>> -> memref<128x32xf32, #tpu.memory_space<vmem>>
      %dma_start3A_90 = arith.constant 0 : i32
      %dma_start3A_91 = tpu.memref_slice %arg8[%dma_start3A_85, %dma_start3A_86, %dma_start3A_90] : memref<7x2x128xi32, #tpu.memory_space<vmem>> -> memref<1x1x128xi32, #tpu.memory_space<vmem>>
      %dma_start3A_92 = tpu.memref_squeeze %dma_start3A_91 : memref<1x1x128xi32, #tpu.memory_space<vmem>> -> memref<128xi32, #tpu.memory_space<vmem>>
      %dma_start3A_93 = arith.constant 0 : i32
      %dma_start3A_94 = arith.constant 0 : i32
      %dma_start3A_95 = tpu.memref_slice %arg2[%dma_start3A_93, %dma_start3A_94] : memref<100096x32xf32, #tpu.memory_space<hbm>> -> memref<100096x32xf32, #tpu.memory_space<hbm>>
      tpu.enqueue_indirect_dma source(%dma_start3A_95 : memref<100096x32xf32, #tpu.memory_space<hbm>>) target(%dma_start3A_89 : memref<128x32xf32, #tpu.memory_space<vmem>>) offsets(%dma_start3A_92 : memref<128xi32, #tpu.memory_space<vmem>>) semaphore(%arg10 : memref<!tpu.dma_semaphore, #tpu.memory_space<semaphore_mem>>)
      %dma_start3A_96 = arith.constant 5 : i32
      %dma_start3A_97 = arith.constant 0 : i32
      %dma_start3A_98 = arith.constant 640 : i32
      %dma_start3A_99 = arith.constant 0 : i32
      %dma_start3A_100 = tpu.memref_slice %arg9[%dma_start3A_98, %dma_start3A_99] : memref<896x32xf32, #tpu.memory_space<vmem>> -> memref<128x32xf32, #tpu.memory_space<vmem>>
      %dma_start3A_101 = arith.constant 0 : i32
      %dma_start3A_102 = tpu.memref_slice %arg8[%dma_start3A_96, %dma_start3A_97, %dma_start3A_101] : memref<7x2x128xi32, #tpu.memory_space<vmem>> -> memref<1x1x128xi32, #tpu.memory_space<vmem>>
      %dma_start3A_103 = tpu.memref_squeeze %dma_start3A_102 : memref<1x1x128xi32, #tpu.memory_space<vmem>> -> memref<128xi32, #tpu.memory_space<vmem>>
      %dma_start3A_104 = arith.constant 0 : i32
      %dma_start3A_105 = arith.constant 0 : i32
      %dma_start3A_106 = tpu.memref_slice %arg2[%dma_start3A_104, %dma_start3A_105] : memref<100096x32xf32, #tpu.memory_space<hbm>> -> memref<100096x32xf32, #tpu.memory_space<hbm>>
      tpu.enqueue_indirect_dma source(%dma_start3A_106 : memref<100096x32xf32, #tpu.memory_space<hbm>>) target(%dma_start3A_100 : memref<128x32xf32, #tpu.memory_space<vmem>>) offsets(%dma_start3A_103 : memref<128xi32, #tpu.memory_space<vmem>>) semaphore(%arg10 : memref<!tpu.dma_semaphore, #tpu.memory_space<semaphore_mem>>)
      %dma_start3A_107 = arith.constant 6 : i32
      %dma_start3A_108 = arith.constant 0 : i32
      %dma_start3A_109 = arith.constant 768 : i32
      %dma_start3A_110 = arith.constant 0 : i32
      %dma_start3A_111 = tpu.memref_slice %arg9[%dma_start3A_109, %dma_start3A_110] : memref<896x32xf32, #tpu.memory_space<vmem>> -> memref<128x32xf32, #tpu.memory_space<vmem>>
      %dma_start3A_112 = arith.constant 0 : i32
      %dma_start3A_113 = tpu.memref_slice %arg8[%dma_start3A_107, %dma_start3A_108, %dma_start3A_112] : memref<7x2x128xi32, #tpu.memory_space<vmem>> -> memref<1x1x128xi32, #tpu.memory_space<vmem>>
      %dma_start3A_114 = tpu.memref_squeeze %dma_start3A_113 : memref<1x1x128xi32, #tpu.memory_space<vmem>> -> memref<128xi32, #tpu.memory_space<vmem>>
      %dma_start3A_115 = arith.constant 0 : i32
      %dma_start3A_116 = arith.constant 0 : i32
      %dma_start3A_117 = tpu.memref_slice %arg2[%dma_start3A_115, %dma_start3A_116] : memref<100096x32xf32, #tpu.memory_space<hbm>> -> memref<100096x32xf32, #tpu.memory_space<hbm>>
      tpu.enqueue_indirect_dma source(%dma_start3A_117 : memref<100096x32xf32, #tpu.memory_space<hbm>>) target(%dma_start3A_111 : memref<128x32xf32, #tpu.memory_space<vmem>>) offsets(%dma_start3A_114 : memref<128xi32, #tpu.memory_space<vmem>>) semaphore(%arg10 : memref<!tpu.dma_semaphore, #tpu.memory_space<semaphore_mem>>)
      %dma_wait3A = arith.constant 0 : i32
      %dma_wait3A_118 = arith.constant 0 : i32
      %dma_wait3A_119 = arith.constant 0 : i32
      %dma_wait3A_120 = arith.constant 0 : i32
      %dma_wait3A_121 = tpu.memref_slice %arg9[%dma_wait3A_119, %dma_wait3A_120] : memref<896x32xf32, #tpu.memory_space<vmem>> -> memref<128x32xf32, #tpu.memory_space<vmem>>
      %dma_wait3A_122 = arith.constant 0 : i32
      %dma_wait3A_123 = tpu.memref_slice %arg8[%dma_wait3A, %dma_wait3A_118, %dma_wait3A_122] : memref<7x2x128xi32, #tpu.memory_space<vmem>> -> memref<1x1x128xi32, #tpu.memory_space<vmem>>
      %dma_wait3A_124 = tpu.memref_squeeze %dma_wait3A_123 : memref<1x1x128xi32, #tpu.memory_space<vmem>> -> memref<128xi32, #tpu.memory_space<vmem>>
      %dma_wait3A_125 = arith.constant 0 : i32
      %dma_wait3A_126 = arith.constant 0 : i32
      %dma_wait3A_127 = tpu.memref_slice %arg2[%dma_wait3A_125, %dma_wait3A_126] : memref<100096x32xf32, #tpu.memory_space<hbm>> -> memref<100096x32xf32, #tpu.memory_space<hbm>>
      tpu.wait_indirect_dma semaphore(%arg10 : memref<!tpu.dma_semaphore, #tpu.memory_space<semaphore_mem>>) src(%dma_wait3A_127 : memref<100096x32xf32, #tpu.memory_space<hbm>>) dst(%dma_wait3A_121 : memref<128x32xf32, #tpu.memory_space<vmem>>)
      %dma_start3A_128 = arith.constant 0 : i32
      %dma_start3A_129 = arith.constant 1 : i32
      %dma_start3A_130 = arith.constant 0 : i32
      %dma_start3A_131 = arith.constant 0 : i32
      %dma_start3A_132 = tpu.memref_slice %arg9[%dma_start3A_130, %dma_start3A_131] : memref<896x32xf32, #tpu.memory_space<vmem>> -> memref<128x32xf32, #tpu.memory_space<vmem>>
      %dma_start3A_133 = arith.constant 0 : i32
      %dma_start3A_134 = tpu.memref_slice %arg8[%dma_start3A_128, %dma_start3A_129, %dma_start3A_133] : memref<7x2x128xi32, #tpu.memory_space<vmem>> -> memref<1x1x128xi32, #tpu.memory_space<vmem>>
      %dma_start3A_135 = tpu.memref_squeeze %dma_start3A_134 : memref<1x1x128xi32, #tpu.memory_space<vmem>> -> memref<128xi32, #tpu.memory_space<vmem>>
      %dma_start3A_136 = arith.constant 0 : i32
      %dma_start3A_137 = arith.constant 0 : i32
      %dma_start3A_138 = tpu.memref_slice %arg7[%dma_start3A_136, %dma_start3A_137] : memref<50048x32xf32, #tpu.memory_space<vmem_shared>> -> memref<50048x32xf32, #tpu.memory_space<vmem_shared>>
      tpu.enqueue_indirect_dma source(%dma_start3A_132 : memref<128x32xf32, #tpu.memory_space<vmem>>) target(%dma_start3A_138 : memref<50048x32xf32, #tpu.memory_space<vmem_shared>>) offsets(%dma_start3A_135 : memref<128xi32, #tpu.memory_space<vmem>>) semaphore(%arg11 : memref<!tpu.dma_semaphore, #tpu.memory_space<semaphore_mem>>) {add = true}
      %dma_wait3A_139 = arith.constant 1 : i32
      %dma_wait3A_140 = arith.constant 0 : i32
      %dma_wait3A_141 = arith.constant 128 : i32
      %dma_wait3A_142 = arith.constant 0 : i32
      %dma_wait3A_143 = tpu.memref_slice %arg9[%dma_wait3A_141, %dma_wait3A_142] : memref<896x32xf32, #tpu.memory_space<vmem>> -> memref<128x32xf32, #tpu.memory_space<vmem>>
      %dma_wait3A_144 = arith.constant 0 : i32
      %dma_wait3A_145 = tpu.memref_slice %arg8[%dma_wait3A_139, %dma_wait3A_140, %dma_wait3A_144] : memref<7x2x128xi32, #tpu.memory_space<vmem>> -> memref<1x1x128xi32, #tpu.memory_space<vmem>>
      %dma_wait3A_146 = tpu.memref_squeeze %dma_wait3A_145 : memref<1x1x128xi32, #tpu.memory_space<vmem>> -> memref<128xi32, #tpu.memory_space<vmem>>
      %dma_wait3A_147 = arith.constant 0 : i32
      %dma_wait3A_148 = arith.constant 0 : i32
      %dma_wait3A_149 = tpu.memref_slice %arg2[%dma_wait3A_147, %dma_wait3A_148] : memref<100096x32xf32, #tpu.memory_space<hbm>> -> memref<100096x32xf32, #tpu.memory_space<hbm>>
      tpu.wait_indirect_dma semaphore(%arg10 : memref<!tpu.dma_semaphore, #tpu.memory_space<semaphore_mem>>) src(%dma_wait3A_149 : memref<100096x32xf32, #tpu.memory_space<hbm>>) dst(%dma_wait3A_143 : memref<128x32xf32, #tpu.memory_space<vmem>>)
      %dma_start3A_150 = arith.constant 1 : i32
      %dma_start3A_151 = arith.constant 1 : i32
      %dma_start3A_152 = arith.constant 128 : i32
      %dma_start3A_153 = arith.constant 0 : i32
      %dma_start3A_154 = tpu.memref_slice %arg9[%dma_start3A_152, %dma_start3A_153] : memref<896x32xf32, #tpu.memory_space<vmem>> -> memref<128x32xf32, #tpu.memory_space<vmem>>
      %dma_start3A_155 = arith.constant 0 : i32
      %dma_start3A_156 = tpu.memref_slice %arg8[%dma_start3A_150, %dma_start3A_151, %dma_start3A_155] : memref<7x2x128xi32, #tpu.memory_space<vmem>> -> memref<1x1x128xi32, #tpu.memory_space<vmem>>
      %dma_start3A_157 = tpu.memref_squeeze %dma_start3A_156 : memref<1x1x128xi32, #tpu.memory_space<vmem>> -> memref<128xi32, #tpu.memory_space<vmem>>
      %dma_start3A_158 = arith.constant 0 : i32
      %dma_start3A_159 = arith.constant 0 : i32
      %dma_start3A_160 = tpu.memref_slice %arg7[%dma_start3A_158, %dma_start3A_159] : memref<50048x32xf32, #tpu.memory_space<vmem_shared>> -> memref<50048x32xf32, #tpu.memory_space<vmem_shared>>
      tpu.enqueue_indirect_dma source(%dma_start3A_154 : memref<128x32xf32, #tpu.memory_space<vmem>>) target(%dma_start3A_160 : memref<50048x32xf32, #tpu.memory_space<vmem_shared>>) offsets(%dma_start3A_157 : memref<128xi32, #tpu.memory_space<vmem>>) semaphore(%arg11 : memref<!tpu.dma_semaphore, #tpu.memory_space<semaphore_mem>>) {add = true}
      %dma_wait3A_161 = arith.constant 2 : i32
      %dma_wait3A_162 = arith.constant 0 : i32
      %dma_wait3A_163 = arith.constant 256 : i32
      %dma_wait3A_164 = arith.constant 0 : i32
      %dma_wait3A_165 = tpu.memref_slice %arg9[%dma_wait3A_163, %dma_wait3A_164] : memref<896x32xf32, #tpu.memory_space<vmem>> -> memref<128x32xf32, #tpu.memory_space<vmem>>
      %dma_wait3A_166 = arith.constant 0 : i32
      %dma_wait3A_167 = tpu.memref_slice %arg8[%dma_wait3A_161, %dma_wait3A_162, %dma_wait3A_166] : memref<7x2x128xi32, #tpu.memory_space<vmem>> -> memref<1x1x128xi32, #tpu.memory_space<vmem>>
      %dma_wait3A_168 = tpu.memref_squeeze %dma_wait3A_167 : memref<1x1x128xi32, #tpu.memory_space<vmem>> -> memref<128xi32, #tpu.memory_space<vmem>>
      %dma_wait3A_169 = arith.constant 0 : i32
      %dma_wait3A_170 = arith.constant 0 : i32
      %dma_wait3A_171 = tpu.memref_slice %arg2[%dma_wait3A_169, %dma_wait3A_170] : memref<100096x32xf32, #tpu.memory_space<hbm>> -> memref<100096x32xf32, #tpu.memory_space<hbm>>
      tpu.wait_indirect_dma semaphore(%arg10 : memref<!tpu.dma_semaphore, #tpu.memory_space<semaphore_mem>>) src(%dma_wait3A_171 : memref<100096x32xf32, #tpu.memory_space<hbm>>) dst(%dma_wait3A_165 : memref<128x32xf32, #tpu.memory_space<vmem>>)
      %dma_start3A_172 = arith.constant 2 : i32
      %dma_start3A_173 = arith.constant 1 : i32
      %dma_start3A_174 = arith.constant 256 : i32
      %dma_start3A_175 = arith.constant 0 : i32
      %dma_start3A_176 = tpu.memref_slice %arg9[%dma_start3A_174, %dma_start3A_175] : memref<896x32xf32, #tpu.memory_space<vmem>> -> memref<128x32xf32, #tpu.memory_space<vmem>>
      %dma_start3A_177 = arith.constant 0 : i32
      %dma_start3A_178 = tpu.memref_slice %arg8[%dma_start3A_172, %dma_start3A_173, %dma_start3A_177] : memref<7x2x128xi32, #tpu.memory_space<vmem>> -> memref<1x1x128xi32, #tpu.memory_space<vmem>>
      %dma_start3A_179 = tpu.memref_squeeze %dma_start3A_178 : memref<1x1x128xi32, #tpu.memory_space<vmem>> -> memref<128xi32, #tpu.memory_space<vmem>>
      %dma_start3A_180 = arith.constant 0 : i32
      %dma_start3A_181 = arith.constant 0 : i32
      %dma_start3A_182 = tpu.memref_slice %arg7[%dma_start3A_180, %dma_start3A_181] : memref<50048x32xf32, #tpu.memory_space<vmem_shared>> -> memref<50048x32xf32, #tpu.memory_space<vmem_shared>>
      tpu.enqueue_indirect_dma source(%dma_start3A_176 : memref<128x32xf32, #tpu.memory_space<vmem>>) target(%dma_start3A_182 : memref<50048x32xf32, #tpu.memory_space<vmem_shared>>) offsets(%dma_start3A_179 : memref<128xi32, #tpu.memory_space<vmem>>) semaphore(%arg11 : memref<!tpu.dma_semaphore, #tpu.memory_space<semaphore_mem>>) {add = true}
      %dma_wait3A_183 = arith.constant 3 : i32
      %dma_wait3A_184 = arith.constant 0 : i32
      %dma_wait3A_185 = arith.constant 384 : i32
      %dma_wait3A_186 = arith.constant 0 : i32
      %dma_wait3A_187 = tpu.memref_slice %arg9[%dma_wait3A_185, %dma_wait3A_186] : memref<896x32xf32, #tpu.memory_space<vmem>> -> memref<128x32xf32, #tpu.memory_space<vmem>>
      %dma_wait3A_188 = arith.constant 0 : i32
      %dma_wait3A_189 = tpu.memref_slice %arg8[%dma_wait3A_183, %dma_wait3A_184, %dma_wait3A_188] : memref<7x2x128xi32, #tpu.memory_space<vmem>> -> memref<1x1x128xi32, #tpu.memory_space<vmem>>
      %dma_wait3A_190 = tpu.memref_squeeze %dma_wait3A_189 : memref<1x1x128xi32, #tpu.memory_space<vmem>> -> memref<128xi32, #tpu.memory_space<vmem>>
      %dma_wait3A_191 = arith.constant 0 : i32
      %dma_wait3A_192 = arith.constant 0 : i32
      %dma_wait3A_193 = tpu.memref_slice %arg2[%dma_wait3A_191, %dma_wait3A_192] : memref<100096x32xf32, #tpu.memory_space<hbm>> -> memref<100096x32xf32, #tpu.memory_space<hbm>>
      tpu.wait_indirect_dma semaphore(%arg10 : memref<!tpu.dma_semaphore, #tpu.memory_space<semaphore_mem>>) src(%dma_wait3A_193 : memref<100096x32xf32, #tpu.memory_space<hbm>>) dst(%dma_wait3A_187 : memref<128x32xf32, #tpu.memory_space<vmem>>)
      %dma_start3A_194 = arith.constant 3 : i32
      %dma_start3A_195 = arith.constant 1 : i32
      %dma_start3A_196 = arith.constant 384 : i32
      %dma_start3A_197 = arith.constant 0 : i32
      %dma_start3A_198 = tpu.memref_slice %arg9[%dma_start3A_196, %dma_start3A_197] : memref<896x32xf32, #tpu.memory_space<vmem>> -> memref<128x32xf32, #tpu.memory_space<vmem>>
      %dma_start3A_199 = arith.constant 0 : i32
      %dma_start3A_200 = tpu.memref_slice %arg8[%dma_start3A_194, %dma_start3A_195, %dma_start3A_199] : memref<7x2x128xi32, #tpu.memory_space<vmem>> -> memref<1x1x128xi32, #tpu.memory_space<vmem>>
      %dma_start3A_201 = tpu.memref_squeeze %dma_start3A_200 : memref<1x1x128xi32, #tpu.memory_space<vmem>> -> memref<128xi32, #tpu.memory_space<vmem>>
      %dma_start3A_202 = arith.constant 0 : i32
      %dma_start3A_203 = arith.constant 0 : i32
      %dma_start3A_204 = tpu.memref_slice %arg7[%dma_start3A_202, %dma_start3A_203] : memref<50048x32xf32, #tpu.memory_space<vmem_shared>> -> memref<50048x32xf32, #tpu.memory_space<vmem_shared>>
      tpu.enqueue_indirect_dma source(%dma_start3A_198 : memref<128x32xf32, #tpu.memory_space<vmem>>) target(%dma_start3A_204 : memref<50048x32xf32, #tpu.memory_space<vmem_shared>>) offsets(%dma_start3A_201 : memref<128xi32, #tpu.memory_space<vmem>>) semaphore(%arg11 : memref<!tpu.dma_semaphore, #tpu.memory_space<semaphore_mem>>) {add = true}
      %dma_wait3A_205 = arith.constant 4 : i32
      %dma_wait3A_206 = arith.constant 0 : i32
      %dma_wait3A_207 = arith.constant 512 : i32
      %dma_wait3A_208 = arith.constant 0 : i32
      %dma_wait3A_209 = tpu.memref_slice %arg9[%dma_wait3A_207, %dma_wait3A_208] : memref<896x32xf32, #tpu.memory_space<vmem>> -> memref<128x32xf32, #tpu.memory_space<vmem>>
      %dma_wait3A_210 = arith.constant 0 : i32
      %dma_wait3A_211 = tpu.memref_slice %arg8[%dma_wait3A_205, %dma_wait3A_206, %dma_wait3A_210] : memref<7x2x128xi32, #tpu.memory_space<vmem>> -> memref<1x1x128xi32, #tpu.memory_space<vmem>>
      %dma_wait3A_212 = tpu.memref_squeeze %dma_wait3A_211 : memref<1x1x128xi32, #tpu.memory_space<vmem>> -> memref<128xi32, #tpu.memory_space<vmem>>
      %dma_wait3A_213 = arith.constant 0 : i32
      %dma_wait3A_214 = arith.constant 0 : i32
      %dma_wait3A_215 = tpu.memref_slice %arg2[%dma_wait3A_213, %dma_wait3A_214] : memref<100096x32xf32, #tpu.memory_space<hbm>> -> memref<100096x32xf32, #tpu.memory_space<hbm>>
      tpu.wait_indirect_dma semaphore(%arg10 : memref<!tpu.dma_semaphore, #tpu.memory_space<semaphore_mem>>) src(%dma_wait3A_215 : memref<100096x32xf32, #tpu.memory_space<hbm>>) dst(%dma_wait3A_209 : memref<128x32xf32, #tpu.memory_space<vmem>>)
      %dma_start3A_216 = arith.constant 4 : i32
      %dma_start3A_217 = arith.constant 1 : i32
      %dma_start3A_218 = arith.constant 512 : i32
      %dma_start3A_219 = arith.constant 0 : i32
      %dma_start3A_220 = tpu.memref_slice %arg9[%dma_start3A_218, %dma_start3A_219] : memref<896x32xf32, #tpu.memory_space<vmem>> -> memref<128x32xf32, #tpu.memory_space<vmem>>
      %dma_start3A_221 = arith.constant 0 : i32
      %dma_start3A_222 = tpu.memref_slice %arg8[%dma_start3A_216, %dma_start3A_217, %dma_start3A_221] : memref<7x2x128xi32, #tpu.memory_space<vmem>> -> memref<1x1x128xi32, #tpu.memory_space<vmem>>
      %dma_start3A_223 = tpu.memref_squeeze %dma_start3A_222 : memref<1x1x128xi32, #tpu.memory_space<vmem>> -> memref<128xi32, #tpu.memory_space<vmem>>
      %dma_start3A_224 = arith.constant 0 : i32
      %dma_start3A_225 = arith.constant 0 : i32
      %dma_start3A_226 = tpu.memref_slice %arg7[%dma_start3A_224, %dma_start3A_225] : memref<50048x32xf32, #tpu.memory_space<vmem_shared>> -> memref<50048x32xf32, #tpu.memory_space<vmem_shared>>
      tpu.enqueue_indirect_dma source(%dma_start3A_220 : memref<128x32xf32, #tpu.memory_space<vmem>>) target(%dma_start3A_226 : memref<50048x32xf32, #tpu.memory_space<vmem_shared>>) offsets(%dma_start3A_223 : memref<128xi32, #tpu.memory_space<vmem>>) semaphore(%arg11 : memref<!tpu.dma_semaphore, #tpu.memory_space<semaphore_mem>>) {add = true}
      %dma_wait3A_227 = arith.constant 5 : i32
      %dma_wait3A_228 = arith.constant 0 : i32
      %dma_wait3A_229 = arith.constant 640 : i32
      %dma_wait3A_230 = arith.constant 0 : i32
      %dma_wait3A_231 = tpu.memref_slice %arg9[%dma_wait3A_229, %dma_wait3A_230] : memref<896x32xf32, #tpu.memory_space<vmem>> -> memref<128x32xf32, #tpu.memory_space<vmem>>
      %dma_wait3A_232 = arith.constant 0 : i32
      %dma_wait3A_233 = tpu.memref_slice %arg8[%dma_wait3A_227, %dma_wait3A_228, %dma_wait3A_232] : memref<7x2x128xi32, #tpu.memory_space<vmem>> -> memref<1x1x128xi32, #tpu.memory_space<vmem>>
      %dma_wait3A_234 = tpu.memref_squeeze %dma_wait3A_233 : memref<1x1x128xi32, #tpu.memory_space<vmem>> -> memref<128xi32, #tpu.memory_space<vmem>>
      %dma_wait3A_235 = arith.constant 0 : i32
      %dma_wait3A_236 = arith.constant 0 : i32
      %dma_wait3A_237 = tpu.memref_slice %arg2[%dma_wait3A_235, %dma_wait3A_236] : memref<100096x32xf32, #tpu.memory_space<hbm>> -> memref<100096x32xf32, #tpu.memory_space<hbm>>
      tpu.wait_indirect_dma semaphore(%arg10 : memref<!tpu.dma_semaphore, #tpu.memory_space<semaphore_mem>>) src(%dma_wait3A_237 : memref<100096x32xf32, #tpu.memory_space<hbm>>) dst(%dma_wait3A_231 : memref<128x32xf32, #tpu.memory_space<vmem>>)
      %dma_start3A_238 = arith.constant 5 : i32
      %dma_start3A_239 = arith.constant 1 : i32
      %dma_start3A_240 = arith.constant 640 : i32
      %dma_start3A_241 = arith.constant 0 : i32
      %dma_start3A_242 = tpu.memref_slice %arg9[%dma_start3A_240, %dma_start3A_241] : memref<896x32xf32, #tpu.memory_space<vmem>> -> memref<128x32xf32, #tpu.memory_space<vmem>>
      %dma_start3A_243 = arith.constant 0 : i32
      %dma_start3A_244 = tpu.memref_slice %arg8[%dma_start3A_238, %dma_start3A_239, %dma_start3A_243] : memref<7x2x128xi32, #tpu.memory_space<vmem>> -> memref<1x1x128xi32, #tpu.memory_space<vmem>>
      %dma_start3A_245 = tpu.memref_squeeze %dma_start3A_244 : memref<1x1x128xi32, #tpu.memory_space<vmem>> -> memref<128xi32, #tpu.memory_space<vmem>>
      %dma_start3A_246 = arith.constant 0 : i32
      %dma_start3A_247 = arith.constant 0 : i32
      %dma_start3A_248 = tpu.memref_slice %arg7[%dma_start3A_246, %dma_start3A_247] : memref<50048x32xf32, #tpu.memory_space<vmem_shared>> -> memref<50048x32xf32, #tpu.memory_space<vmem_shared>>
      tpu.enqueue_indirect_dma source(%dma_start3A_242 : memref<128x32xf32, #tpu.memory_space<vmem>>) target(%dma_start3A_248 : memref<50048x32xf32, #tpu.memory_space<vmem_shared>>) offsets(%dma_start3A_245 : memref<128xi32, #tpu.memory_space<vmem>>) semaphore(%arg11 : memref<!tpu.dma_semaphore, #tpu.memory_space<semaphore_mem>>) {add = true}
      %dma_wait3A_249 = arith.constant 6 : i32
      %dma_wait3A_250 = arith.constant 0 : i32
      %dma_wait3A_251 = arith.constant 768 : i32
      %dma_wait3A_252 = arith.constant 0 : i32
      %dma_wait3A_253 = tpu.memref_slice %arg9[%dma_wait3A_251, %dma_wait3A_252] : memref<896x32xf32, #tpu.memory_space<vmem>> -> memref<128x32xf32, #tpu.memory_space<vmem>>
      %dma_wait3A_254 = arith.constant 0 : i32
      %dma_wait3A_255 = tpu.memref_slice %arg8[%dma_wait3A_249, %dma_wait3A_250, %dma_wait3A_254] : memref<7x2x128xi32, #tpu.memory_space<vmem>> -> memref<1x1x128xi32, #tpu.memory_space<vmem>>
      %dma_wait3A_256 = tpu.memref_squeeze %dma_wait3A_255 : memref<1x1x128xi32, #tpu.memory_space<vmem>> -> memref<128xi32, #tpu.memory_space<vmem>>
      %dma_wait3A_257 = arith.constant 0 : i32
      %dma_wait3A_258 = arith.constant 0 : i32
      %dma_wait3A_259 = tpu.memref_slice %arg2[%dma_wait3A_257, %dma_wait3A_258] : memref<100096x32xf32, #tpu.memory_space<hbm>> -> memref<100096x32xf32, #tpu.memory_space<hbm>>
      tpu.wait_indirect_dma semaphore(%arg10 : memref<!tpu.dma_semaphore, #tpu.memory_space<semaphore_mem>>) src(%dma_wait3A_259 : memref<100096x32xf32, #tpu.memory_space<hbm>>) dst(%dma_wait3A_253 : memref<128x32xf32, #tpu.memory_space<vmem>>)
      %dma_start3A_260 = arith.constant 6 : i32
      %dma_start3A_261 = arith.constant 1 : i32
      %dma_start3A_262 = arith.constant 768 : i32
      %dma_start3A_263 = arith.constant 0 : i32
      %dma_start3A_264 = tpu.memref_slice %arg9[%dma_start3A_262, %dma_start3A_263] : memref<896x32xf32, #tpu.memory_space<vmem>> -> memref<128x32xf32, #tpu.memory_space<vmem>>
      %dma_start3A_265 = arith.constant 0 : i32
      %dma_start3A_266 = tpu.memref_slice %arg8[%dma_start3A_260, %dma_start3A_261, %dma_start3A_265] : memref<7x2x128xi32, #tpu.memory_space<vmem>> -> memref<1x1x128xi32, #tpu.memory_space<vmem>>
      %dma_start3A_267 = tpu.memref_squeeze %dma_start3A_266 : memref<1x1x128xi32, #tpu.memory_space<vmem>> -> memref<128xi32, #tpu.memory_space<vmem>>
      %dma_start3A_268 = arith.constant 0 : i32
      %dma_start3A_269 = arith.constant 0 : i32
      %dma_start3A_270 = tpu.memref_slice %arg7[%dma_start3A_268, %dma_start3A_269] : memref<50048x32xf32, #tpu.memory_space<vmem_shared>> -> memref<50048x32xf32, #tpu.memory_space<vmem_shared>>
      tpu.enqueue_indirect_dma source(%dma_start3A_264 : memref<128x32xf32, #tpu.memory_space<vmem>>) target(%dma_start3A_270 : memref<50048x32xf32, #tpu.memory_space<vmem_shared>>) offsets(%dma_start3A_267 : memref<128xi32, #tpu.memory_space<vmem>>) semaphore(%arg11 : memref<!tpu.dma_semaphore, #tpu.memory_space<semaphore_mem>>) {add = true}
      %dma_wait3A_271 = arith.constant 0 : i32
      %dma_wait3A_272 = arith.constant 1 : i32
      %dma_wait3A_273 = arith.constant 0 : i32
      %dma_wait3A_274 = arith.constant 0 : i32
      %dma_wait3A_275 = tpu.memref_slice %arg9[%dma_wait3A_273, %dma_wait3A_274] : memref<896x32xf32, #tpu.memory_space<vmem>> -> memref<128x32xf32, #tpu.memory_space<vmem>>
      %dma_wait3A_276 = arith.constant 0 : i32
      %dma_wait3A_277 = tpu.memref_slice %arg8[%dma_wait3A_271, %dma_wait3A_272, %dma_wait3A_276] : memref<7x2x128xi32, #tpu.memory_space<vmem>> -> memref<1x1x128xi32, #tpu.memory_space<vmem>>
      %dma_wait3A_278 = tpu.memref_squeeze %dma_wait3A_277 : memref<1x1x128xi32, #tpu.memory_space<vmem>> -> memref<128xi32, #tpu.memory_space<vmem>>
      %dma_wait3A_279 = arith.constant 0 : i32
      %dma_wait3A_280 = arith.constant 0 : i32
      %dma_wait3A_281 = tpu.memref_slice %arg7[%dma_wait3A_279, %dma_wait3A_280] : memref<50048x32xf32, #tpu.memory_space<vmem_shared>> -> memref<50048x32xf32, #tpu.memory_space<vmem_shared>>
      tpu.wait_indirect_dma semaphore(%arg11 : memref<!tpu.dma_semaphore, #tpu.memory_space<semaphore_mem>>) src(%dma_wait3A_275 : memref<128x32xf32, #tpu.memory_space<vmem>>) dst(%dma_wait3A_281 : memref<50048x32xf32, #tpu.memory_space<vmem_shared>>)
      %dma_wait3A_282 = arith.constant 1 : i32
      %dma_wait3A_283 = arith.constant 1 : i32
      %dma_wait3A_284 = arith.constant 128 : i32
      %dma_wait3A_285 = arith.constant 0 : i32
      %dma_wait3A_286 = tpu.memref_slice %arg9[%dma_wait3A_284, %dma_wait3A_285] : memref<896x32xf32, #tpu.memory_space<vmem>> -> memref<128x32xf32, #tpu.memory_space<vmem>>
      %dma_wait3A_287 = arith.constant 0 : i32
      %dma_wait3A_288 = tpu.memref_slice %arg8[%dma_wait3A_282, %dma_wait3A_283, %dma_wait3A_287] : memref<7x2x128xi32, #tpu.memory_space<vmem>> -> memref<1x1x128xi32, #tpu.memory_space<vmem>>
      %dma_wait3A_289 = tpu.memref_squeeze %dma_wait3A_288 : memref<1x1x128xi32, #tpu.memory_space<vmem>> -> memref<128xi32, #tpu.memory_space<vmem>>
      %dma_wait3A_290 = arith.constant 0 : i32
      %dma_wait3A_291 = arith.constant 0 : i32
      %dma_wait3A_292 = tpu.memref_slice %arg7[%dma_wait3A_290, %dma_wait3A_291] : memref<50048x32xf32, #tpu.memory_space<vmem_shared>> -> memref<50048x32xf32, #tpu.memory_space<vmem_shared>>
      tpu.wait_indirect_dma semaphore(%arg11 : memref<!tpu.dma_semaphore, #tpu.memory_space<semaphore_mem>>) src(%dma_wait3A_286 : memref<128x32xf32, #tpu.memory_space<vmem>>) dst(%dma_wait3A_292 : memref<50048x32xf32, #tpu.memory_space<vmem_shared>>)
      %dma_wait3A_293 = arith.constant 2 : i32
      %dma_wait3A_294 = arith.constant 1 : i32
      %dma_wait3A_295 = arith.constant 256 : i32
      %dma_wait3A_296 = arith.constant 0 : i32
      %dma_wait3A_297 = tpu.memref_slice %arg9[%dma_wait3A_295, %dma_wait3A_296] : memref<896x32xf32, #tpu.memory_space<vmem>> -> memref<128x32xf32, #tpu.memory_space<vmem>>
      %dma_wait3A_298 = arith.constant 0 : i32
      %dma_wait3A_299 = tpu.memref_slice %arg8[%dma_wait3A_293, %dma_wait3A_294, %dma_wait3A_298] : memref<7x2x128xi32, #tpu.memory_space<vmem>> -> memref<1x1x128xi32, #tpu.memory_space<vmem>>
      %dma_wait3A_300 = tpu.memref_squeeze %dma_wait3A_299 : memref<1x1x128xi32, #tpu.memory_space<vmem>> -> memref<128xi32, #tpu.memory_space<vmem>>
      %dma_wait3A_301 = arith.constant 0 : i32
      %dma_wait3A_302 = arith.constant 0 : i32
      %dma_wait3A_303 = tpu.memref_slice %arg7[%dma_wait3A_301, %dma_wait3A_302] : memref<50048x32xf32, #tpu.memory_space<vmem_shared>> -> memref<50048x32xf32, #tpu.memory_space<vmem_shared>>
      tpu.wait_indirect_dma semaphore(%arg11 : memref<!tpu.dma_semaphore, #tpu.memory_space<semaphore_mem>>) src(%dma_wait3A_297 : memref<128x32xf32, #tpu.memory_space<vmem>>) dst(%dma_wait3A_303 : memref<50048x32xf32, #tpu.memory_space<vmem_shared>>)
      %dma_wait3A_304 = arith.constant 3 : i32
      %dma_wait3A_305 = arith.constant 1 : i32
      %dma_wait3A_306 = arith.constant 384 : i32
      %dma_wait3A_307 = arith.constant 0 : i32
      %dma_wait3A_308 = tpu.memref_slice %arg9[%dma_wait3A_306, %dma_wait3A_307] : memref<896x32xf32, #tpu.memory_space<vmem>> -> memref<128x32xf32, #tpu.memory_space<vmem>>
      %dma_wait3A_309 = arith.constant 0 : i32
      %dma_wait3A_310 = tpu.memref_slice %arg8[%dma_wait3A_304, %dma_wait3A_305, %dma_wait3A_309] : memref<7x2x128xi32, #tpu.memory_space<vmem>> -> memref<1x1x128xi32, #tpu.memory_space<vmem>>
      %dma_wait3A_311 = tpu.memref_squeeze %dma_wait3A_310 : memref<1x1x128xi32, #tpu.memory_space<vmem>> -> memref<128xi32, #tpu.memory_space<vmem>>
      %dma_wait3A_312 = arith.constant 0 : i32
      %dma_wait3A_313 = arith.constant 0 : i32
      %dma_wait3A_314 = tpu.memref_slice %arg7[%dma_wait3A_312, %dma_wait3A_313] : memref<50048x32xf32, #tpu.memory_space<vmem_shared>> -> memref<50048x32xf32, #tpu.memory_space<vmem_shared>>
      tpu.wait_indirect_dma semaphore(%arg11 : memref<!tpu.dma_semaphore, #tpu.memory_space<semaphore_mem>>) src(%dma_wait3A_308 : memref<128x32xf32, #tpu.memory_space<vmem>>) dst(%dma_wait3A_314 : memref<50048x32xf32, #tpu.memory_space<vmem_shared>>)
      %dma_wait3A_315 = arith.constant 4 : i32
      %dma_wait3A_316 = arith.constant 1 : i32
      %dma_wait3A_317 = arith.constant 512 : i32
      %dma_wait3A_318 = arith.constant 0 : i32
      %dma_wait3A_319 = tpu.memref_slice %arg9[%dma_wait3A_317, %dma_wait3A_318] : memref<896x32xf32, #tpu.memory_space<vmem>> -> memref<128x32xf32, #tpu.memory_space<vmem>>
      %dma_wait3A_320 = arith.constant 0 : i32
      %dma_wait3A_321 = tpu.memref_slice %arg8[%dma_wait3A_315, %dma_wait3A_316, %dma_wait3A_320] : memref<7x2x128xi32, #tpu.memory_space<vmem>> -> memref<1x1x128xi32, #tpu.memory_space<vmem>>
      %dma_wait3A_322 = tpu.memref_squeeze %dma_wait3A_321 : memref<1x1x128xi32, #tpu.memory_space<vmem>> -> memref<128xi32, #tpu.memory_space<vmem>>
      %dma_wait3A_323 = arith.constant 0 : i32
      %dma_wait3A_324 = arith.constant 0 : i32
      %dma_wait3A_325 = tpu.memref_slice %arg7[%dma_wait3A_323, %dma_wait3A_324] : memref<50048x32xf32, #tpu.memory_space<vmem_shared>> -> memref<50048x32xf32, #tpu.memory_space<vmem_shared>>
      tpu.wait_indirect_dma semaphore(%arg11 : memref<!tpu.dma_semaphore, #tpu.memory_space<semaphore_mem>>) src(%dma_wait3A_319 : memref<128x32xf32, #tpu.memory_space<vmem>>) dst(%dma_wait3A_325 : memref<50048x32xf32, #tpu.memory_space<vmem_shared>>)
      %dma_wait3A_326 = arith.constant 5 : i32
      %dma_wait3A_327 = arith.constant 1 : i32
      %dma_wait3A_328 = arith.constant 640 : i32
      %dma_wait3A_329 = arith.constant 0 : i32
      %dma_wait3A_330 = tpu.memref_slice %arg9[%dma_wait3A_328, %dma_wait3A_329] : memref<896x32xf32, #tpu.memory_space<vmem>> -> memref<128x32xf32, #tpu.memory_space<vmem>>
      %dma_wait3A_331 = arith.constant 0 : i32
      %dma_wait3A_332 = tpu.memref_slice %arg8[%dma_wait3A_326, %dma_wait3A_327, %dma_wait3A_331] : memref<7x2x128xi32, #tpu.memory_space<vmem>> -> memref<1x1x128xi32, #tpu.memory_space<vmem>>
      %dma_wait3A_333 = tpu.memref_squeeze %dma_wait3A_332 : memref<1x1x128xi32, #tpu.memory_space<vmem>> -> memref<128xi32, #tpu.memory_space<vmem>>
      %dma_wait3A_334 = arith.constant 0 : i32
      %dma_wait3A_335 = arith.constant 0 : i32
      %dma_wait3A_336 = tpu.memref_slice %arg7[%dma_wait3A_334, %dma_wait3A_335] : memref<50048x32xf32, #tpu.memory_space<vmem_shared>> -> memref<50048x32xf32, #tpu.memory_space<vmem_shared>>
      tpu.wait_indirect_dma semaphore(%arg11 : memref<!tpu.dma_semaphore, #tpu.memory_space<semaphore_mem>>) src(%dma_wait3A_330 : memref<128x32xf32, #tpu.memory_space<vmem>>) dst(%dma_wait3A_336 : memref<50048x32xf32, #tpu.memory_space<vmem_shared>>)
      %dma_wait3A_337 = arith.constant 6 : i32
      %dma_wait3A_338 = arith.constant 1 : i32
      %dma_wait3A_339 = arith.constant 768 : i32
      %dma_wait3A_340 = arith.constant 0 : i32
      %dma_wait3A_341 = tpu.memref_slice %arg9[%dma_wait3A_339, %dma_wait3A_340] : memref<896x32xf32, #tpu.memory_space<vmem>> -> memref<128x32xf32, #tpu.memory_space<vmem>>
      %dma_wait3A_342 = arith.constant 0 : i32
      %dma_wait3A_343 = tpu.memref_slice %arg8[%dma_wait3A_337, %dma_wait3A_338, %dma_wait3A_342] : memref<7x2x128xi32, #tpu.memory_space<vmem>> -> memref<1x1x128xi32, #tpu.memory_space<vmem>>
      %dma_wait3A_344 = tpu.memref_squeeze %dma_wait3A_343 : memref<1x1x128xi32, #tpu.memory_space<vmem>> -> memref<128xi32, #tpu.memory_space<vmem>>
      %dma_wait3A_345 = arith.constant 0 : i32
      %dma_wait3A_346 = arith.constant 0 : i32
      %dma_wait3A_347 = tpu.memref_slice %arg7[%dma_wait3A_345, %dma_wait3A_346] : memref<50048x32xf32, #tpu.memory_space<vmem_shared>> -> memref<50048x32xf32, #tpu.memory_space<vmem_shared>>
      tpu.wait_indirect_dma semaphore(%arg11 : memref<!tpu.dma_semaphore, #tpu.memory_space<semaphore_mem>>) src(%dma_wait3A_341 : memref<128x32xf32, #tpu.memory_space<vmem>>) dst(%dma_wait3A_347 : memref<50048x32xf32, #tpu.memory_space<vmem_shared>>)
    }
    %scan3A_9 = arith.constant 14 : i32
    %barrier3A_10 = arith.constant 0 : index
    tpu.barrier barrier_id(%barrier3A_10)
    %mul3A_11 = arith.constant 3128 : i32
    %mul3A_12 = arith.muli %arg1, %mul3A_11 : i32
    %mul3A_13 = arith.constant 50048 : i32
    %mul3A_14 = arith.muli %arg0, %mul3A_13 : i32
    %mul3A_15 = arith.constant 3128 : i32
    %mul3A_16 = arith.muli %arg1, %mul3A_15 : i32
    %add3A_17 = arith.addi %mul3A_14, %mul3A_16 : i32
    "tpu.region"() ({
      %run_scoped3A = tpu.sem_alloc : memref<!tpu.dma_semaphore, #tpu.memory_space<semaphore_mem>>
      %dma_start3A = arith.constant 0 : i32
      %dma_start3A_33 = tpu.memref_slice %arg6[%add3A_17, %dma_start3A] : memref<100096x32xf32, #tpu.memory_space<hbm>> -> memref<3128x32xf32, #tpu.memory_space<hbm>>
      %dma_start3A_34 = arith.constant 0 : i32
      %dma_start3A_35 = tpu.memref_slice %arg7[%mul3A_12, %dma_start3A_34] : memref<50048x32xf32, #tpu.memory_space<vmem_shared>> -> memref<3128x32xf32, #tpu.memory_space<vmem_shared>>
      tpu.enqueue_dma source(%dma_start3A_35 : memref<3128x32xf32, #tpu.memory_space<vmem_shared>>) target(%dma_start3A_33 : memref<3128x32xf32, #tpu.memory_space<hbm>>) target_semaphore(%run_scoped3A : memref<!tpu.dma_semaphore, #tpu.memory_space<semaphore_mem>>)
      %dma_wait3A = arith.constant 0 : i32
      %dma_wait3A_36 = tpu.memref_slice %arg6[%add3A_17, %dma_wait3A] : memref<100096x32xf32, #tpu.memory_space<hbm>> -> memref<3128x32xf32, #tpu.memory_space<hbm>>
      %dma_wait3A_37 = arith.constant 0 : i32
      %dma_wait3A_38 = tpu.memref_slice %arg7[%mul3A_12, %dma_wait3A_37] : memref<50048x32xf32, #tpu.memory_space<vmem_shared>> -> memref<3128x32xf32, #tpu.memory_space<vmem_shared>>
      tpu.wait_dma2 semaphore(%run_scoped3A : memref<!tpu.dma_semaphore, #tpu.memory_space<semaphore_mem>>) src(%dma_wait3A_38 : memref<3128x32xf32, #tpu.memory_space<vmem_shared>>) dst(%dma_wait3A_36 : memref<3128x32xf32, #tpu.memory_space<hbm>>)
      tpu.yield
    }) : () -> ()
    %barrier3A_18 = arith.constant 0 : index
    tpu.barrier barrier_id(%barrier3A_18)
    %scan3A_19 = arith.constant 0 : i32
    %scan3A_20 = arith.constant 0 : i32
    %scan3A_21 = arith.constant 14 : i32
    %scan3A_22 = arith.addi %scan3A_20, %scan3A_21 : i32
    %scan3A_23 = arith.constant 1 : i32
    scf.for %scan3A_33 = %scan3A_20 to %scan3A_22 step %scan3A_23  : i32 {
      %mul3A_34 = arith.constant 98 : i32
      %mul3A_35 = arith.muli %arg1, %mul3A_34 : i32
      %mul3A_36 = arith.constant 7 : i32
      %mul3A_37 = arith.muli %scan3A_33, %mul3A_36 : i32
      %add3A_38 = arith.addi %mul3A_35, %mul3A_37 : i32
      %mul3A_39 = arith.constant 1568 : i32
      %mul3A_40 = arith.muli %arg0, %mul3A_39 : i32
      %add3A_41 = arith.addi %mul3A_40, %add3A_38 : i32
      "tpu.region"() ({
        %run_scoped3A = tpu.sem_alloc : memref<!tpu.dma_semaphore, #tpu.memory_space<semaphore_mem>>
        %dma_start3A_348 = arith.constant 0 : i32
        %dma_start3A_349 = arith.constant 0 : i32
        %dma_start3A_350 = tpu.memref_slice %arg4[%add3A_41, %dma_start3A_348, %dma_start3A_349] : memref<3136x2x128xi32, #tpu.memory_space<hbm>> -> memref<7x2x128xi32, #tpu.memory_space<hbm>>
        %dma_start3A_351 = arith.constant 0 : i32
        %dma_start3A_352 = arith.constant 0 : i32
        %dma_start3A_353 = tpu.memref_slice %arg4[%add3A_41, %dma_start3A_351, %dma_start3A_352] : memref<3136x2x128xi32, #tpu.memory_space<hbm>> -> memref<7x2x128xi32, #tpu.memory_space<hbm>>
        tpu.enqueue_dma source(%dma_start3A_353 : memref<7x2x128xi32, #tpu.memory_space<hbm>>) target(%arg8 : memref<7x2x128xi32, #tpu.memory_space<vmem>>) target_semaphore(%run_scoped3A : memref<!tpu.dma_semaphore, #tpu.memory_space<semaphore_mem>>)
        %dma_wait3A_354 = arith.constant 0 : i32
        %dma_wait3A_355 = arith.constant 0 : i32
        %dma_wait3A_356 = tpu.memref_slice %arg4[%add3A_41, %dma_wait3A_354, %dma_wait3A_355] : memref<3136x2x128xi32, #tpu.memory_space<hbm>> -> memref<7x2x128xi32, #tpu.memory_space<hbm>>
        %dma_wait3A_357 = arith.constant 0 : i32
        %dma_wait3A_358 = arith.constant 0 : i32
        %dma_wait3A_359 = tpu.memref_slice %arg4[%add3A_41, %dma_wait3A_357, %dma_wait3A_358] : memref<3136x2x128xi32, #tpu.memory_space<hbm>> -> memref<7x2x128xi32, #tpu.memory_space<hbm>>
        tpu.wait_dma2 semaphore(%run_scoped3A : memref<!tpu.dma_semaphore, #tpu.memory_space<semaphore_mem>>) src(%dma_wait3A_359 : memref<7x2x128xi32, #tpu.memory_space<hbm>>) dst(%arg8 : memref<7x2x128xi32, #tpu.memory_space<vmem>>)
        tpu.yield
      }) : () -> ()
      %dma_start3A = arith.constant 0 : i32
      %dma_start3A_42 = arith.constant 0 : i32
      %dma_start3A_43 = arith.constant 0 : i32
      %dma_start3A_44 = arith.constant 0 : i32
      %dma_start3A_45 = tpu.memref_slice %arg9[%dma_start3A_43, %dma_start3A_44] : memref<896x32xf32, #tpu.memory_space<vmem>> -> memref<128x32xf32, #tpu.memory_space<vmem>>
      %dma_start3A_46 = arith.constant 0 : i32
      %dma_start3A_47 = tpu.memref_slice %arg8[%dma_start3A, %dma_start3A_42, %dma_start3A_46] : memref<7x2x128xi32, #tpu.memory_space<vmem>> -> memref<1x1x128xi32, #tpu.memory_space<vmem>>
      %dma_start3A_48 = tpu.memref_squeeze %dma_start3A_47 : memref<1x1x128xi32, #tpu.memory_space<vmem>> -> memref<128xi32, #tpu.memory_space<vmem>>
      %dma_start3A_49 = arith.constant 0 : i32
      %dma_start3A_50 = arith.constant 0 : i32
      %dma_start3A_51 = tpu.memref_slice %arg6[%dma_start3A_49, %dma_start3A_50] : memref<100096x32xf32, #tpu.memory_space<hbm>> -> memref<100096x32xf32, #tpu.memory_space<hbm>>
      tpu.enqueue_indirect_dma source(%dma_start3A_51 : memref<100096x32xf32, #tpu.memory_space<hbm>>) target(%dma_start3A_45 : memref<128x32xf32, #tpu.memory_space<vmem>>) offsets(%dma_start3A_48 : memref<128xi32, #tpu.memory_space<vmem>>) semaphore(%arg10 : memref<!tpu.dma_semaphore, #tpu.memory_space<semaphore_mem>>)
      %dma_start3A_52 = arith.constant 1 : i32
      %dma_start3A_53 = arith.constant 0 : i32
      %dma_start3A_54 = arith.constant 128 : i32
      %dma_start3A_55 = arith.constant 0 : i32
      %dma_start3A_56 = tpu.memref_slice %arg9[%dma_start3A_54, %dma_start3A_55] : memref<896x32xf32, #tpu.memory_space<vmem>> -> memref<128x32xf32, #tpu.memory_space<vmem>>
      %dma_start3A_57 = arith.constant 0 : i32
      %dma_start3A_58 = tpu.memref_slice %arg8[%dma_start3A_52, %dma_start3A_53, %dma_start3A_57] : memref<7x2x128xi32, #tpu.memory_space<vmem>> -> memref<1x1x128xi32, #tpu.memory_space<vmem>>
      %dma_start3A_59 = tpu.memref_squeeze %dma_start3A_58 : memref<1x1x128xi32, #tpu.memory_space<vmem>> -> memref<128xi32, #tpu.memory_space<vmem>>
      %dma_start3A_60 = arith.constant 0 : i32
      %dma_start3A_61 = arith.constant 0 : i32
      %dma_start3A_62 = tpu.memref_slice %arg6[%dma_start3A_60, %dma_start3A_61] : memref<100096x32xf32, #tpu.memory_space<hbm>> -> memref<100096x32xf32, #tpu.memory_space<hbm>>
      tpu.enqueue_indirect_dma source(%dma_start3A_62 : memref<100096x32xf32, #tpu.memory_space<hbm>>) target(%dma_start3A_56 : memref<128x32xf32, #tpu.memory_space<vmem>>) offsets(%dma_start3A_59 : memref<128xi32, #tpu.memory_space<vmem>>) semaphore(%arg10 : memref<!tpu.dma_semaphore, #tpu.memory_space<semaphore_mem>>)
      %dma_start3A_63 = arith.constant 2 : i32
      %dma_start3A_64 = arith.constant 0 : i32
      %dma_start3A_65 = arith.constant 256 : i32
      %dma_start3A_66 = arith.constant 0 : i32
      %dma_start3A_67 = tpu.memref_slice %arg9[%dma_start3A_65, %dma_start3A_66] : memref<896x32xf32, #tpu.memory_space<vmem>> -> memref<128x32xf32, #tpu.memory_space<vmem>>
      %dma_start3A_68 = arith.constant 0 : i32
      %dma_start3A_69 = tpu.memref_slice %arg8[%dma_start3A_63, %dma_start3A_64, %dma_start3A_68] : memref<7x2x128xi32, #tpu.memory_space<vmem>> -> memref<1x1x128xi32, #tpu.memory_space<vmem>>
      %dma_start3A_70 = tpu.memref_squeeze %dma_start3A_69 : memref<1x1x128xi32, #tpu.memory_space<vmem>> -> memref<128xi32, #tpu.memory_space<vmem>>
      %dma_start3A_71 = arith.constant 0 : i32
      %dma_start3A_72 = arith.constant 0 : i32
      %dma_start3A_73 = tpu.memref_slice %arg6[%dma_start3A_71, %dma_start3A_72] : memref<100096x32xf32, #tpu.memory_space<hbm>> -> memref<100096x32xf32, #tpu.memory_space<hbm>>
      tpu.enqueue_indirect_dma source(%dma_start3A_73 : memref<100096x32xf32, #tpu.memory_space<hbm>>) target(%dma_start3A_67 : memref<128x32xf32, #tpu.memory_space<vmem>>) offsets(%dma_start3A_70 : memref<128xi32, #tpu.memory_space<vmem>>) semaphore(%arg10 : memref<!tpu.dma_semaphore, #tpu.memory_space<semaphore_mem>>)
      %dma_start3A_74 = arith.constant 3 : i32
      %dma_start3A_75 = arith.constant 0 : i32
      %dma_start3A_76 = arith.constant 384 : i32
      %dma_start3A_77 = arith.constant 0 : i32
      %dma_start3A_78 = tpu.memref_slice %arg9[%dma_start3A_76, %dma_start3A_77] : memref<896x32xf32, #tpu.memory_space<vmem>> -> memref<128x32xf32, #tpu.memory_space<vmem>>
      %dma_start3A_79 = arith.constant 0 : i32
      %dma_start3A_80 = tpu.memref_slice %arg8[%dma_start3A_74, %dma_start3A_75, %dma_start3A_79] : memref<7x2x128xi32, #tpu.memory_space<vmem>> -> memref<1x1x128xi32, #tpu.memory_space<vmem>>
      %dma_start3A_81 = tpu.memref_squeeze %dma_start3A_80 : memref<1x1x128xi32, #tpu.memory_space<vmem>> -> memref<128xi32, #tpu.memory_space<vmem>>
      %dma_start3A_82 = arith.constant 0 : i32
      %dma_start3A_83 = arith.constant 0 : i32
      %dma_start3A_84 = tpu.memref_slice %arg6[%dma_start3A_82, %dma_start3A_83] : memref<100096x32xf32, #tpu.memory_space<hbm>> -> memref<100096x32xf32, #tpu.memory_space<hbm>>
      tpu.enqueue_indirect_dma source(%dma_start3A_84 : memref<100096x32xf32, #tpu.memory_space<hbm>>) target(%dma_start3A_78 : memref<128x32xf32, #tpu.memory_space<vmem>>) offsets(%dma_start3A_81 : memref<128xi32, #tpu.memory_space<vmem>>) semaphore(%arg10 : memref<!tpu.dma_semaphore, #tpu.memory_space<semaphore_mem>>)
      %dma_start3A_85 = arith.constant 4 : i32
      %dma_start3A_86 = arith.constant 0 : i32
      %dma_start3A_87 = arith.constant 512 : i32
      %dma_start3A_88 = arith.constant 0 : i32
      %dma_start3A_89 = tpu.memref_slice %arg9[%dma_start3A_87, %dma_start3A_88] : memref<896x32xf32, #tpu.memory_space<vmem>> -> memref<128x32xf32, #tpu.memory_space<vmem>>
      %dma_start3A_90 = arith.constant 0 : i32
      %dma_start3A_91 = tpu.memref_slice %arg8[%dma_start3A_85, %dma_start3A_86, %dma_start3A_90] : memref<7x2x128xi32, #tpu.memory_space<vmem>> -> memref<1x1x128xi32, #tpu.memory_space<vmem>>
      %dma_start3A_92 = tpu.memref_squeeze %dma_start3A_91 : memref<1x1x128xi32, #tpu.memory_space<vmem>> -> memref<128xi32, #tpu.memory_space<vmem>>
      %dma_start3A_93 = arith.constant 0 : i32
      %dma_start3A_94 = arith.constant 0 : i32
      %dma_start3A_95 = tpu.memref_slice %arg6[%dma_start3A_93, %dma_start3A_94] : memref<100096x32xf32, #tpu.memory_space<hbm>> -> memref<100096x32xf32, #tpu.memory_space<hbm>>
      tpu.enqueue_indirect_dma source(%dma_start3A_95 : memref<100096x32xf32, #tpu.memory_space<hbm>>) target(%dma_start3A_89 : memref<128x32xf32, #tpu.memory_space<vmem>>) offsets(%dma_start3A_92 : memref<128xi32, #tpu.memory_space<vmem>>) semaphore(%arg10 : memref<!tpu.dma_semaphore, #tpu.memory_space<semaphore_mem>>)
      %dma_start3A_96 = arith.constant 5 : i32
      %dma_start3A_97 = arith.constant 0 : i32
      %dma_start3A_98 = arith.constant 640 : i32
      %dma_start3A_99 = arith.constant 0 : i32
      %dma_start3A_100 = tpu.memref_slice %arg9[%dma_start3A_98, %dma_start3A_99] : memref<896x32xf32, #tpu.memory_space<vmem>> -> memref<128x32xf32, #tpu.memory_space<vmem>>
      %dma_start3A_101 = arith.constant 0 : i32
      %dma_start3A_102 = tpu.memref_slice %arg8[%dma_start3A_96, %dma_start3A_97, %dma_start3A_101] : memref<7x2x128xi32, #tpu.memory_space<vmem>> -> memref<1x1x128xi32, #tpu.memory_space<vmem>>
      %dma_start3A_103 = tpu.memref_squeeze %dma_start3A_102 : memref<1x1x128xi32, #tpu.memory_space<vmem>> -> memref<128xi32, #tpu.memory_space<vmem>>
      %dma_start3A_104 = arith.constant 0 : i32
      %dma_start3A_105 = arith.constant 0 : i32
      %dma_start3A_106 = tpu.memref_slice %arg6[%dma_start3A_104, %dma_start3A_105] : memref<100096x32xf32, #tpu.memory_space<hbm>> -> memref<100096x32xf32, #tpu.memory_space<hbm>>
      tpu.enqueue_indirect_dma source(%dma_start3A_106 : memref<100096x32xf32, #tpu.memory_space<hbm>>) target(%dma_start3A_100 : memref<128x32xf32, #tpu.memory_space<vmem>>) offsets(%dma_start3A_103 : memref<128xi32, #tpu.memory_space<vmem>>) semaphore(%arg10 : memref<!tpu.dma_semaphore, #tpu.memory_space<semaphore_mem>>)
      %dma_start3A_107 = arith.constant 6 : i32
      %dma_start3A_108 = arith.constant 0 : i32
      %dma_start3A_109 = arith.constant 768 : i32
      %dma_start3A_110 = arith.constant 0 : i32
      %dma_start3A_111 = tpu.memref_slice %arg9[%dma_start3A_109, %dma_start3A_110] : memref<896x32xf32, #tpu.memory_space<vmem>> -> memref<128x32xf32, #tpu.memory_space<vmem>>
      %dma_start3A_112 = arith.constant 0 : i32
      %dma_start3A_113 = tpu.memref_slice %arg8[%dma_start3A_107, %dma_start3A_108, %dma_start3A_112] : memref<7x2x128xi32, #tpu.memory_space<vmem>> -> memref<1x1x128xi32, #tpu.memory_space<vmem>>
      %dma_start3A_114 = tpu.memref_squeeze %dma_start3A_113 : memref<1x1x128xi32, #tpu.memory_space<vmem>> -> memref<128xi32, #tpu.memory_space<vmem>>
      %dma_start3A_115 = arith.constant 0 : i32
      %dma_start3A_116 = arith.constant 0 : i32
      %dma_start3A_117 = tpu.memref_slice %arg6[%dma_start3A_115, %dma_start3A_116] : memref<100096x32xf32, #tpu.memory_space<hbm>> -> memref<100096x32xf32, #tpu.memory_space<hbm>>
      tpu.enqueue_indirect_dma source(%dma_start3A_117 : memref<100096x32xf32, #tpu.memory_space<hbm>>) target(%dma_start3A_111 : memref<128x32xf32, #tpu.memory_space<vmem>>) offsets(%dma_start3A_114 : memref<128xi32, #tpu.memory_space<vmem>>) semaphore(%arg10 : memref<!tpu.dma_semaphore, #tpu.memory_space<semaphore_mem>>)
      %dma_wait3A = arith.constant 0 : i32
      %dma_wait3A_118 = arith.constant 0 : i32
      %dma_wait3A_119 = arith.constant 0 : i32
      %dma_wait3A_120 = arith.constant 0 : i32
      %dma_wait3A_121 = tpu.memref_slice %arg9[%dma_wait3A_119, %dma_wait3A_120] : memref<896x32xf32, #tpu.memory_space<vmem>> -> memref<128x32xf32, #tpu.memory_space<vmem>>
      %dma_wait3A_122 = arith.constant 0 : i32
      %dma_wait3A_123 = tpu.memref_slice %arg8[%dma_wait3A, %dma_wait3A_118, %dma_wait3A_122] : memref<7x2x128xi32, #tpu.memory_space<vmem>> -> memref<1x1x128xi32, #tpu.memory_space<vmem>>
      %dma_wait3A_124 = tpu.memref_squeeze %dma_wait3A_123 : memref<1x1x128xi32, #tpu.memory_space<vmem>> -> memref<128xi32, #tpu.memory_space<vmem>>
      %dma_wait3A_125 = arith.constant 0 : i32
      %dma_wait3A_126 = arith.constant 0 : i32
      %dma_wait3A_127 = tpu.memref_slice %arg6[%dma_wait3A_125, %dma_wait3A_126] : memref<100096x32xf32, #tpu.memory_space<hbm>> -> memref<100096x32xf32, #tpu.memory_space<hbm>>
      tpu.wait_indirect_dma semaphore(%arg10 : memref<!tpu.dma_semaphore, #tpu.memory_space<semaphore_mem>>) src(%dma_wait3A_127 : memref<100096x32xf32, #tpu.memory_space<hbm>>) dst(%dma_wait3A_121 : memref<128x32xf32, #tpu.memory_space<vmem>>)
      %dma_start3A_128 = arith.constant 0 : i32
      %dma_start3A_129 = arith.constant 1 : i32
      %dma_start3A_130 = arith.constant 0 : i32
      %dma_start3A_131 = arith.constant 0 : i32
      %dma_start3A_132 = tpu.memref_slice %arg9[%dma_start3A_130, %dma_start3A_131] : memref<896x32xf32, #tpu.memory_space<vmem>> -> memref<128x32xf32, #tpu.memory_space<vmem>>
      %dma_start3A_133 = arith.constant 0 : i32
      %dma_start3A_134 = tpu.memref_slice %arg8[%dma_start3A_128, %dma_start3A_129, %dma_start3A_133] : memref<7x2x128xi32, #tpu.memory_space<vmem>> -> memref<1x1x128xi32, #tpu.memory_space<vmem>>
      %dma_start3A_135 = tpu.memref_squeeze %dma_start3A_134 : memref<1x1x128xi32, #tpu.memory_space<vmem>> -> memref<128xi32, #tpu.memory_space<vmem>>
      %dma_start3A_136 = arith.constant 0 : i32
      %dma_start3A_137 = arith.constant 0 : i32
      %dma_start3A_138 = tpu.memref_slice %arg7[%dma_start3A_136, %dma_start3A_137] : memref<50048x32xf32, #tpu.memory_space<vmem_shared>> -> memref<50048x32xf32, #tpu.memory_space<vmem_shared>>
      tpu.enqueue_indirect_dma source(%dma_start3A_132 : memref<128x32xf32, #tpu.memory_space<vmem>>) target(%dma_start3A_138 : memref<50048x32xf32, #tpu.memory_space<vmem_shared>>) offsets(%dma_start3A_135 : memref<128xi32, #tpu.memory_space<vmem>>) semaphore(%arg11 : memref<!tpu.dma_semaphore, #tpu.memory_space<semaphore_mem>>) {add = true}
      %dma_wait3A_139 = arith.constant 1 : i32
      %dma_wait3A_140 = arith.constant 0 : i32
      %dma_wait3A_141 = arith.constant 128 : i32
      %dma_wait3A_142 = arith.constant 0 : i32
      %dma_wait3A_143 = tpu.memref_slice %arg9[%dma_wait3A_141, %dma_wait3A_142] : memref<896x32xf32, #tpu.memory_space<vmem>> -> memref<128x32xf32, #tpu.memory_space<vmem>>
      %dma_wait3A_144 = arith.constant 0 : i32
      %dma_wait3A_145 = tpu.memref_slice %arg8[%dma_wait3A_139, %dma_wait3A_140, %dma_wait3A_144] : memref<7x2x128xi32, #tpu.memory_space<vmem>> -> memref<1x1x128xi32, #tpu.memory_space<vmem>>
      %dma_wait3A_146 = tpu.memref_squeeze %dma_wait3A_145 : memref<1x1x128xi32, #tpu.memory_space<vmem>> -> memref<128xi32, #tpu.memory_space<vmem>>
      %dma_wait3A_147 = arith.constant 0 : i32
      %dma_wait3A_148 = arith.constant 0 : i32
      %dma_wait3A_149 = tpu.memref_slice %arg6[%dma_wait3A_147, %dma_wait3A_148] : memref<100096x32xf32, #tpu.memory_space<hbm>> -> memref<100096x32xf32, #tpu.memory_space<hbm>>
      tpu.wait_indirect_dma semaphore(%arg10 : memref<!tpu.dma_semaphore, #tpu.memory_space<semaphore_mem>>) src(%dma_wait3A_149 : memref<100096x32xf32, #tpu.memory_space<hbm>>) dst(%dma_wait3A_143 : memref<128x32xf32, #tpu.memory_space<vmem>>)
      %dma_start3A_150 = arith.constant 1 : i32
      %dma_start3A_151 = arith.constant 1 : i32
      %dma_start3A_152 = arith.constant 128 : i32
      %dma_start3A_153 = arith.constant 0 : i32
      %dma_start3A_154 = tpu.memref_slice %arg9[%dma_start3A_152, %dma_start3A_153] : memref<896x32xf32, #tpu.memory_space<vmem>> -> memref<128x32xf32, #tpu.memory_space<vmem>>
      %dma_start3A_155 = arith.constant 0 : i32
      %dma_start3A_156 = tpu.memref_slice %arg8[%dma_start3A_150, %dma_start3A_151, %dma_start3A_155] : memref<7x2x128xi32, #tpu.memory_space<vmem>> -> memref<1x1x128xi32, #tpu.memory_space<vmem>>
      %dma_start3A_157 = tpu.memref_squeeze %dma_start3A_156 : memref<1x1x128xi32, #tpu.memory_space<vmem>> -> memref<128xi32, #tpu.memory_space<vmem>>
      %dma_start3A_158 = arith.constant 0 : i32
      %dma_start3A_159 = arith.constant 0 : i32
      %dma_start3A_160 = tpu.memref_slice %arg7[%dma_start3A_158, %dma_start3A_159] : memref<50048x32xf32, #tpu.memory_space<vmem_shared>> -> memref<50048x32xf32, #tpu.memory_space<vmem_shared>>
      tpu.enqueue_indirect_dma source(%dma_start3A_154 : memref<128x32xf32, #tpu.memory_space<vmem>>) target(%dma_start3A_160 : memref<50048x32xf32, #tpu.memory_space<vmem_shared>>) offsets(%dma_start3A_157 : memref<128xi32, #tpu.memory_space<vmem>>) semaphore(%arg11 : memref<!tpu.dma_semaphore, #tpu.memory_space<semaphore_mem>>) {add = true}
      %dma_wait3A_161 = arith.constant 2 : i32
      %dma_wait3A_162 = arith.constant 0 : i32
      %dma_wait3A_163 = arith.constant 256 : i32
      %dma_wait3A_164 = arith.constant 0 : i32
      %dma_wait3A_165 = tpu.memref_slice %arg9[%dma_wait3A_163, %dma_wait3A_164] : memref<896x32xf32, #tpu.memory_space<vmem>> -> memref<128x32xf32, #tpu.memory_space<vmem>>
      %dma_wait3A_166 = arith.constant 0 : i32
      %dma_wait3A_167 = tpu.memref_slice %arg8[%dma_wait3A_161, %dma_wait3A_162, %dma_wait3A_166] : memref<7x2x128xi32, #tpu.memory_space<vmem>> -> memref<1x1x128xi32, #tpu.memory_space<vmem>>
      %dma_wait3A_168 = tpu.memref_squeeze %dma_wait3A_167 : memref<1x1x128xi32, #tpu.memory_space<vmem>> -> memref<128xi32, #tpu.memory_space<vmem>>
      %dma_wait3A_169 = arith.constant 0 : i32
      %dma_wait3A_170 = arith.constant 0 : i32
      %dma_wait3A_171 = tpu.memref_slice %arg6[%dma_wait3A_169, %dma_wait3A_170] : memref<100096x32xf32, #tpu.memory_space<hbm>> -> memref<100096x32xf32, #tpu.memory_space<hbm>>
      tpu.wait_indirect_dma semaphore(%arg10 : memref<!tpu.dma_semaphore, #tpu.memory_space<semaphore_mem>>) src(%dma_wait3A_171 : memref<100096x32xf32, #tpu.memory_space<hbm>>) dst(%dma_wait3A_165 : memref<128x32xf32, #tpu.memory_space<vmem>>)
      %dma_start3A_172 = arith.constant 2 : i32
      %dma_start3A_173 = arith.constant 1 : i32
      %dma_start3A_174 = arith.constant 256 : i32
      %dma_start3A_175 = arith.constant 0 : i32
      %dma_start3A_176 = tpu.memref_slice %arg9[%dma_start3A_174, %dma_start3A_175] : memref<896x32xf32, #tpu.memory_space<vmem>> -> memref<128x32xf32, #tpu.memory_space<vmem>>
      %dma_start3A_177 = arith.constant 0 : i32
      %dma_start3A_178 = tpu.memref_slice %arg8[%dma_start3A_172, %dma_start3A_173, %dma_start3A_177] : memref<7x2x128xi32, #tpu.memory_space<vmem>> -> memref<1x1x128xi32, #tpu.memory_space<vmem>>
      %dma_start3A_179 = tpu.memref_squeeze %dma_start3A_178 : memref<1x1x128xi32, #tpu.memory_space<vmem>> -> memref<128xi32, #tpu.memory_space<vmem>>
      %dma_start3A_180 = arith.constant 0 : i32
      %dma_start3A_181 = arith.constant 0 : i32
      %dma_start3A_182 = tpu.memref_slice %arg7[%dma_start3A_180, %dma_start3A_181] : memref<50048x32xf32, #tpu.memory_space<vmem_shared>> -> memref<50048x32xf32, #tpu.memory_space<vmem_shared>>
      tpu.enqueue_indirect_dma source(%dma_start3A_176 : memref<128x32xf32, #tpu.memory_space<vmem>>) target(%dma_start3A_182 : memref<50048x32xf32, #tpu.memory_space<vmem_shared>>) offsets(%dma_start3A_179 : memref<128xi32, #tpu.memory_space<vmem>>) semaphore(%arg11 : memref<!tpu.dma_semaphore, #tpu.memory_space<semaphore_mem>>) {add = true}
      %dma_wait3A_183 = arith.constant 3 : i32
      %dma_wait3A_184 = arith.constant 0 : i32
      %dma_wait3A_185 = arith.constant 384 : i32
      %dma_wait3A_186 = arith.constant 0 : i32
      %dma_wait3A_187 = tpu.memref_slice %arg9[%dma_wait3A_185, %dma_wait3A_186] : memref<896x32xf32, #tpu.memory_space<vmem>> -> memref<128x32xf32, #tpu.memory_space<vmem>>
      %dma_wait3A_188 = arith.constant 0 : i32
      %dma_wait3A_189 = tpu.memref_slice %arg8[%dma_wait3A_183, %dma_wait3A_184, %dma_wait3A_188] : memref<7x2x128xi32, #tpu.memory_space<vmem>> -> memref<1x1x128xi32, #tpu.memory_space<vmem>>
      %dma_wait3A_190 = tpu.memref_squeeze %dma_wait3A_189 : memref<1x1x128xi32, #tpu.memory_space<vmem>> -> memref<128xi32, #tpu.memory_space<vmem>>
      %dma_wait3A_191 = arith.constant 0 : i32
      %dma_wait3A_192 = arith.constant 0 : i32
      %dma_wait3A_193 = tpu.memref_slice %arg6[%dma_wait3A_191, %dma_wait3A_192] : memref<100096x32xf32, #tpu.memory_space<hbm>> -> memref<100096x32xf32, #tpu.memory_space<hbm>>
      tpu.wait_indirect_dma semaphore(%arg10 : memref<!tpu.dma_semaphore, #tpu.memory_space<semaphore_mem>>) src(%dma_wait3A_193 : memref<100096x32xf32, #tpu.memory_space<hbm>>) dst(%dma_wait3A_187 : memref<128x32xf32, #tpu.memory_space<vmem>>)
      %dma_start3A_194 = arith.constant 3 : i32
      %dma_start3A_195 = arith.constant 1 : i32
      %dma_start3A_196 = arith.constant 384 : i32
      %dma_start3A_197 = arith.constant 0 : i32
      %dma_start3A_198 = tpu.memref_slice %arg9[%dma_start3A_196, %dma_start3A_197] : memref<896x32xf32, #tpu.memory_space<vmem>> -> memref<128x32xf32, #tpu.memory_space<vmem>>
      %dma_start3A_199 = arith.constant 0 : i32
      %dma_start3A_200 = tpu.memref_slice %arg8[%dma_start3A_194, %dma_start3A_195, %dma_start3A_199] : memref<7x2x128xi32, #tpu.memory_space<vmem>> -> memref<1x1x128xi32, #tpu.memory_space<vmem>>
      %dma_start3A_201 = tpu.memref_squeeze %dma_start3A_200 : memref<1x1x128xi32, #tpu.memory_space<vmem>> -> memref<128xi32, #tpu.memory_space<vmem>>
      %dma_start3A_202 = arith.constant 0 : i32
      %dma_start3A_203 = arith.constant 0 : i32
      %dma_start3A_204 = tpu.memref_slice %arg7[%dma_start3A_202, %dma_start3A_203] : memref<50048x32xf32, #tpu.memory_space<vmem_shared>> -> memref<50048x32xf32, #tpu.memory_space<vmem_shared>>
      tpu.enqueue_indirect_dma source(%dma_start3A_198 : memref<128x32xf32, #tpu.memory_space<vmem>>) target(%dma_start3A_204 : memref<50048x32xf32, #tpu.memory_space<vmem_shared>>) offsets(%dma_start3A_201 : memref<128xi32, #tpu.memory_space<vmem>>) semaphore(%arg11 : memref<!tpu.dma_semaphore, #tpu.memory_space<semaphore_mem>>) {add = true}
      %dma_wait3A_205 = arith.constant 4 : i32
      %dma_wait3A_206 = arith.constant 0 : i32
      %dma_wait3A_207 = arith.constant 512 : i32
      %dma_wait3A_208 = arith.constant 0 : i32
      %dma_wait3A_209 = tpu.memref_slice %arg9[%dma_wait3A_207, %dma_wait3A_208] : memref<896x32xf32, #tpu.memory_space<vmem>> -> memref<128x32xf32, #tpu.memory_space<vmem>>
      %dma_wait3A_210 = arith.constant 0 : i32
      %dma_wait3A_211 = tpu.memref_slice %arg8[%dma_wait3A_205, %dma_wait3A_206, %dma_wait3A_210] : memref<7x2x128xi32, #tpu.memory_space<vmem>> -> memref<1x1x128xi32, #tpu.memory_space<vmem>>
      %dma_wait3A_212 = tpu.memref_squeeze %dma_wait3A_211 : memref<1x1x128xi32, #tpu.memory_space<vmem>> -> memref<128xi32, #tpu.memory_space<vmem>>
      %dma_wait3A_213 = arith.constant 0 : i32
      %dma_wait3A_214 = arith.constant 0 : i32
      %dma_wait3A_215 = tpu.memref_slice %arg6[%dma_wait3A_213, %dma_wait3A_214] : memref<100096x32xf32, #tpu.memory_space<hbm>> -> memref<100096x32xf32, #tpu.memory_space<hbm>>
      tpu.wait_indirect_dma semaphore(%arg10 : memref<!tpu.dma_semaphore, #tpu.memory_space<semaphore_mem>>) src(%dma_wait3A_215 : memref<100096x32xf32, #tpu.memory_space<hbm>>) dst(%dma_wait3A_209 : memref<128x32xf32, #tpu.memory_space<vmem>>)
      %dma_start3A_216 = arith.constant 4 : i32
      %dma_start3A_217 = arith.constant 1 : i32
      %dma_start3A_218 = arith.constant 512 : i32
      %dma_start3A_219 = arith.constant 0 : i32
      %dma_start3A_220 = tpu.memref_slice %arg9[%dma_start3A_218, %dma_start3A_219] : memref<896x32xf32, #tpu.memory_space<vmem>> -> memref<128x32xf32, #tpu.memory_space<vmem>>
      %dma_start3A_221 = arith.constant 0 : i32
      %dma_start3A_222 = tpu.memref_slice %arg8[%dma_start3A_216, %dma_start3A_217, %dma_start3A_221] : memref<7x2x128xi32, #tpu.memory_space<vmem>> -> memref<1x1x128xi32, #tpu.memory_space<vmem>>
      %dma_start3A_223 = tpu.memref_squeeze %dma_start3A_222 : memref<1x1x128xi32, #tpu.memory_space<vmem>> -> memref<128xi32, #tpu.memory_space<vmem>>
      %dma_start3A_224 = arith.constant 0 : i32
      %dma_start3A_225 = arith.constant 0 : i32
      %dma_start3A_226 = tpu.memref_slice %arg7[%dma_start3A_224, %dma_start3A_225] : memref<50048x32xf32, #tpu.memory_space<vmem_shared>> -> memref<50048x32xf32, #tpu.memory_space<vmem_shared>>
      tpu.enqueue_indirect_dma source(%dma_start3A_220 : memref<128x32xf32, #tpu.memory_space<vmem>>) target(%dma_start3A_226 : memref<50048x32xf32, #tpu.memory_space<vmem_shared>>) offsets(%dma_start3A_223 : memref<128xi32, #tpu.memory_space<vmem>>) semaphore(%arg11 : memref<!tpu.dma_semaphore, #tpu.memory_space<semaphore_mem>>) {add = true}
      %dma_wait3A_227 = arith.constant 5 : i32
      %dma_wait3A_228 = arith.constant 0 : i32
      %dma_wait3A_229 = arith.constant 640 : i32
      %dma_wait3A_230 = arith.constant 0 : i32
      %dma_wait3A_231 = tpu.memref_slice %arg9[%dma_wait3A_229, %dma_wait3A_230] : memref<896x32xf32, #tpu.memory_space<vmem>> -> memref<128x32xf32, #tpu.memory_space<vmem>>
      %dma_wait3A_232 = arith.constant 0 : i32
      %dma_wait3A_233 = tpu.memref_slice %arg8[%dma_wait3A_227, %dma_wait3A_228, %dma_wait3A_232] : memref<7x2x128xi32, #tpu.memory_space<vmem>> -> memref<1x1x128xi32, #tpu.memory_space<vmem>>
      %dma_wait3A_234 = tpu.memref_squeeze %dma_wait3A_233 : memref<1x1x128xi32, #tpu.memory_space<vmem>> -> memref<128xi32, #tpu.memory_space<vmem>>
      %dma_wait3A_235 = arith.constant 0 : i32
      %dma_wait3A_236 = arith.constant 0 : i32
      %dma_wait3A_237 = tpu.memref_slice %arg6[%dma_wait3A_235, %dma_wait3A_236] : memref<100096x32xf32, #tpu.memory_space<hbm>> -> memref<100096x32xf32, #tpu.memory_space<hbm>>
      tpu.wait_indirect_dma semaphore(%arg10 : memref<!tpu.dma_semaphore, #tpu.memory_space<semaphore_mem>>) src(%dma_wait3A_237 : memref<100096x32xf32, #tpu.memory_space<hbm>>) dst(%dma_wait3A_231 : memref<128x32xf32, #tpu.memory_space<vmem>>)
      %dma_start3A_238 = arith.constant 5 : i32
      %dma_start3A_239 = arith.constant 1 : i32
      %dma_start3A_240 = arith.constant 640 : i32
      %dma_start3A_241 = arith.constant 0 : i32
      %dma_start3A_242 = tpu.memref_slice %arg9[%dma_start3A_240, %dma_start3A_241] : memref<896x32xf32, #tpu.memory_space<vmem>> -> memref<128x32xf32, #tpu.memory_space<vmem>>
      %dma_start3A_243 = arith.constant 0 : i32
      %dma_start3A_244 = tpu.memref_slice %arg8[%dma_start3A_238, %dma_start3A_239, %dma_start3A_243] : memref<7x2x128xi32, #tpu.memory_space<vmem>> -> memref<1x1x128xi32, #tpu.memory_space<vmem>>
      %dma_start3A_245 = tpu.memref_squeeze %dma_start3A_244 : memref<1x1x128xi32, #tpu.memory_space<vmem>> -> memref<128xi32, #tpu.memory_space<vmem>>
      %dma_start3A_246 = arith.constant 0 : i32
      %dma_start3A_247 = arith.constant 0 : i32
      %dma_start3A_248 = tpu.memref_slice %arg7[%dma_start3A_246, %dma_start3A_247] : memref<50048x32xf32, #tpu.memory_space<vmem_shared>> -> memref<50048x32xf32, #tpu.memory_space<vmem_shared>>
      tpu.enqueue_indirect_dma source(%dma_start3A_242 : memref<128x32xf32, #tpu.memory_space<vmem>>) target(%dma_start3A_248 : memref<50048x32xf32, #tpu.memory_space<vmem_shared>>) offsets(%dma_start3A_245 : memref<128xi32, #tpu.memory_space<vmem>>) semaphore(%arg11 : memref<!tpu.dma_semaphore, #tpu.memory_space<semaphore_mem>>) {add = true}
      %dma_wait3A_249 = arith.constant 6 : i32
      %dma_wait3A_250 = arith.constant 0 : i32
      %dma_wait3A_251 = arith.constant 768 : i32
      %dma_wait3A_252 = arith.constant 0 : i32
      %dma_wait3A_253 = tpu.memref_slice %arg9[%dma_wait3A_251, %dma_wait3A_252] : memref<896x32xf32, #tpu.memory_space<vmem>> -> memref<128x32xf32, #tpu.memory_space<vmem>>
      %dma_wait3A_254 = arith.constant 0 : i32
      %dma_wait3A_255 = tpu.memref_slice %arg8[%dma_wait3A_249, %dma_wait3A_250, %dma_wait3A_254] : memref<7x2x128xi32, #tpu.memory_space<vmem>> -> memref<1x1x128xi32, #tpu.memory_space<vmem>>
      %dma_wait3A_256 = tpu.memref_squeeze %dma_wait3A_255 : memref<1x1x128xi32, #tpu.memory_space<vmem>> -> memref<128xi32, #tpu.memory_space<vmem>>
      %dma_wait3A_257 = arith.constant 0 : i32
      %dma_wait3A_258 = arith.constant 0 : i32
      %dma_wait3A_259 = tpu.memref_slice %arg6[%dma_wait3A_257, %dma_wait3A_258] : memref<100096x32xf32, #tpu.memory_space<hbm>> -> memref<100096x32xf32, #tpu.memory_space<hbm>>
      tpu.wait_indirect_dma semaphore(%arg10 : memref<!tpu.dma_semaphore, #tpu.memory_space<semaphore_mem>>) src(%dma_wait3A_259 : memref<100096x32xf32, #tpu.memory_space<hbm>>) dst(%dma_wait3A_253 : memref<128x32xf32, #tpu.memory_space<vmem>>)
      %dma_start3A_260 = arith.constant 6 : i32
      %dma_start3A_261 = arith.constant 1 : i32
      %dma_start3A_262 = arith.constant 768 : i32
      %dma_start3A_263 = arith.constant 0 : i32
      %dma_start3A_264 = tpu.memref_slice %arg9[%dma_start3A_262, %dma_start3A_263] : memref<896x32xf32, #tpu.memory_space<vmem>> -> memref<128x32xf32, #tpu.memory_space<vmem>>
      %dma_start3A_265 = arith.constant 0 : i32
      %dma_start3A_266 = tpu.memref_slice %arg8[%dma_start3A_260, %dma_start3A_261, %dma_start3A_265] : memref<7x2x128xi32, #tpu.memory_space<vmem>> -> memref<1x1x128xi32, #tpu.memory_space<vmem>>
      %dma_start3A_267 = tpu.memref_squeeze %dma_start3A_266 : memref<1x1x128xi32, #tpu.memory_space<vmem>> -> memref<128xi32, #tpu.memory_space<vmem>>
      %dma_start3A_268 = arith.constant 0 : i32
      %dma_start3A_269 = arith.constant 0 : i32
      %dma_start3A_270 = tpu.memref_slice %arg7[%dma_start3A_268, %dma_start3A_269] : memref<50048x32xf32, #tpu.memory_space<vmem_shared>> -> memref<50048x32xf32, #tpu.memory_space<vmem_shared>>
      tpu.enqueue_indirect_dma source(%dma_start3A_264 : memref<128x32xf32, #tpu.memory_space<vmem>>) target(%dma_start3A_270 : memref<50048x32xf32, #tpu.memory_space<vmem_shared>>) offsets(%dma_start3A_267 : memref<128xi32, #tpu.memory_space<vmem>>) semaphore(%arg11 : memref<!tpu.dma_semaphore, #tpu.memory_space<semaphore_mem>>) {add = true}
      %dma_wait3A_271 = arith.constant 0 : i32
      %dma_wait3A_272 = arith.constant 1 : i32
      %dma_wait3A_273 = arith.constant 0 : i32
      %dma_wait3A_274 = arith.constant 0 : i32
      %dma_wait3A_275 = tpu.memref_slice %arg9[%dma_wait3A_273, %dma_wait3A_274] : memref<896x32xf32, #tpu.memory_space<vmem>> -> memref<128x32xf32, #tpu.memory_space<vmem>>
      %dma_wait3A_276 = arith.constant 0 : i32
      %dma_wait3A_277 = tpu.memref_slice %arg8[%dma_wait3A_271, %dma_wait3A_272, %dma_wait3A_276] : memref<7x2x128xi32, #tpu.memory_space<vmem>> -> memref<1x1x128xi32, #tpu.memory_space<vmem>>
      %dma_wait3A_278 = tpu.memref_squeeze %dma_wait3A_277 : memref<1x1x128xi32, #tpu.memory_space<vmem>> -> memref<128xi32, #tpu.memory_space<vmem>>
      %dma_wait3A_279 = arith.constant 0 : i32
      %dma_wait3A_280 = arith.constant 0 : i32
      %dma_wait3A_281 = tpu.memref_slice %arg7[%dma_wait3A_279, %dma_wait3A_280] : memref<50048x32xf32, #tpu.memory_space<vmem_shared>> -> memref<50048x32xf32, #tpu.memory_space<vmem_shared>>
      tpu.wait_indirect_dma semaphore(%arg11 : memref<!tpu.dma_semaphore, #tpu.memory_space<semaphore_mem>>) src(%dma_wait3A_275 : memref<128x32xf32, #tpu.memory_space<vmem>>) dst(%dma_wait3A_281 : memref<50048x32xf32, #tpu.memory_space<vmem_shared>>)
      %dma_wait3A_282 = arith.constant 1 : i32
      %dma_wait3A_283 = arith.constant 1 : i32
      %dma_wait3A_284 = arith.constant 128 : i32
      %dma_wait3A_285 = arith.constant 0 : i32
      %dma_wait3A_286 = tpu.memref_slice %arg9[%dma_wait3A_284, %dma_wait3A_285] : memref<896x32xf32, #tpu.memory_space<vmem>> -> memref<128x32xf32, #tpu.memory_space<vmem>>
      %dma_wait3A_287 = arith.constant 0 : i32
      %dma_wait3A_288 = tpu.memref_slice %arg8[%dma_wait3A_282, %dma_wait3A_283, %dma_wait3A_287] : memref<7x2x128xi32, #tpu.memory_space<vmem>> -> memref<1x1x128xi32, #tpu.memory_space<vmem>>
      %dma_wait3A_289 = tpu.memref_squeeze %dma_wait3A_288 : memref<1x1x128xi32, #tpu.memory_space<vmem>> -> memref<128xi32, #tpu.memory_space<vmem>>
      %dma_wait3A_290 = arith.constant 0 : i32
      %dma_wait3A_291 = arith.constant 0 : i32
      %dma_wait3A_292 = tpu.memref_slice %arg7[%dma_wait3A_290, %dma_wait3A_291] : memref<50048x32xf32, #tpu.memory_space<vmem_shared>> -> memref<50048x32xf32, #tpu.memory_space<vmem_shared>>
      tpu.wait_indirect_dma semaphore(%arg11 : memref<!tpu.dma_semaphore, #tpu.memory_space<semaphore_mem>>) src(%dma_wait3A_286 : memref<128x32xf32, #tpu.memory_space<vmem>>) dst(%dma_wait3A_292 : memref<50048x32xf32, #tpu.memory_space<vmem_shared>>)
      %dma_wait3A_293 = arith.constant 2 : i32
      %dma_wait3A_294 = arith.constant 1 : i32
      %dma_wait3A_295 = arith.constant 256 : i32
      %dma_wait3A_296 = arith.constant 0 : i32
      %dma_wait3A_297 = tpu.memref_slice %arg9[%dma_wait3A_295, %dma_wait3A_296] : memref<896x32xf32, #tpu.memory_space<vmem>> -> memref<128x32xf32, #tpu.memory_space<vmem>>
      %dma_wait3A_298 = arith.constant 0 : i32
      %dma_wait3A_299 = tpu.memref_slice %arg8[%dma_wait3A_293, %dma_wait3A_294, %dma_wait3A_298] : memref<7x2x128xi32, #tpu.memory_space<vmem>> -> memref<1x1x128xi32, #tpu.memory_space<vmem>>
      %dma_wait3A_300 = tpu.memref_squeeze %dma_wait3A_299 : memref<1x1x128xi32, #tpu.memory_space<vmem>> -> memref<128xi32, #tpu.memory_space<vmem>>
      %dma_wait3A_301 = arith.constant 0 : i32
      %dma_wait3A_302 = arith.constant 0 : i32
      %dma_wait3A_303 = tpu.memref_slice %arg7[%dma_wait3A_301, %dma_wait3A_302] : memref<50048x32xf32, #tpu.memory_space<vmem_shared>> -> memref<50048x32xf32, #tpu.memory_space<vmem_shared>>
      tpu.wait_indirect_dma semaphore(%arg11 : memref<!tpu.dma_semaphore, #tpu.memory_space<semaphore_mem>>) src(%dma_wait3A_297 : memref<128x32xf32, #tpu.memory_space<vmem>>) dst(%dma_wait3A_303 : memref<50048x32xf32, #tpu.memory_space<vmem_shared>>)
      %dma_wait3A_304 = arith.constant 3 : i32
      %dma_wait3A_305 = arith.constant 1 : i32
      %dma_wait3A_306 = arith.constant 384 : i32
      %dma_wait3A_307 = arith.constant 0 : i32
      %dma_wait3A_308 = tpu.memref_slice %arg9[%dma_wait3A_306, %dma_wait3A_307] : memref<896x32xf32, #tpu.memory_space<vmem>> -> memref<128x32xf32, #tpu.memory_space<vmem>>
      %dma_wait3A_309 = arith.constant 0 : i32
      %dma_wait3A_310 = tpu.memref_slice %arg8[%dma_wait3A_304, %dma_wait3A_305, %dma_wait3A_309] : memref<7x2x128xi32, #tpu.memory_space<vmem>> -> memref<1x1x128xi32, #tpu.memory_space<vmem>>
      %dma_wait3A_311 = tpu.memref_squeeze %dma_wait3A_310 : memref<1x1x128xi32, #tpu.memory_space<vmem>> -> memref<128xi32, #tpu.memory_space<vmem>>
      %dma_wait3A_312 = arith.constant 0 : i32
      %dma_wait3A_313 = arith.constant 0 : i32
      %dma_wait3A_314 = tpu.memref_slice %arg7[%dma_wait3A_312, %dma_wait3A_313] : memref<50048x32xf32, #tpu.memory_space<vmem_shared>> -> memref<50048x32xf32, #tpu.memory_space<vmem_shared>>
      tpu.wait_indirect_dma semaphore(%arg11 : memref<!tpu.dma_semaphore, #tpu.memory_space<semaphore_mem>>) src(%dma_wait3A_308 : memref<128x32xf32, #tpu.memory_space<vmem>>) dst(%dma_wait3A_314 : memref<50048x32xf32, #tpu.memory_space<vmem_shared>>)
      %dma_wait3A_315 = arith.constant 4 : i32
      %dma_wait3A_316 = arith.constant 1 : i32
      %dma_wait3A_317 = arith.constant 512 : i32
      %dma_wait3A_318 = arith.constant 0 : i32
      %dma_wait3A_319 = tpu.memref_slice %arg9[%dma_wait3A_317, %dma_wait3A_318] : memref<896x32xf32, #tpu.memory_space<vmem>> -> memref<128x32xf32, #tpu.memory_space<vmem>>
      %dma_wait3A_320 = arith.constant 0 : i32
      %dma_wait3A_321 = tpu.memref_slice %arg8[%dma_wait3A_315, %dma_wait3A_316, %dma_wait3A_320] : memref<7x2x128xi32, #tpu.memory_space<vmem>> -> memref<1x1x128xi32, #tpu.memory_space<vmem>>
      %dma_wait3A_322 = tpu.memref_squeeze %dma_wait3A_321 : memref<1x1x128xi32, #tpu.memory_space<vmem>> -> memref<128xi32, #tpu.memory_space<vmem>>
      %dma_wait3A_323 = arith.constant 0 : i32
      %dma_wait3A_324 = arith.constant 0 : i32
      %dma_wait3A_325 = tpu.memref_slice %arg7[%dma_wait3A_323, %dma_wait3A_324] : memref<50048x32xf32, #tpu.memory_space<vmem_shared>> -> memref<50048x32xf32, #tpu.memory_space<vmem_shared>>
      tpu.wait_indirect_dma semaphore(%arg11 : memref<!tpu.dma_semaphore, #tpu.memory_space<semaphore_mem>>) src(%dma_wait3A_319 : memref<128x32xf32, #tpu.memory_space<vmem>>) dst(%dma_wait3A_325 : memref<50048x32xf32, #tpu.memory_space<vmem_shared>>)
      %dma_wait3A_326 = arith.constant 5 : i32
      %dma_wait3A_327 = arith.constant 1 : i32
      %dma_wait3A_328 = arith.constant 640 : i32
      %dma_wait3A_329 = arith.constant 0 : i32
      %dma_wait3A_330 = tpu.memref_slice %arg9[%dma_wait3A_328, %dma_wait3A_329] : memref<896x32xf32, #tpu.memory_space<vmem>> -> memref<128x32xf32, #tpu.memory_space<vmem>>
      %dma_wait3A_331 = arith.constant 0 : i32
      %dma_wait3A_332 = tpu.memref_slice %arg8[%dma_wait3A_326, %dma_wait3A_327, %dma_wait3A_331] : memref<7x2x128xi32, #tpu.memory_space<vmem>> -> memref<1x1x128xi32, #tpu.memory_space<vmem>>
      %dma_wait3A_333 = tpu.memref_squeeze %dma_wait3A_332 : memref<1x1x128xi32, #tpu.memory_space<vmem>> -> memref<128xi32, #tpu.memory_space<vmem>>
      %dma_wait3A_334 = arith.constant 0 : i32
      %dma_wait3A_335 = arith.constant 0 : i32
      %dma_wait3A_336 = tpu.memref_slice %arg7[%dma_wait3A_334, %dma_wait3A_335] : memref<50048x32xf32, #tpu.memory_space<vmem_shared>> -> memref<50048x32xf32, #tpu.memory_space<vmem_shared>>
      tpu.wait_indirect_dma semaphore(%arg11 : memref<!tpu.dma_semaphore, #tpu.memory_space<semaphore_mem>>) src(%dma_wait3A_330 : memref<128x32xf32, #tpu.memory_space<vmem>>) dst(%dma_wait3A_336 : memref<50048x32xf32, #tpu.memory_space<vmem_shared>>)
      %dma_wait3A_337 = arith.constant 6 : i32
      %dma_wait3A_338 = arith.constant 1 : i32
      %dma_wait3A_339 = arith.constant 768 : i32
      %dma_wait3A_340 = arith.constant 0 : i32
      %dma_wait3A_341 = tpu.memref_slice %arg9[%dma_wait3A_339, %dma_wait3A_340] : memref<896x32xf32, #tpu.memory_space<vmem>> -> memref<128x32xf32, #tpu.memory_space<vmem>>
      %dma_wait3A_342 = arith.constant 0 : i32
      %dma_wait3A_343 = tpu.memref_slice %arg8[%dma_wait3A_337, %dma_wait3A_338, %dma_wait3A_342] : memref<7x2x128xi32, #tpu.memory_space<vmem>> -> memref<1x1x128xi32, #tpu.memory_space<vmem>>
      %dma_wait3A_344 = tpu.memref_squeeze %dma_wait3A_343 : memref<1x1x128xi32, #tpu.memory_space<vmem>> -> memref<128xi32, #tpu.memory_space<vmem>>
      %dma_wait3A_345 = arith.constant 0 : i32
      %dma_wait3A_346 = arith.constant 0 : i32
      %dma_wait3A_347 = tpu.memref_slice %arg7[%dma_wait3A_345, %dma_wait3A_346] : memref<50048x32xf32, #tpu.memory_space<vmem_shared>> -> memref<50048x32xf32, #tpu.memory_space<vmem_shared>>
      tpu.wait_indirect_dma semaphore(%arg11 : memref<!tpu.dma_semaphore, #tpu.memory_space<semaphore_mem>>) src(%dma_wait3A_341 : memref<128x32xf32, #tpu.memory_space<vmem>>) dst(%dma_wait3A_347 : memref<50048x32xf32, #tpu.memory_space<vmem_shared>>)
    }
    %scan3A_24 = arith.constant 14 : i32
    %barrier3A_25 = arith.constant 0 : index
    tpu.barrier barrier_id(%barrier3A_25)
    %scan3A_26 = arith.constant 0 : i32
    %scan3A_27 = arith.constant 0 : i32
    %scan3A_28 = arith.constant 25 : i32
    %scan3A_29 = arith.addi %scan3A_27, %scan3A_28 : i32
    %scan3A_30 = arith.constant 1 : i32
    scf.for %scan3A_33 = %scan3A_27 to %scan3A_29 step %scan3A_30  : i32 {
      %mul3A_34 = arith.constant 3125 : i32
      %mul3A_35 = arith.muli %arg1, %mul3A_34 : i32
      %mul3A_36 = arith.constant 125 : i32
      %mul3A_37 = arith.muli %scan3A_33, %mul3A_36 : i32
      %add3A_38 = arith.addi %mul3A_35, %mul3A_37 : i32
      %mul3A_39 = arith.constant 50048 : i32
      %mul3A_40 = arith.muli %arg0, %mul3A_39 : i32
      %add3A_41 = arith.addi %mul3A_40, %add3A_38 : i32
      "tpu.region"() ({
        %run_scoped3A = tpu.sem_alloc : memref<!tpu.dma_semaphore, #tpu.memory_space<semaphore_mem>>
        %dma_start3A = arith.constant 0 : i32
        %dma_start3A_53 = arith.constant 0 : i32
        %dma_start3A_54 = tpu.memref_slice %arg9[%dma_start3A, %dma_start3A_53] : memref<896x32xf32, #tpu.memory_space<vmem>> -> memref<125x32xf32, #tpu.memory_space<vmem>>
        %dma_start3A_55 = arith.constant 0 : i32
        %dma_start3A_56 = tpu.memref_slice %arg3[%add3A_41, %dma_start3A_55] : memref<100096x32xf32, #tpu.memory_space<hbm>> -> memref<125x32xf32, #tpu.memory_space<hbm>>
        %dma_start3A_57 = arith.constant 0 : i32
        %dma_start3A_58 = arith.constant 0 : i32
        %dma_start3A_59 = tpu.memref_slice %arg9[%dma_start3A_57, %dma_start3A_58] : memref<896x32xf32, #tpu.memory_space<vmem>> -> memref<125x32xf32, #tpu.memory_space<vmem>>
        %dma_start3A_60 = arith.constant 0 : i32
        %dma_start3A_61 = tpu.memref_slice %arg3[%add3A_41, %dma_start3A_60] : memref<100096x32xf32, #tpu.memory_space<hbm>> -> memref<125x32xf32, #tpu.memory_space<hbm>>
        tpu.enqueue_dma source(%dma_start3A_61 : memref<125x32xf32, #tpu.memory_space<hbm>>) target(%dma_start3A_59 : memref<125x32xf32, #tpu.memory_space<vmem>>) target_semaphore(%run_scoped3A : memref<!tpu.dma_semaphore, #tpu.memory_space<semaphore_mem>>)
        %dma_wait3A = arith.constant 0 : i32
        %dma_wait3A_62 = arith.constant 0 : i32
        %dma_wait3A_63 = tpu.memref_slice %arg9[%dma_wait3A, %dma_wait3A_62] : memref<896x32xf32, #tpu.memory_space<vmem>> -> memref<125x32xf32, #tpu.memory_space<vmem>>
        %dma_wait3A_64 = arith.constant 0 : i32
        %dma_wait3A_65 = tpu.memref_slice %arg3[%add3A_41, %dma_wait3A_64] : memref<100096x32xf32, #tpu.memory_space<hbm>> -> memref<125x32xf32, #tpu.memory_space<hbm>>
        %dma_wait3A_66 = arith.constant 0 : i32
        %dma_wait3A_67 = arith.constant 0 : i32
        %dma_wait3A_68 = tpu.memref_slice %arg9[%dma_wait3A_66, %dma_wait3A_67] : memref<896x32xf32, #tpu.memory_space<vmem>> -> memref<125x32xf32, #tpu.memory_space<vmem>>
        %dma_wait3A_69 = arith.constant 0 : i32
        %dma_wait3A_70 = tpu.memref_slice %arg3[%add3A_41, %dma_wait3A_69] : memref<100096x32xf32, #tpu.memory_space<hbm>> -> memref<125x32xf32, #tpu.memory_space<hbm>>
        tpu.wait_dma2 semaphore(%run_scoped3A : memref<!tpu.dma_semaphore, #tpu.memory_space<semaphore_mem>>) src(%dma_wait3A_70 : memref<125x32xf32, #tpu.memory_space<hbm>>) dst(%dma_wait3A_68 : memref<125x32xf32, #tpu.memory_space<vmem>>)
        tpu.yield
      }) : () -> ()
      %mul3A_42 = arith.constant 50048 : i32
      %mul3A_43 = arith.muli %arg0, %mul3A_42 : i32
      %add3A_44 = arith.addi %mul3A_43, %add3A_38 : i32
      "tpu.region"() ({
        %run_scoped3A = tpu.sem_alloc : memref<!tpu.dma_semaphore, #tpu.memory_space<semaphore_mem>>
        %dma_start3A = arith.constant 128 : i32
        %dma_start3A_53 = arith.constant 0 : i32
        %dma_start3A_54 = tpu.memref_slice %arg9[%dma_start3A, %dma_start3A_53] : memref<896x32xf32, #tpu.memory_space<vmem>> -> memref<125x32xf32, #tpu.memory_space<vmem>>
        %dma_start3A_55 = arith.constant 0 : i32
        %dma_start3A_56 = tpu.memref_slice %arg6[%add3A_44, %dma_start3A_55] : memref<100096x32xf32, #tpu.memory_space<hbm>> -> memref<125x32xf32, #tpu.memory_space<hbm>>
        %dma_start3A_57 = arith.constant 128 : i32
        %dma_start3A_58 = arith.constant 0 : i32
        %dma_start3A_59 = tpu.memref_slice %arg9[%dma_start3A_57, %dma_start3A_58] : memref<896x32xf32, #tpu.memory_space<vmem>> -> memref<125x32xf32, #tpu.memory_space<vmem>>
        %dma_start3A_60 = arith.constant 0 : i32
        %dma_start3A_61 = tpu.memref_slice %arg6[%add3A_44, %dma_start3A_60] : memref<100096x32xf32, #tpu.memory_space<hbm>> -> memref<125x32xf32, #tpu.memory_space<hbm>>
        tpu.enqueue_dma source(%dma_start3A_61 : memref<125x32xf32, #tpu.memory_space<hbm>>) target(%dma_start3A_59 : memref<125x32xf32, #tpu.memory_space<vmem>>) target_semaphore(%run_scoped3A : memref<!tpu.dma_semaphore, #tpu.memory_space<semaphore_mem>>)
        %dma_wait3A = arith.constant 128 : i32
        %dma_wait3A_62 = arith.constant 0 : i32
        %dma_wait3A_63 = tpu.memref_slice %arg9[%dma_wait3A, %dma_wait3A_62] : memref<896x32xf32, #tpu.memory_space<vmem>> -> memref<125x32xf32, #tpu.memory_space<vmem>>
        %dma_wait3A_64 = arith.constant 0 : i32
        %dma_wait3A_65 = tpu.memref_slice %arg6[%add3A_44, %dma_wait3A_64] : memref<100096x32xf32, #tpu.memory_space<hbm>> -> memref<125x32xf32, #tpu.memory_space<hbm>>
        %dma_wait3A_66 = arith.constant 128 : i32
        %dma_wait3A_67 = arith.constant 0 : i32
        %dma_wait3A_68 = tpu.memref_slice %arg9[%dma_wait3A_66, %dma_wait3A_67] : memref<896x32xf32, #tpu.memory_space<vmem>> -> memref<125x32xf32, #tpu.memory_space<vmem>>
        %dma_wait3A_69 = arith.constant 0 : i32
        %dma_wait3A_70 = tpu.memref_slice %arg6[%add3A_44, %dma_wait3A_69] : memref<100096x32xf32, #tpu.memory_space<hbm>> -> memref<125x32xf32, #tpu.memory_space<hbm>>
        tpu.wait_dma2 semaphore(%run_scoped3A : memref<!tpu.dma_semaphore, #tpu.memory_space<semaphore_mem>>) src(%dma_wait3A_70 : memref<125x32xf32, #tpu.memory_space<hbm>>) dst(%dma_wait3A_68 : memref<125x32xf32, #tpu.memory_space<vmem>>)
        tpu.yield
      }) : () -> ()
      "tpu.region"() ({
        %run_scoped3A = tpu.sem_alloc : memref<!tpu.dma_semaphore, #tpu.memory_space<semaphore_mem>>
        %dma_start3A = arith.constant 256 : i32
        %dma_start3A_53 = arith.constant 0 : i32
        %dma_start3A_54 = tpu.memref_slice %arg9[%dma_start3A, %dma_start3A_53] : memref<896x32xf32, #tpu.memory_space<vmem>> -> memref<125x32xf32, #tpu.memory_space<vmem>>
        %dma_start3A_55 = arith.constant 0 : i32
        %dma_start3A_56 = tpu.memref_slice %arg7[%add3A_38, %dma_start3A_55] : memref<50048x32xf32, #tpu.memory_space<vmem_shared>> -> memref<125x32xf32, #tpu.memory_space<vmem_shared>>
        %dma_start3A_57 = arith.constant 256 : i32
        %dma_start3A_58 = arith.constant 0 : i32
        %dma_start3A_59 = tpu.memref_slice %arg9[%dma_start3A_57, %dma_start3A_58] : memref<896x32xf32, #tpu.memory_space<vmem>> -> memref<125x32xf32, #tpu.memory_space<vmem>>
        %dma_start3A_60 = arith.constant 0 : i32
        %dma_start3A_61 = tpu.memref_slice %arg7[%add3A_38, %dma_start3A_60] : memref<50048x32xf32, #tpu.memory_space<vmem_shared>> -> memref<125x32xf32, #tpu.memory_space<vmem_shared>>
        tpu.enqueue_dma source(%dma_start3A_61 : memref<125x32xf32, #tpu.memory_space<vmem_shared>>) target(%dma_start3A_59 : memref<125x32xf32, #tpu.memory_space<vmem>>) target_semaphore(%run_scoped3A : memref<!tpu.dma_semaphore, #tpu.memory_space<semaphore_mem>>)
        %dma_wait3A = arith.constant 256 : i32
        %dma_wait3A_62 = arith.constant 0 : i32
        %dma_wait3A_63 = tpu.memref_slice %arg9[%dma_wait3A, %dma_wait3A_62] : memref<896x32xf32, #tpu.memory_space<vmem>> -> memref<125x32xf32, #tpu.memory_space<vmem>>
        %dma_wait3A_64 = arith.constant 0 : i32
        %dma_wait3A_65 = tpu.memref_slice %arg7[%add3A_38, %dma_wait3A_64] : memref<50048x32xf32, #tpu.memory_space<vmem_shared>> -> memref<125x32xf32, #tpu.memory_space<vmem_shared>>
        %dma_wait3A_66 = arith.constant 256 : i32
        %dma_wait3A_67 = arith.constant 0 : i32
        %dma_wait3A_68 = tpu.memref_slice %arg9[%dma_wait3A_66, %dma_wait3A_67] : memref<896x32xf32, #tpu.memory_space<vmem>> -> memref<125x32xf32, #tpu.memory_space<vmem>>
        %dma_wait3A_69 = arith.constant 0 : i32
        %dma_wait3A_70 = tpu.memref_slice %arg7[%add3A_38, %dma_wait3A_69] : memref<50048x32xf32, #tpu.memory_space<vmem_shared>> -> memref<125x32xf32, #tpu.memory_space<vmem_shared>>
        tpu.wait_dma2 semaphore(%run_scoped3A : memref<!tpu.dma_semaphore, #tpu.memory_space<semaphore_mem>>) src(%dma_wait3A_70 : memref<125x32xf32, #tpu.memory_space<vmem_shared>>) dst(%dma_wait3A_68 : memref<125x32xf32, #tpu.memory_space<vmem>>)
        tpu.yield
      }) : () -> ()
      %scan3A_45 = arith.constant 0 : i32
      %scan3A_46 = arith.constant 0 : i32
      %scan3A_47 = arith.constant 125 : i32
      %scan3A_48 = arith.addi %scan3A_46, %scan3A_47 : i32
      %scan3A_49 = arith.constant 1 : i32
      scf.for %scan3A_53 = %scan3A_46 to %scan3A_48 step %scan3A_49  : i32 {
        %add3A_54 = arith.constant 0 : i32
        %add3A_55 = arith.addi %add3A_54, %scan3A_53 : i32
        %get3A = arith.index_cast %add3A_55 : i32 to index
        %get3A_56 = arith.constant 0 : index
        %get3A_57 = tpu.vector_load %arg9[%get3A, %get3A_56] {strides = array<i32>} : memref<896x32xf32, #tpu.memory_space<vmem>>, vector<1x16xf32>,
        %get3A_58 = vector.shape_cast %get3A_57 : vector<1x16xf32> to vector<16xf32>
        %add3A_59 = arith.constant 128 : i32
        %add3A_60 = arith.addi %add3A_59, %scan3A_53 : i32
        %get3A_61 = arith.index_cast %add3A_60 : i32 to index
        %get3A_62 = arith.constant 0 : index
        %get3A_63 = tpu.vector_load %arg9[%get3A_61, %get3A_62] {strides = array<i32>} : memref<896x32xf32, #tpu.memory_space<vmem>>, vector<1x16xf32>,
        %get3A_64 = vector.shape_cast %get3A_63 : vector<1x16xf32> to vector<16xf32>
        %add3A_65 = arith.addf %get3A_58, %get3A_64 : vector<16xf32>
        %add3A_66 = arith.constant 256 : i32
        %add3A_67 = arith.addi %add3A_66, %scan3A_53 : i32
        %get3A_68 = arith.index_cast %add3A_67 : i32 to index
        %get3A_69 = arith.constant 0 : index
        %get3A_70 = tpu.vector_load %arg9[%get3A_68, %get3A_69] {strides = array<i32>} : memref<896x32xf32, #tpu.memory_space<vmem>>, vector<1x16xf32>,
        %get3A_71 = vector.shape_cast %get3A_70 : vector<1x16xf32> to vector<16xf32>
        %add3A_72 = arith.addf %add3A_65, %get3A_71 : vector<16xf32>
        %mul3A_73 = arith.constant 0.333333343 : f32
        %mul3A_74 = vector.broadcast %mul3A_73 : f32 to vector<16xf32>
        %mul3A_75 = arith.mulf %add3A_72, %mul3A_74 : vector<16xf32>
        %add3A_76 = arith.constant 384 : i32
        %add3A_77 = arith.addi %add3A_76, %scan3A_53 : i32
        %swap3A = arith.index_cast %add3A_77 : i32 to index
        %swap3A_78 = arith.constant 0 : index
        %swap3A_79 = tpu.vector_load %arg9[%swap3A, %swap3A_78] {strides = array<i32>} : memref<896x32xf32, #tpu.memory_space<vmem>>, vector<1x16xf32>,
        %swap3A_80 = vector.shape_cast %swap3A_79 : vector<1x16xf32> to vector<16xf32>
        %swap3A_81 = vector.shape_cast %mul3A_75 : vector<16xf32> to vector<1x16xf32>
        tpu.vector_store %arg9[%swap3A, %swap3A_78], %swap3A_81 {strides = array<i32>} : memref<896x32xf32, #tpu.memory_space<vmem>>, vector<1x16xf32>,
        %add3A_82 = arith.constant 0 : i32
        %add3A_83 = arith.addi %add3A_82, %scan3A_53 : i32
        %get3A_84 = arith.index_cast %add3A_83 : i32 to index
        %get3A_85 = arith.constant 16 : index
        %get3A_86 = tpu.vector_load %arg9[%get3A_84, %get3A_85] {strides = array<i32>} : memref<896x32xf32, #tpu.memory_space<vmem>>, vector<1x16xf32>,
        %get3A_87 = vector.shape_cast %get3A_86 : vector<1x16xf32> to vector<16xf32>
        %add3A_88 = arith.constant 128 : i32
        %add3A_89 = arith.addi %add3A_88, %scan3A_53 : i32
        %get3A_90 = arith.index_cast %add3A_89 : i32 to index
        %get3A_91 = arith.constant 16 : index
        %get3A_92 = tpu.vector_load %arg9[%get3A_90, %get3A_91] {strides = array<i32>} : memref<896x32xf32, #tpu.memory_space<vmem>>, vector<1x16xf32>,
        %get3A_93 = vector.shape_cast %get3A_92 : vector<1x16xf32> to vector<16xf32>
        %add3A_94 = arith.addf %get3A_87, %get3A_93 : vector<16xf32>
        %add3A_95 = arith.constant 256 : i32
        %add3A_96 = arith.addi %add3A_95, %scan3A_53 : i32
        %get3A_97 = arith.index_cast %add3A_96 : i32 to index
        %get3A_98 = arith.constant 16 : index
        %get3A_99 = tpu.vector_load %arg9[%get3A_97, %get3A_98] {strides = array<i32>} : memref<896x32xf32, #tpu.memory_space<vmem>>, vector<1x16xf32>,
        %get3A_100 = vector.shape_cast %get3A_99 : vector<1x16xf32> to vector<16xf32>
        %add3A_101 = arith.addf %add3A_94, %get3A_100 : vector<16xf32>
        %mul3A_102 = arith.constant 0.333333343 : f32
        %mul3A_103 = vector.broadcast %mul3A_102 : f32 to vector<16xf32>
        %mul3A_104 = arith.mulf %add3A_101, %mul3A_103 : vector<16xf32>
        %add3A_105 = arith.constant 384 : i32
        %add3A_106 = arith.addi %add3A_105, %scan3A_53 : i32
        %swap3A_107 = arith.index_cast %add3A_106 : i32 to index
        %swap3A_108 = arith.constant 16 : index
        %swap3A_109 = tpu.vector_load %arg9[%swap3A_107, %swap3A_108] {strides = array<i32>} : memref<896x32xf32, #tpu.memory_space<vmem>>, vector<1x16xf32>,
        %swap3A_110 = vector.shape_cast %swap3A_109 : vector<1x16xf32> to vector<16xf32>
        %swap3A_111 = vector.shape_cast %mul3A_104 : vector<16xf32> to vector<1x16xf32>
        tpu.vector_store %arg9[%swap3A_107, %swap3A_108], %swap3A_111 {strides = array<i32>} : memref<896x32xf32, #tpu.memory_space<vmem>>, vector<1x16xf32>,
      }
      %scan3A_50 = arith.constant 125 : i32
      %mul3A_51 = arith.constant 32 : i32
      %mul3A_52 = arith.muli %arg0, %mul3A_51 : i32
      "tpu.region"() ({
        %run_scoped3A = tpu.sem_alloc : memref<!tpu.dma_semaphore, #tpu.memory_space<semaphore_mem>>
        %dma_start3A = arith.constant 384 : i32
        %dma_start3A_53 = arith.constant 0 : i32
        %dma_start3A_54 = tpu.memref_slice %arg9[%dma_start3A, %dma_start3A_53] : memref<896x32xf32, #tpu.memory_space<vmem>> -> memref<125x32xf32, #tpu.memory_space<vmem>>
        %dma_start3A_55 = tpu.memref_slice %arg5[%add3A_38, %mul3A_52] : memref<50000x64xf32, #tpu.memory_space<hbm>> -> memref<125x32xf32, #tpu.memory_space<hbm>>
        %dma_start3A_56 = tpu.memref_slice %arg5[%add3A_38, %mul3A_52] : memref<50000x64xf32, #tpu.memory_space<hbm>> -> memref<125x32xf32, #tpu.memory_space<hbm>>
        %dma_start3A_57 = arith.constant 384 : i32
        %dma_start3A_58 = arith.constant 0 : i32
        %dma_start3A_59 = tpu.memref_slice %arg9[%dma_start3A_57, %dma_start3A_58] : memref<896x32xf32, #tpu.memory_space<vmem>> -> memref<125x32xf32, #tpu.memory_space<vmem>>
        tpu.enqueue_dma source(%dma_start3A_59 : memref<125x32xf32, #tpu.memory_space<vmem>>) target(%dma_start3A_56 : memref<125x32xf32, #tpu.memory_space<hbm>>) target_semaphore(%run_scoped3A : memref<!tpu.dma_semaphore, #tpu.memory_space<semaphore_mem>>)
        %dma_wait3A = arith.constant 384 : i32
        %dma_wait3A_60 = arith.constant 0 : i32
        %dma_wait3A_61 = tpu.memref_slice %arg9[%dma_wait3A, %dma_wait3A_60] : memref<896x32xf32, #tpu.memory_space<vmem>> -> memref<125x32xf32, #tpu.memory_space<vmem>>
        %dma_wait3A_62 = tpu.memref_slice %arg5[%add3A_38, %mul3A_52] : memref<50000x64xf32, #tpu.memory_space<hbm>> -> memref<125x32xf32, #tpu.memory_space<hbm>>
        %dma_wait3A_63 = tpu.memref_slice %arg5[%add3A_38, %mul3A_52] : memref<50000x64xf32, #tpu.memory_space<hbm>> -> memref<125x32xf32, #tpu.memory_space<hbm>>
        %dma_wait3A_64 = arith.constant 384 : i32
        %dma_wait3A_65 = arith.constant 0 : i32
        %dma_wait3A_66 = tpu.memref_slice %arg9[%dma_wait3A_64, %dma_wait3A_65] : memref<896x32xf32, #tpu.memory_space<vmem>> -> memref<125x32xf32, #tpu.memory_space<vmem>>
        tpu.wait_dma2 semaphore(%run_scoped3A : memref<!tpu.dma_semaphore, #tpu.memory_space<semaphore_mem>>) src(%dma_wait3A_66 : memref<125x32xf32, #tpu.memory_space<vmem>>) dst(%dma_wait3A_63 : memref<125x32xf32, #tpu.memory_space<hbm>>)
        tpu.yield
      }) : () -> ()
    }
    %scan3A_31 = arith.constant 25 : i32
    %barrier3A_32 = arith.constant 0 : index
    tpu.barrier barrier_id(%barrier3A_32)
    return
  }
}

#map = affine_map<(d0, d1) -> (0, 0)>
#map1 = affine_map<(d0, d1) -> (0, 0, 0)>
module attributes {stable_mosaic.version = 14 : i64} {
  func.func @_pos_body(%arg0: i32, %arg1: i32, %arg2: memref<100096x32xf32, #tpu.memory_space<hbm>>, %arg3: memref<12544x2x128xi32, #tpu.memory_space<hbm>>, %arg4: memref<50000x64xf32, #tpu.memory_space<hbm>>, %arg5: memref<100096x32xf32, #tpu.memory_space<hbm>>, %arg6: memref<50048x32xf32, #tpu.memory_space<vmem_shared>>, %arg7: memref<7x2x128xi32, #tpu.memory_space<vmem>>, %arg8: memref<896x32xf32, #tpu.memory_space<vmem>>, %arg9: memref<!tpu.dma_semaphore, #tpu.memory_space<semaphore_mem>>, %arg10: memref<!tpu.dma_semaphore, #tpu.memory_space<semaphore_mem>>) attributes {dimension_semantics = [#tpu.dimension_semantics<core_parallel>, #tpu.dimension_semantics<subcore_parallel>], iteration_bounds = array<i64: 2, 16>, scalar_prefetch = 0 : i64, scratch_operands = 5 : i64, tpu.core_type = #tpu.core_type<sc_vector_subcore>, window_params = [{transform_indices = #map}, {transform_indices = #map1}, {transform_indices = #map}, {transform_indices = #map}]} {
    %mul3A = arith.constant 50048 : i32
    %mul3A_0 = arith.muli %arg0, %mul3A : i32
    %mul3A_1 = arith.constant 3128 : i32
    %mul3A_2 = arith.muli %arg1, %mul3A_1 : i32
    %add3A = arith.addi %mul3A_0, %mul3A_2 : i32
    %mul3A_3 = arith.constant 3128 : i32
    %mul3A_4 = arith.muli %arg1, %mul3A_3 : i32
    "tpu.region"() ({
      %run_scoped3A = tpu.sem_alloc : memref<!tpu.dma_semaphore, #tpu.memory_space<semaphore_mem>>
      %dma_start3A = arith.constant 0 : i32
      %dma_start3A_33 = tpu.memref_slice %arg6[%mul3A_4, %dma_start3A] : memref<50048x32xf32, #tpu.memory_space<vmem_shared>> -> memref<3128x32xf32, #tpu.memory_space<vmem_shared>>
      %dma_start3A_34 = arith.constant 0 : i32
      %dma_start3A_35 = tpu.memref_slice %arg2[%add3A, %dma_start3A_34] : memref<100096x32xf32, #tpu.memory_space<hbm>> -> memref<3128x32xf32, #tpu.memory_space<hbm>>
      tpu.enqueue_dma source(%dma_start3A_35 : memref<3128x32xf32, #tpu.memory_space<hbm>>) target(%dma_start3A_33 : memref<3128x32xf32, #tpu.memory_space<vmem_shared>>) target_semaphore(%run_scoped3A : memref<!tpu.dma_semaphore, #tpu.memory_space<semaphore_mem>>)
      %dma_wait3A = arith.constant 0 : i32
      %dma_wait3A_36 = tpu.memref_slice %arg6[%mul3A_4, %dma_wait3A] : memref<50048x32xf32, #tpu.memory_space<vmem_shared>> -> memref<3128x32xf32, #tpu.memory_space<vmem_shared>>
      %dma_wait3A_37 = arith.constant 0 : i32
      %dma_wait3A_38 = tpu.memref_slice %arg2[%add3A, %dma_wait3A_37] : memref<100096x32xf32, #tpu.memory_space<hbm>> -> memref<3128x32xf32, #tpu.memory_space<hbm>>
      tpu.wait_dma2 semaphore(%run_scoped3A : memref<!tpu.dma_semaphore, #tpu.memory_space<semaphore_mem>>) src(%dma_wait3A_38 : memref<3128x32xf32, #tpu.memory_space<hbm>>) dst(%dma_wait3A_36 : memref<3128x32xf32, #tpu.memory_space<vmem_shared>>)
      tpu.yield
    }) : () -> ()
    %barrier3A = arith.constant 0 : index
    tpu.barrier barrier_id(%barrier3A)
    %scan3A = arith.constant 0 : i32
    %scan3A_5 = arith.constant 0 : i32
    %scan3A_6 = arith.constant 56 : i32
    %scan3A_7 = arith.addi %scan3A_5, %scan3A_6 : i32
    %scan3A_8 = arith.constant 1 : i32
    scf.for %scan3A_33 = %scan3A_5 to %scan3A_7 step %scan3A_8  : i32 {
      %mul3A_34 = arith.constant 392 : i32
      %mul3A_35 = arith.muli %arg1, %mul3A_34 : i32
      %mul3A_36 = arith.constant 7 : i32
      %mul3A_37 = arith.muli %scan3A_33, %mul3A_36 : i32
      %add3A_38 = arith.addi %mul3A_35, %mul3A_37 : i32
      %mul3A_39 = arith.constant 6272 : i32
      %mul3A_40 = arith.muli %arg0, %mul3A_39 : i32
      %add3A_41 = arith.addi %mul3A_40, %add3A_38 : i32
      "tpu.region"() ({
        %run_scoped3A = tpu.sem_alloc : memref<!tpu.dma_semaphore, #tpu.memory_space<semaphore_mem>>
        %dma_start3A_348 = arith.constant 0 : i32
        %dma_start3A_349 = arith.constant 0 : i32
        %dma_start3A_350 = tpu.memref_slice %arg3[%add3A_41, %dma_start3A_348, %dma_start3A_349] : memref<12544x2x128xi32, #tpu.memory_space<hbm>> -> memref<7x2x128xi32, #tpu.memory_space<hbm>>
        %dma_start3A_351 = arith.constant 0 : i32
        %dma_start3A_352 = arith.constant 0 : i32
        %dma_start3A_353 = tpu.memref_slice %arg3[%add3A_41, %dma_start3A_351, %dma_start3A_352] : memref<12544x2x128xi32, #tpu.memory_space<hbm>> -> memref<7x2x128xi32, #tpu.memory_space<hbm>>
        tpu.enqueue_dma source(%dma_start3A_353 : memref<7x2x128xi32, #tpu.memory_space<hbm>>) target(%arg7 : memref<7x2x128xi32, #tpu.memory_space<vmem>>) target_semaphore(%run_scoped3A : memref<!tpu.dma_semaphore, #tpu.memory_space<semaphore_mem>>)
        %dma_wait3A_354 = arith.constant 0 : i32
        %dma_wait3A_355 = arith.constant 0 : i32
        %dma_wait3A_356 = tpu.memref_slice %arg3[%add3A_41, %dma_wait3A_354, %dma_wait3A_355] : memref<12544x2x128xi32, #tpu.memory_space<hbm>> -> memref<7x2x128xi32, #tpu.memory_space<hbm>>
        %dma_wait3A_357 = arith.constant 0 : i32
        %dma_wait3A_358 = arith.constant 0 : i32
        %dma_wait3A_359 = tpu.memref_slice %arg3[%add3A_41, %dma_wait3A_357, %dma_wait3A_358] : memref<12544x2x128xi32, #tpu.memory_space<hbm>> -> memref<7x2x128xi32, #tpu.memory_space<hbm>>
        tpu.wait_dma2 semaphore(%run_scoped3A : memref<!tpu.dma_semaphore, #tpu.memory_space<semaphore_mem>>) src(%dma_wait3A_359 : memref<7x2x128xi32, #tpu.memory_space<hbm>>) dst(%arg7 : memref<7x2x128xi32, #tpu.memory_space<vmem>>)
        tpu.yield
      }) : () -> ()
      %dma_start3A = arith.constant 0 : i32
      %dma_start3A_42 = arith.constant 0 : i32
      %dma_start3A_43 = arith.constant 0 : i32
      %dma_start3A_44 = arith.constant 0 : i32
      %dma_start3A_45 = tpu.memref_slice %arg8[%dma_start3A_43, %dma_start3A_44] : memref<896x32xf32, #tpu.memory_space<vmem>> -> memref<128x32xf32, #tpu.memory_space<vmem>>
      %dma_start3A_46 = arith.constant 0 : i32
      %dma_start3A_47 = tpu.memref_slice %arg7[%dma_start3A, %dma_start3A_42, %dma_start3A_46] : memref<7x2x128xi32, #tpu.memory_space<vmem>> -> memref<1x1x128xi32, #tpu.memory_space<vmem>>
      %dma_start3A_48 = tpu.memref_squeeze %dma_start3A_47 : memref<1x1x128xi32, #tpu.memory_space<vmem>> -> memref<128xi32, #tpu.memory_space<vmem>>
      %dma_start3A_49 = arith.constant 0 : i32
      %dma_start3A_50 = arith.constant 0 : i32
      %dma_start3A_51 = tpu.memref_slice %arg2[%dma_start3A_49, %dma_start3A_50] : memref<100096x32xf32, #tpu.memory_space<hbm>> -> memref<100096x32xf32, #tpu.memory_space<hbm>>
      tpu.enqueue_indirect_dma source(%dma_start3A_51 : memref<100096x32xf32, #tpu.memory_space<hbm>>) target(%dma_start3A_45 : memref<128x32xf32, #tpu.memory_space<vmem>>) offsets(%dma_start3A_48 : memref<128xi32, #tpu.memory_space<vmem>>) semaphore(%arg9 : memref<!tpu.dma_semaphore, #tpu.memory_space<semaphore_mem>>)
      %dma_start3A_52 = arith.constant 1 : i32
      %dma_start3A_53 = arith.constant 0 : i32
      %dma_start3A_54 = arith.constant 128 : i32
      %dma_start3A_55 = arith.constant 0 : i32
      %dma_start3A_56 = tpu.memref_slice %arg8[%dma_start3A_54, %dma_start3A_55] : memref<896x32xf32, #tpu.memory_space<vmem>> -> memref<128x32xf32, #tpu.memory_space<vmem>>
      %dma_start3A_57 = arith.constant 0 : i32
      %dma_start3A_58 = tpu.memref_slice %arg7[%dma_start3A_52, %dma_start3A_53, %dma_start3A_57] : memref<7x2x128xi32, #tpu.memory_space<vmem>> -> memref<1x1x128xi32, #tpu.memory_space<vmem>>
      %dma_start3A_59 = tpu.memref_squeeze %dma_start3A_58 : memref<1x1x128xi32, #tpu.memory_space<vmem>> -> memref<128xi32, #tpu.memory_space<vmem>>
      %dma_start3A_60 = arith.constant 0 : i32
      %dma_start3A_61 = arith.constant 0 : i32
      %dma_start3A_62 = tpu.memref_slice %arg2[%dma_start3A_60, %dma_start3A_61] : memref<100096x32xf32, #tpu.memory_space<hbm>> -> memref<100096x32xf32, #tpu.memory_space<hbm>>
      tpu.enqueue_indirect_dma source(%dma_start3A_62 : memref<100096x32xf32, #tpu.memory_space<hbm>>) target(%dma_start3A_56 : memref<128x32xf32, #tpu.memory_space<vmem>>) offsets(%dma_start3A_59 : memref<128xi32, #tpu.memory_space<vmem>>) semaphore(%arg9 : memref<!tpu.dma_semaphore, #tpu.memory_space<semaphore_mem>>)
      %dma_start3A_63 = arith.constant 2 : i32
      %dma_start3A_64 = arith.constant 0 : i32
      %dma_start3A_65 = arith.constant 256 : i32
      %dma_start3A_66 = arith.constant 0 : i32
      %dma_start3A_67 = tpu.memref_slice %arg8[%dma_start3A_65, %dma_start3A_66] : memref<896x32xf32, #tpu.memory_space<vmem>> -> memref<128x32xf32, #tpu.memory_space<vmem>>
      %dma_start3A_68 = arith.constant 0 : i32
      %dma_start3A_69 = tpu.memref_slice %arg7[%dma_start3A_63, %dma_start3A_64, %dma_start3A_68] : memref<7x2x128xi32, #tpu.memory_space<vmem>> -> memref<1x1x128xi32, #tpu.memory_space<vmem>>
      %dma_start3A_70 = tpu.memref_squeeze %dma_start3A_69 : memref<1x1x128xi32, #tpu.memory_space<vmem>> -> memref<128xi32, #tpu.memory_space<vmem>>
      %dma_start3A_71 = arith.constant 0 : i32
      %dma_start3A_72 = arith.constant 0 : i32
      %dma_start3A_73 = tpu.memref_slice %arg2[%dma_start3A_71, %dma_start3A_72] : memref<100096x32xf32, #tpu.memory_space<hbm>> -> memref<100096x32xf32, #tpu.memory_space<hbm>>
      tpu.enqueue_indirect_dma source(%dma_start3A_73 : memref<100096x32xf32, #tpu.memory_space<hbm>>) target(%dma_start3A_67 : memref<128x32xf32, #tpu.memory_space<vmem>>) offsets(%dma_start3A_70 : memref<128xi32, #tpu.memory_space<vmem>>) semaphore(%arg9 : memref<!tpu.dma_semaphore, #tpu.memory_space<semaphore_mem>>)
      %dma_start3A_74 = arith.constant 3 : i32
      %dma_start3A_75 = arith.constant 0 : i32
      %dma_start3A_76 = arith.constant 384 : i32
      %dma_start3A_77 = arith.constant 0 : i32
      %dma_start3A_78 = tpu.memref_slice %arg8[%dma_start3A_76, %dma_start3A_77] : memref<896x32xf32, #tpu.memory_space<vmem>> -> memref<128x32xf32, #tpu.memory_space<vmem>>
      %dma_start3A_79 = arith.constant 0 : i32
      %dma_start3A_80 = tpu.memref_slice %arg7[%dma_start3A_74, %dma_start3A_75, %dma_start3A_79] : memref<7x2x128xi32, #tpu.memory_space<vmem>> -> memref<1x1x128xi32, #tpu.memory_space<vmem>>
      %dma_start3A_81 = tpu.memref_squeeze %dma_start3A_80 : memref<1x1x128xi32, #tpu.memory_space<vmem>> -> memref<128xi32, #tpu.memory_space<vmem>>
      %dma_start3A_82 = arith.constant 0 : i32
      %dma_start3A_83 = arith.constant 0 : i32
      %dma_start3A_84 = tpu.memref_slice %arg2[%dma_start3A_82, %dma_start3A_83] : memref<100096x32xf32, #tpu.memory_space<hbm>> -> memref<100096x32xf32, #tpu.memory_space<hbm>>
      tpu.enqueue_indirect_dma source(%dma_start3A_84 : memref<100096x32xf32, #tpu.memory_space<hbm>>) target(%dma_start3A_78 : memref<128x32xf32, #tpu.memory_space<vmem>>) offsets(%dma_start3A_81 : memref<128xi32, #tpu.memory_space<vmem>>) semaphore(%arg9 : memref<!tpu.dma_semaphore, #tpu.memory_space<semaphore_mem>>)
      %dma_start3A_85 = arith.constant 4 : i32
      %dma_start3A_86 = arith.constant 0 : i32
      %dma_start3A_87 = arith.constant 512 : i32
      %dma_start3A_88 = arith.constant 0 : i32
      %dma_start3A_89 = tpu.memref_slice %arg8[%dma_start3A_87, %dma_start3A_88] : memref<896x32xf32, #tpu.memory_space<vmem>> -> memref<128x32xf32, #tpu.memory_space<vmem>>
      %dma_start3A_90 = arith.constant 0 : i32
      %dma_start3A_91 = tpu.memref_slice %arg7[%dma_start3A_85, %dma_start3A_86, %dma_start3A_90] : memref<7x2x128xi32, #tpu.memory_space<vmem>> -> memref<1x1x128xi32, #tpu.memory_space<vmem>>
      %dma_start3A_92 = tpu.memref_squeeze %dma_start3A_91 : memref<1x1x128xi32, #tpu.memory_space<vmem>> -> memref<128xi32, #tpu.memory_space<vmem>>
      %dma_start3A_93 = arith.constant 0 : i32
      %dma_start3A_94 = arith.constant 0 : i32
      %dma_start3A_95 = tpu.memref_slice %arg2[%dma_start3A_93, %dma_start3A_94] : memref<100096x32xf32, #tpu.memory_space<hbm>> -> memref<100096x32xf32, #tpu.memory_space<hbm>>
      tpu.enqueue_indirect_dma source(%dma_start3A_95 : memref<100096x32xf32, #tpu.memory_space<hbm>>) target(%dma_start3A_89 : memref<128x32xf32, #tpu.memory_space<vmem>>) offsets(%dma_start3A_92 : memref<128xi32, #tpu.memory_space<vmem>>) semaphore(%arg9 : memref<!tpu.dma_semaphore, #tpu.memory_space<semaphore_mem>>)
      %dma_start3A_96 = arith.constant 5 : i32
      %dma_start3A_97 = arith.constant 0 : i32
      %dma_start3A_98 = arith.constant 640 : i32
      %dma_start3A_99 = arith.constant 0 : i32
      %dma_start3A_100 = tpu.memref_slice %arg8[%dma_start3A_98, %dma_start3A_99] : memref<896x32xf32, #tpu.memory_space<vmem>> -> memref<128x32xf32, #tpu.memory_space<vmem>>
      %dma_start3A_101 = arith.constant 0 : i32
      %dma_start3A_102 = tpu.memref_slice %arg7[%dma_start3A_96, %dma_start3A_97, %dma_start3A_101] : memref<7x2x128xi32, #tpu.memory_space<vmem>> -> memref<1x1x128xi32, #tpu.memory_space<vmem>>
      %dma_start3A_103 = tpu.memref_squeeze %dma_start3A_102 : memref<1x1x128xi32, #tpu.memory_space<vmem>> -> memref<128xi32, #tpu.memory_space<vmem>>
      %dma_start3A_104 = arith.constant 0 : i32
      %dma_start3A_105 = arith.constant 0 : i32
      %dma_start3A_106 = tpu.memref_slice %arg2[%dma_start3A_104, %dma_start3A_105] : memref<100096x32xf32, #tpu.memory_space<hbm>> -> memref<100096x32xf32, #tpu.memory_space<hbm>>
      tpu.enqueue_indirect_dma source(%dma_start3A_106 : memref<100096x32xf32, #tpu.memory_space<hbm>>) target(%dma_start3A_100 : memref<128x32xf32, #tpu.memory_space<vmem>>) offsets(%dma_start3A_103 : memref<128xi32, #tpu.memory_space<vmem>>) semaphore(%arg9 : memref<!tpu.dma_semaphore, #tpu.memory_space<semaphore_mem>>)
      %dma_start3A_107 = arith.constant 6 : i32
      %dma_start3A_108 = arith.constant 0 : i32
      %dma_start3A_109 = arith.constant 768 : i32
      %dma_start3A_110 = arith.constant 0 : i32
      %dma_start3A_111 = tpu.memref_slice %arg8[%dma_start3A_109, %dma_start3A_110] : memref<896x32xf32, #tpu.memory_space<vmem>> -> memref<128x32xf32, #tpu.memory_space<vmem>>
      %dma_start3A_112 = arith.constant 0 : i32
      %dma_start3A_113 = tpu.memref_slice %arg7[%dma_start3A_107, %dma_start3A_108, %dma_start3A_112] : memref<7x2x128xi32, #tpu.memory_space<vmem>> -> memref<1x1x128xi32, #tpu.memory_space<vmem>>
      %dma_start3A_114 = tpu.memref_squeeze %dma_start3A_113 : memref<1x1x128xi32, #tpu.memory_space<vmem>> -> memref<128xi32, #tpu.memory_space<vmem>>
      %dma_start3A_115 = arith.constant 0 : i32
      %dma_start3A_116 = arith.constant 0 : i32
      %dma_start3A_117 = tpu.memref_slice %arg2[%dma_start3A_115, %dma_start3A_116] : memref<100096x32xf32, #tpu.memory_space<hbm>> -> memref<100096x32xf32, #tpu.memory_space<hbm>>
      tpu.enqueue_indirect_dma source(%dma_start3A_117 : memref<100096x32xf32, #tpu.memory_space<hbm>>) target(%dma_start3A_111 : memref<128x32xf32, #tpu.memory_space<vmem>>) offsets(%dma_start3A_114 : memref<128xi32, #tpu.memory_space<vmem>>) semaphore(%arg9 : memref<!tpu.dma_semaphore, #tpu.memory_space<semaphore_mem>>)
      %dma_wait3A = arith.constant 0 : i32
      %dma_wait3A_118 = arith.constant 0 : i32
      %dma_wait3A_119 = arith.constant 0 : i32
      %dma_wait3A_120 = arith.constant 0 : i32
      %dma_wait3A_121 = tpu.memref_slice %arg8[%dma_wait3A_119, %dma_wait3A_120] : memref<896x32xf32, #tpu.memory_space<vmem>> -> memref<128x32xf32, #tpu.memory_space<vmem>>
      %dma_wait3A_122 = arith.constant 0 : i32
      %dma_wait3A_123 = tpu.memref_slice %arg7[%dma_wait3A, %dma_wait3A_118, %dma_wait3A_122] : memref<7x2x128xi32, #tpu.memory_space<vmem>> -> memref<1x1x128xi32, #tpu.memory_space<vmem>>
      %dma_wait3A_124 = tpu.memref_squeeze %dma_wait3A_123 : memref<1x1x128xi32, #tpu.memory_space<vmem>> -> memref<128xi32, #tpu.memory_space<vmem>>
      %dma_wait3A_125 = arith.constant 0 : i32
      %dma_wait3A_126 = arith.constant 0 : i32
      %dma_wait3A_127 = tpu.memref_slice %arg2[%dma_wait3A_125, %dma_wait3A_126] : memref<100096x32xf32, #tpu.memory_space<hbm>> -> memref<100096x32xf32, #tpu.memory_space<hbm>>
      tpu.wait_indirect_dma semaphore(%arg9 : memref<!tpu.dma_semaphore, #tpu.memory_space<semaphore_mem>>) src(%dma_wait3A_127 : memref<100096x32xf32, #tpu.memory_space<hbm>>) dst(%dma_wait3A_121 : memref<128x32xf32, #tpu.memory_space<vmem>>)
      %dma_start3A_128 = arith.constant 0 : i32
      %dma_start3A_129 = arith.constant 1 : i32
      %dma_start3A_130 = arith.constant 0 : i32
      %dma_start3A_131 = arith.constant 0 : i32
      %dma_start3A_132 = tpu.memref_slice %arg8[%dma_start3A_130, %dma_start3A_131] : memref<896x32xf32, #tpu.memory_space<vmem>> -> memref<128x32xf32, #tpu.memory_space<vmem>>
      %dma_start3A_133 = arith.constant 0 : i32
      %dma_start3A_134 = tpu.memref_slice %arg7[%dma_start3A_128, %dma_start3A_129, %dma_start3A_133] : memref<7x2x128xi32, #tpu.memory_space<vmem>> -> memref<1x1x128xi32, #tpu.memory_space<vmem>>
      %dma_start3A_135 = tpu.memref_squeeze %dma_start3A_134 : memref<1x1x128xi32, #tpu.memory_space<vmem>> -> memref<128xi32, #tpu.memory_space<vmem>>
      %dma_start3A_136 = arith.constant 0 : i32
      %dma_start3A_137 = arith.constant 0 : i32
      %dma_start3A_138 = tpu.memref_slice %arg6[%dma_start3A_136, %dma_start3A_137] : memref<50048x32xf32, #tpu.memory_space<vmem_shared>> -> memref<50048x32xf32, #tpu.memory_space<vmem_shared>>
      tpu.enqueue_indirect_dma source(%dma_start3A_132 : memref<128x32xf32, #tpu.memory_space<vmem>>) target(%dma_start3A_138 : memref<50048x32xf32, #tpu.memory_space<vmem_shared>>) offsets(%dma_start3A_135 : memref<128xi32, #tpu.memory_space<vmem>>) semaphore(%arg10 : memref<!tpu.dma_semaphore, #tpu.memory_space<semaphore_mem>>) {add = true}
      %dma_wait3A_139 = arith.constant 1 : i32
      %dma_wait3A_140 = arith.constant 0 : i32
      %dma_wait3A_141 = arith.constant 128 : i32
      %dma_wait3A_142 = arith.constant 0 : i32
      %dma_wait3A_143 = tpu.memref_slice %arg8[%dma_wait3A_141, %dma_wait3A_142] : memref<896x32xf32, #tpu.memory_space<vmem>> -> memref<128x32xf32, #tpu.memory_space<vmem>>
      %dma_wait3A_144 = arith.constant 0 : i32
      %dma_wait3A_145 = tpu.memref_slice %arg7[%dma_wait3A_139, %dma_wait3A_140, %dma_wait3A_144] : memref<7x2x128xi32, #tpu.memory_space<vmem>> -> memref<1x1x128xi32, #tpu.memory_space<vmem>>
      %dma_wait3A_146 = tpu.memref_squeeze %dma_wait3A_145 : memref<1x1x128xi32, #tpu.memory_space<vmem>> -> memref<128xi32, #tpu.memory_space<vmem>>
      %dma_wait3A_147 = arith.constant 0 : i32
      %dma_wait3A_148 = arith.constant 0 : i32
      %dma_wait3A_149 = tpu.memref_slice %arg2[%dma_wait3A_147, %dma_wait3A_148] : memref<100096x32xf32, #tpu.memory_space<hbm>> -> memref<100096x32xf32, #tpu.memory_space<hbm>>
      tpu.wait_indirect_dma semaphore(%arg9 : memref<!tpu.dma_semaphore, #tpu.memory_space<semaphore_mem>>) src(%dma_wait3A_149 : memref<100096x32xf32, #tpu.memory_space<hbm>>) dst(%dma_wait3A_143 : memref<128x32xf32, #tpu.memory_space<vmem>>)
      %dma_start3A_150 = arith.constant 1 : i32
      %dma_start3A_151 = arith.constant 1 : i32
      %dma_start3A_152 = arith.constant 128 : i32
      %dma_start3A_153 = arith.constant 0 : i32
      %dma_start3A_154 = tpu.memref_slice %arg8[%dma_start3A_152, %dma_start3A_153] : memref<896x32xf32, #tpu.memory_space<vmem>> -> memref<128x32xf32, #tpu.memory_space<vmem>>
      %dma_start3A_155 = arith.constant 0 : i32
      %dma_start3A_156 = tpu.memref_slice %arg7[%dma_start3A_150, %dma_start3A_151, %dma_start3A_155] : memref<7x2x128xi32, #tpu.memory_space<vmem>> -> memref<1x1x128xi32, #tpu.memory_space<vmem>>
      %dma_start3A_157 = tpu.memref_squeeze %dma_start3A_156 : memref<1x1x128xi32, #tpu.memory_space<vmem>> -> memref<128xi32, #tpu.memory_space<vmem>>
      %dma_start3A_158 = arith.constant 0 : i32
      %dma_start3A_159 = arith.constant 0 : i32
      %dma_start3A_160 = tpu.memref_slice %arg6[%dma_start3A_158, %dma_start3A_159] : memref<50048x32xf32, #tpu.memory_space<vmem_shared>> -> memref<50048x32xf32, #tpu.memory_space<vmem_shared>>
      tpu.enqueue_indirect_dma source(%dma_start3A_154 : memref<128x32xf32, #tpu.memory_space<vmem>>) target(%dma_start3A_160 : memref<50048x32xf32, #tpu.memory_space<vmem_shared>>) offsets(%dma_start3A_157 : memref<128xi32, #tpu.memory_space<vmem>>) semaphore(%arg10 : memref<!tpu.dma_semaphore, #tpu.memory_space<semaphore_mem>>) {add = true}
      %dma_wait3A_161 = arith.constant 2 : i32
      %dma_wait3A_162 = arith.constant 0 : i32
      %dma_wait3A_163 = arith.constant 256 : i32
      %dma_wait3A_164 = arith.constant 0 : i32
      %dma_wait3A_165 = tpu.memref_slice %arg8[%dma_wait3A_163, %dma_wait3A_164] : memref<896x32xf32, #tpu.memory_space<vmem>> -> memref<128x32xf32, #tpu.memory_space<vmem>>
      %dma_wait3A_166 = arith.constant 0 : i32
      %dma_wait3A_167 = tpu.memref_slice %arg7[%dma_wait3A_161, %dma_wait3A_162, %dma_wait3A_166] : memref<7x2x128xi32, #tpu.memory_space<vmem>> -> memref<1x1x128xi32, #tpu.memory_space<vmem>>
      %dma_wait3A_168 = tpu.memref_squeeze %dma_wait3A_167 : memref<1x1x128xi32, #tpu.memory_space<vmem>> -> memref<128xi32, #tpu.memory_space<vmem>>
      %dma_wait3A_169 = arith.constant 0 : i32
      %dma_wait3A_170 = arith.constant 0 : i32
      %dma_wait3A_171 = tpu.memref_slice %arg2[%dma_wait3A_169, %dma_wait3A_170] : memref<100096x32xf32, #tpu.memory_space<hbm>> -> memref<100096x32xf32, #tpu.memory_space<hbm>>
      tpu.wait_indirect_dma semaphore(%arg9 : memref<!tpu.dma_semaphore, #tpu.memory_space<semaphore_mem>>) src(%dma_wait3A_171 : memref<100096x32xf32, #tpu.memory_space<hbm>>) dst(%dma_wait3A_165 : memref<128x32xf32, #tpu.memory_space<vmem>>)
      %dma_start3A_172 = arith.constant 2 : i32
      %dma_start3A_173 = arith.constant 1 : i32
      %dma_start3A_174 = arith.constant 256 : i32
      %dma_start3A_175 = arith.constant 0 : i32
      %dma_start3A_176 = tpu.memref_slice %arg8[%dma_start3A_174, %dma_start3A_175] : memref<896x32xf32, #tpu.memory_space<vmem>> -> memref<128x32xf32, #tpu.memory_space<vmem>>
      %dma_start3A_177 = arith.constant 0 : i32
      %dma_start3A_178 = tpu.memref_slice %arg7[%dma_start3A_172, %dma_start3A_173, %dma_start3A_177] : memref<7x2x128xi32, #tpu.memory_space<vmem>> -> memref<1x1x128xi32, #tpu.memory_space<vmem>>
      %dma_start3A_179 = tpu.memref_squeeze %dma_start3A_178 : memref<1x1x128xi32, #tpu.memory_space<vmem>> -> memref<128xi32, #tpu.memory_space<vmem>>
      %dma_start3A_180 = arith.constant 0 : i32
      %dma_start3A_181 = arith.constant 0 : i32
      %dma_start3A_182 = tpu.memref_slice %arg6[%dma_start3A_180, %dma_start3A_181] : memref<50048x32xf32, #tpu.memory_space<vmem_shared>> -> memref<50048x32xf32, #tpu.memory_space<vmem_shared>>
      tpu.enqueue_indirect_dma source(%dma_start3A_176 : memref<128x32xf32, #tpu.memory_space<vmem>>) target(%dma_start3A_182 : memref<50048x32xf32, #tpu.memory_space<vmem_shared>>) offsets(%dma_start3A_179 : memref<128xi32, #tpu.memory_space<vmem>>) semaphore(%arg10 : memref<!tpu.dma_semaphore, #tpu.memory_space<semaphore_mem>>) {add = true}
      %dma_wait3A_183 = arith.constant 3 : i32
      %dma_wait3A_184 = arith.constant 0 : i32
      %dma_wait3A_185 = arith.constant 384 : i32
      %dma_wait3A_186 = arith.constant 0 : i32
      %dma_wait3A_187 = tpu.memref_slice %arg8[%dma_wait3A_185, %dma_wait3A_186] : memref<896x32xf32, #tpu.memory_space<vmem>> -> memref<128x32xf32, #tpu.memory_space<vmem>>
      %dma_wait3A_188 = arith.constant 0 : i32
      %dma_wait3A_189 = tpu.memref_slice %arg7[%dma_wait3A_183, %dma_wait3A_184, %dma_wait3A_188] : memref<7x2x128xi32, #tpu.memory_space<vmem>> -> memref<1x1x128xi32, #tpu.memory_space<vmem>>
      %dma_wait3A_190 = tpu.memref_squeeze %dma_wait3A_189 : memref<1x1x128xi32, #tpu.memory_space<vmem>> -> memref<128xi32, #tpu.memory_space<vmem>>
      %dma_wait3A_191 = arith.constant 0 : i32
      %dma_wait3A_192 = arith.constant 0 : i32
      %dma_wait3A_193 = tpu.memref_slice %arg2[%dma_wait3A_191, %dma_wait3A_192] : memref<100096x32xf32, #tpu.memory_space<hbm>> -> memref<100096x32xf32, #tpu.memory_space<hbm>>
      tpu.wait_indirect_dma semaphore(%arg9 : memref<!tpu.dma_semaphore, #tpu.memory_space<semaphore_mem>>) src(%dma_wait3A_193 : memref<100096x32xf32, #tpu.memory_space<hbm>>) dst(%dma_wait3A_187 : memref<128x32xf32, #tpu.memory_space<vmem>>)
      %dma_start3A_194 = arith.constant 3 : i32
      %dma_start3A_195 = arith.constant 1 : i32
      %dma_start3A_196 = arith.constant 384 : i32
      %dma_start3A_197 = arith.constant 0 : i32
      %dma_start3A_198 = tpu.memref_slice %arg8[%dma_start3A_196, %dma_start3A_197] : memref<896x32xf32, #tpu.memory_space<vmem>> -> memref<128x32xf32, #tpu.memory_space<vmem>>
      %dma_start3A_199 = arith.constant 0 : i32
      %dma_start3A_200 = tpu.memref_slice %arg7[%dma_start3A_194, %dma_start3A_195, %dma_start3A_199] : memref<7x2x128xi32, #tpu.memory_space<vmem>> -> memref<1x1x128xi32, #tpu.memory_space<vmem>>
      %dma_start3A_201 = tpu.memref_squeeze %dma_start3A_200 : memref<1x1x128xi32, #tpu.memory_space<vmem>> -> memref<128xi32, #tpu.memory_space<vmem>>
      %dma_start3A_202 = arith.constant 0 : i32
      %dma_start3A_203 = arith.constant 0 : i32
      %dma_start3A_204 = tpu.memref_slice %arg6[%dma_start3A_202, %dma_start3A_203] : memref<50048x32xf32, #tpu.memory_space<vmem_shared>> -> memref<50048x32xf32, #tpu.memory_space<vmem_shared>>
      tpu.enqueue_indirect_dma source(%dma_start3A_198 : memref<128x32xf32, #tpu.memory_space<vmem>>) target(%dma_start3A_204 : memref<50048x32xf32, #tpu.memory_space<vmem_shared>>) offsets(%dma_start3A_201 : memref<128xi32, #tpu.memory_space<vmem>>) semaphore(%arg10 : memref<!tpu.dma_semaphore, #tpu.memory_space<semaphore_mem>>) {add = true}
      %dma_wait3A_205 = arith.constant 4 : i32
      %dma_wait3A_206 = arith.constant 0 : i32
      %dma_wait3A_207 = arith.constant 512 : i32
      %dma_wait3A_208 = arith.constant 0 : i32
      %dma_wait3A_209 = tpu.memref_slice %arg8[%dma_wait3A_207, %dma_wait3A_208] : memref<896x32xf32, #tpu.memory_space<vmem>> -> memref<128x32xf32, #tpu.memory_space<vmem>>
      %dma_wait3A_210 = arith.constant 0 : i32
      %dma_wait3A_211 = tpu.memref_slice %arg7[%dma_wait3A_205, %dma_wait3A_206, %dma_wait3A_210] : memref<7x2x128xi32, #tpu.memory_space<vmem>> -> memref<1x1x128xi32, #tpu.memory_space<vmem>>
      %dma_wait3A_212 = tpu.memref_squeeze %dma_wait3A_211 : memref<1x1x128xi32, #tpu.memory_space<vmem>> -> memref<128xi32, #tpu.memory_space<vmem>>
      %dma_wait3A_213 = arith.constant 0 : i32
      %dma_wait3A_214 = arith.constant 0 : i32
      %dma_wait3A_215 = tpu.memref_slice %arg2[%dma_wait3A_213, %dma_wait3A_214] : memref<100096x32xf32, #tpu.memory_space<hbm>> -> memref<100096x32xf32, #tpu.memory_space<hbm>>
      tpu.wait_indirect_dma semaphore(%arg9 : memref<!tpu.dma_semaphore, #tpu.memory_space<semaphore_mem>>) src(%dma_wait3A_215 : memref<100096x32xf32, #tpu.memory_space<hbm>>) dst(%dma_wait3A_209 : memref<128x32xf32, #tpu.memory_space<vmem>>)
      %dma_start3A_216 = arith.constant 4 : i32
      %dma_start3A_217 = arith.constant 1 : i32
      %dma_start3A_218 = arith.constant 512 : i32
      %dma_start3A_219 = arith.constant 0 : i32
      %dma_start3A_220 = tpu.memref_slice %arg8[%dma_start3A_218, %dma_start3A_219] : memref<896x32xf32, #tpu.memory_space<vmem>> -> memref<128x32xf32, #tpu.memory_space<vmem>>
      %dma_start3A_221 = arith.constant 0 : i32
      %dma_start3A_222 = tpu.memref_slice %arg7[%dma_start3A_216, %dma_start3A_217, %dma_start3A_221] : memref<7x2x128xi32, #tpu.memory_space<vmem>> -> memref<1x1x128xi32, #tpu.memory_space<vmem>>
      %dma_start3A_223 = tpu.memref_squeeze %dma_start3A_222 : memref<1x1x128xi32, #tpu.memory_space<vmem>> -> memref<128xi32, #tpu.memory_space<vmem>>
      %dma_start3A_224 = arith.constant 0 : i32
      %dma_start3A_225 = arith.constant 0 : i32
      %dma_start3A_226 = tpu.memref_slice %arg6[%dma_start3A_224, %dma_start3A_225] : memref<50048x32xf32, #tpu.memory_space<vmem_shared>> -> memref<50048x32xf32, #tpu.memory_space<vmem_shared>>
      tpu.enqueue_indirect_dma source(%dma_start3A_220 : memref<128x32xf32, #tpu.memory_space<vmem>>) target(%dma_start3A_226 : memref<50048x32xf32, #tpu.memory_space<vmem_shared>>) offsets(%dma_start3A_223 : memref<128xi32, #tpu.memory_space<vmem>>) semaphore(%arg10 : memref<!tpu.dma_semaphore, #tpu.memory_space<semaphore_mem>>) {add = true}
      %dma_wait3A_227 = arith.constant 5 : i32
      %dma_wait3A_228 = arith.constant 0 : i32
      %dma_wait3A_229 = arith.constant 640 : i32
      %dma_wait3A_230 = arith.constant 0 : i32
      %dma_wait3A_231 = tpu.memref_slice %arg8[%dma_wait3A_229, %dma_wait3A_230] : memref<896x32xf32, #tpu.memory_space<vmem>> -> memref<128x32xf32, #tpu.memory_space<vmem>>
      %dma_wait3A_232 = arith.constant 0 : i32
      %dma_wait3A_233 = tpu.memref_slice %arg7[%dma_wait3A_227, %dma_wait3A_228, %dma_wait3A_232] : memref<7x2x128xi32, #tpu.memory_space<vmem>> -> memref<1x1x128xi32, #tpu.memory_space<vmem>>
      %dma_wait3A_234 = tpu.memref_squeeze %dma_wait3A_233 : memref<1x1x128xi32, #tpu.memory_space<vmem>> -> memref<128xi32, #tpu.memory_space<vmem>>
      %dma_wait3A_235 = arith.constant 0 : i32
      %dma_wait3A_236 = arith.constant 0 : i32
      %dma_wait3A_237 = tpu.memref_slice %arg2[%dma_wait3A_235, %dma_wait3A_236] : memref<100096x32xf32, #tpu.memory_space<hbm>> -> memref<100096x32xf32, #tpu.memory_space<hbm>>
      tpu.wait_indirect_dma semaphore(%arg9 : memref<!tpu.dma_semaphore, #tpu.memory_space<semaphore_mem>>) src(%dma_wait3A_237 : memref<100096x32xf32, #tpu.memory_space<hbm>>) dst(%dma_wait3A_231 : memref<128x32xf32, #tpu.memory_space<vmem>>)
      %dma_start3A_238 = arith.constant 5 : i32
      %dma_start3A_239 = arith.constant 1 : i32
      %dma_start3A_240 = arith.constant 640 : i32
      %dma_start3A_241 = arith.constant 0 : i32
      %dma_start3A_242 = tpu.memref_slice %arg8[%dma_start3A_240, %dma_start3A_241] : memref<896x32xf32, #tpu.memory_space<vmem>> -> memref<128x32xf32, #tpu.memory_space<vmem>>
      %dma_start3A_243 = arith.constant 0 : i32
      %dma_start3A_244 = tpu.memref_slice %arg7[%dma_start3A_238, %dma_start3A_239, %dma_start3A_243] : memref<7x2x128xi32, #tpu.memory_space<vmem>> -> memref<1x1x128xi32, #tpu.memory_space<vmem>>
      %dma_start3A_245 = tpu.memref_squeeze %dma_start3A_244 : memref<1x1x128xi32, #tpu.memory_space<vmem>> -> memref<128xi32, #tpu.memory_space<vmem>>
      %dma_start3A_246 = arith.constant 0 : i32
      %dma_start3A_247 = arith.constant 0 : i32
      %dma_start3A_248 = tpu.memref_slice %arg6[%dma_start3A_246, %dma_start3A_247] : memref<50048x32xf32, #tpu.memory_space<vmem_shared>> -> memref<50048x32xf32, #tpu.memory_space<vmem_shared>>
      tpu.enqueue_indirect_dma source(%dma_start3A_242 : memref<128x32xf32, #tpu.memory_space<vmem>>) target(%dma_start3A_248 : memref<50048x32xf32, #tpu.memory_space<vmem_shared>>) offsets(%dma_start3A_245 : memref<128xi32, #tpu.memory_space<vmem>>) semaphore(%arg10 : memref<!tpu.dma_semaphore, #tpu.memory_space<semaphore_mem>>) {add = true}
      %dma_wait3A_249 = arith.constant 6 : i32
      %dma_wait3A_250 = arith.constant 0 : i32
      %dma_wait3A_251 = arith.constant 768 : i32
      %dma_wait3A_252 = arith.constant 0 : i32
      %dma_wait3A_253 = tpu.memref_slice %arg8[%dma_wait3A_251, %dma_wait3A_252] : memref<896x32xf32, #tpu.memory_space<vmem>> -> memref<128x32xf32, #tpu.memory_space<vmem>>
      %dma_wait3A_254 = arith.constant 0 : i32
      %dma_wait3A_255 = tpu.memref_slice %arg7[%dma_wait3A_249, %dma_wait3A_250, %dma_wait3A_254] : memref<7x2x128xi32, #tpu.memory_space<vmem>> -> memref<1x1x128xi32, #tpu.memory_space<vmem>>
      %dma_wait3A_256 = tpu.memref_squeeze %dma_wait3A_255 : memref<1x1x128xi32, #tpu.memory_space<vmem>> -> memref<128xi32, #tpu.memory_space<vmem>>
      %dma_wait3A_257 = arith.constant 0 : i32
      %dma_wait3A_258 = arith.constant 0 : i32
      %dma_wait3A_259 = tpu.memref_slice %arg2[%dma_wait3A_257, %dma_wait3A_258] : memref<100096x32xf32, #tpu.memory_space<hbm>> -> memref<100096x32xf32, #tpu.memory_space<hbm>>
      tpu.wait_indirect_dma semaphore(%arg9 : memref<!tpu.dma_semaphore, #tpu.memory_space<semaphore_mem>>) src(%dma_wait3A_259 : memref<100096x32xf32, #tpu.memory_space<hbm>>) dst(%dma_wait3A_253 : memref<128x32xf32, #tpu.memory_space<vmem>>)
      %dma_start3A_260 = arith.constant 6 : i32
      %dma_start3A_261 = arith.constant 1 : i32
      %dma_start3A_262 = arith.constant 768 : i32
      %dma_start3A_263 = arith.constant 0 : i32
      %dma_start3A_264 = tpu.memref_slice %arg8[%dma_start3A_262, %dma_start3A_263] : memref<896x32xf32, #tpu.memory_space<vmem>> -> memref<128x32xf32, #tpu.memory_space<vmem>>
      %dma_start3A_265 = arith.constant 0 : i32
      %dma_start3A_266 = tpu.memref_slice %arg7[%dma_start3A_260, %dma_start3A_261, %dma_start3A_265] : memref<7x2x128xi32, #tpu.memory_space<vmem>> -> memref<1x1x128xi32, #tpu.memory_space<vmem>>
      %dma_start3A_267 = tpu.memref_squeeze %dma_start3A_266 : memref<1x1x128xi32, #tpu.memory_space<vmem>> -> memref<128xi32, #tpu.memory_space<vmem>>
      %dma_start3A_268 = arith.constant 0 : i32
      %dma_start3A_269 = arith.constant 0 : i32
      %dma_start3A_270 = tpu.memref_slice %arg6[%dma_start3A_268, %dma_start3A_269] : memref<50048x32xf32, #tpu.memory_space<vmem_shared>> -> memref<50048x32xf32, #tpu.memory_space<vmem_shared>>
      tpu.enqueue_indirect_dma source(%dma_start3A_264 : memref<128x32xf32, #tpu.memory_space<vmem>>) target(%dma_start3A_270 : memref<50048x32xf32, #tpu.memory_space<vmem_shared>>) offsets(%dma_start3A_267 : memref<128xi32, #tpu.memory_space<vmem>>) semaphore(%arg10 : memref<!tpu.dma_semaphore, #tpu.memory_space<semaphore_mem>>) {add = true}
      %dma_wait3A_271 = arith.constant 0 : i32
      %dma_wait3A_272 = arith.constant 1 : i32
      %dma_wait3A_273 = arith.constant 0 : i32
      %dma_wait3A_274 = arith.constant 0 : i32
      %dma_wait3A_275 = tpu.memref_slice %arg8[%dma_wait3A_273, %dma_wait3A_274] : memref<896x32xf32, #tpu.memory_space<vmem>> -> memref<128x32xf32, #tpu.memory_space<vmem>>
      %dma_wait3A_276 = arith.constant 0 : i32
      %dma_wait3A_277 = tpu.memref_slice %arg7[%dma_wait3A_271, %dma_wait3A_272, %dma_wait3A_276] : memref<7x2x128xi32, #tpu.memory_space<vmem>> -> memref<1x1x128xi32, #tpu.memory_space<vmem>>
      %dma_wait3A_278 = tpu.memref_squeeze %dma_wait3A_277 : memref<1x1x128xi32, #tpu.memory_space<vmem>> -> memref<128xi32, #tpu.memory_space<vmem>>
      %dma_wait3A_279 = arith.constant 0 : i32
      %dma_wait3A_280 = arith.constant 0 : i32
      %dma_wait3A_281 = tpu.memref_slice %arg6[%dma_wait3A_279, %dma_wait3A_280] : memref<50048x32xf32, #tpu.memory_space<vmem_shared>> -> memref<50048x32xf32, #tpu.memory_space<vmem_shared>>
      tpu.wait_indirect_dma semaphore(%arg10 : memref<!tpu.dma_semaphore, #tpu.memory_space<semaphore_mem>>) src(%dma_wait3A_275 : memref<128x32xf32, #tpu.memory_space<vmem>>) dst(%dma_wait3A_281 : memref<50048x32xf32, #tpu.memory_space<vmem_shared>>)
      %dma_wait3A_282 = arith.constant 1 : i32
      %dma_wait3A_283 = arith.constant 1 : i32
      %dma_wait3A_284 = arith.constant 128 : i32
      %dma_wait3A_285 = arith.constant 0 : i32
      %dma_wait3A_286 = tpu.memref_slice %arg8[%dma_wait3A_284, %dma_wait3A_285] : memref<896x32xf32, #tpu.memory_space<vmem>> -> memref<128x32xf32, #tpu.memory_space<vmem>>
      %dma_wait3A_287 = arith.constant 0 : i32
      %dma_wait3A_288 = tpu.memref_slice %arg7[%dma_wait3A_282, %dma_wait3A_283, %dma_wait3A_287] : memref<7x2x128xi32, #tpu.memory_space<vmem>> -> memref<1x1x128xi32, #tpu.memory_space<vmem>>
      %dma_wait3A_289 = tpu.memref_squeeze %dma_wait3A_288 : memref<1x1x128xi32, #tpu.memory_space<vmem>> -> memref<128xi32, #tpu.memory_space<vmem>>
      %dma_wait3A_290 = arith.constant 0 : i32
      %dma_wait3A_291 = arith.constant 0 : i32
      %dma_wait3A_292 = tpu.memref_slice %arg6[%dma_wait3A_290, %dma_wait3A_291] : memref<50048x32xf32, #tpu.memory_space<vmem_shared>> -> memref<50048x32xf32, #tpu.memory_space<vmem_shared>>
      tpu.wait_indirect_dma semaphore(%arg10 : memref<!tpu.dma_semaphore, #tpu.memory_space<semaphore_mem>>) src(%dma_wait3A_286 : memref<128x32xf32, #tpu.memory_space<vmem>>) dst(%dma_wait3A_292 : memref<50048x32xf32, #tpu.memory_space<vmem_shared>>)
      %dma_wait3A_293 = arith.constant 2 : i32
      %dma_wait3A_294 = arith.constant 1 : i32
      %dma_wait3A_295 = arith.constant 256 : i32
      %dma_wait3A_296 = arith.constant 0 : i32
      %dma_wait3A_297 = tpu.memref_slice %arg8[%dma_wait3A_295, %dma_wait3A_296] : memref<896x32xf32, #tpu.memory_space<vmem>> -> memref<128x32xf32, #tpu.memory_space<vmem>>
      %dma_wait3A_298 = arith.constant 0 : i32
      %dma_wait3A_299 = tpu.memref_slice %arg7[%dma_wait3A_293, %dma_wait3A_294, %dma_wait3A_298] : memref<7x2x128xi32, #tpu.memory_space<vmem>> -> memref<1x1x128xi32, #tpu.memory_space<vmem>>
      %dma_wait3A_300 = tpu.memref_squeeze %dma_wait3A_299 : memref<1x1x128xi32, #tpu.memory_space<vmem>> -> memref<128xi32, #tpu.memory_space<vmem>>
      %dma_wait3A_301 = arith.constant 0 : i32
      %dma_wait3A_302 = arith.constant 0 : i32
      %dma_wait3A_303 = tpu.memref_slice %arg6[%dma_wait3A_301, %dma_wait3A_302] : memref<50048x32xf32, #tpu.memory_space<vmem_shared>> -> memref<50048x32xf32, #tpu.memory_space<vmem_shared>>
      tpu.wait_indirect_dma semaphore(%arg10 : memref<!tpu.dma_semaphore, #tpu.memory_space<semaphore_mem>>) src(%dma_wait3A_297 : memref<128x32xf32, #tpu.memory_space<vmem>>) dst(%dma_wait3A_303 : memref<50048x32xf32, #tpu.memory_space<vmem_shared>>)
      %dma_wait3A_304 = arith.constant 3 : i32
      %dma_wait3A_305 = arith.constant 1 : i32
      %dma_wait3A_306 = arith.constant 384 : i32
      %dma_wait3A_307 = arith.constant 0 : i32
      %dma_wait3A_308 = tpu.memref_slice %arg8[%dma_wait3A_306, %dma_wait3A_307] : memref<896x32xf32, #tpu.memory_space<vmem>> -> memref<128x32xf32, #tpu.memory_space<vmem>>
      %dma_wait3A_309 = arith.constant 0 : i32
      %dma_wait3A_310 = tpu.memref_slice %arg7[%dma_wait3A_304, %dma_wait3A_305, %dma_wait3A_309] : memref<7x2x128xi32, #tpu.memory_space<vmem>> -> memref<1x1x128xi32, #tpu.memory_space<vmem>>
      %dma_wait3A_311 = tpu.memref_squeeze %dma_wait3A_310 : memref<1x1x128xi32, #tpu.memory_space<vmem>> -> memref<128xi32, #tpu.memory_space<vmem>>
      %dma_wait3A_312 = arith.constant 0 : i32
      %dma_wait3A_313 = arith.constant 0 : i32
      %dma_wait3A_314 = tpu.memref_slice %arg6[%dma_wait3A_312, %dma_wait3A_313] : memref<50048x32xf32, #tpu.memory_space<vmem_shared>> -> memref<50048x32xf32, #tpu.memory_space<vmem_shared>>
      tpu.wait_indirect_dma semaphore(%arg10 : memref<!tpu.dma_semaphore, #tpu.memory_space<semaphore_mem>>) src(%dma_wait3A_308 : memref<128x32xf32, #tpu.memory_space<vmem>>) dst(%dma_wait3A_314 : memref<50048x32xf32, #tpu.memory_space<vmem_shared>>)
      %dma_wait3A_315 = arith.constant 4 : i32
      %dma_wait3A_316 = arith.constant 1 : i32
      %dma_wait3A_317 = arith.constant 512 : i32
      %dma_wait3A_318 = arith.constant 0 : i32
      %dma_wait3A_319 = tpu.memref_slice %arg8[%dma_wait3A_317, %dma_wait3A_318] : memref<896x32xf32, #tpu.memory_space<vmem>> -> memref<128x32xf32, #tpu.memory_space<vmem>>
      %dma_wait3A_320 = arith.constant 0 : i32
      %dma_wait3A_321 = tpu.memref_slice %arg7[%dma_wait3A_315, %dma_wait3A_316, %dma_wait3A_320] : memref<7x2x128xi32, #tpu.memory_space<vmem>> -> memref<1x1x128xi32, #tpu.memory_space<vmem>>
      %dma_wait3A_322 = tpu.memref_squeeze %dma_wait3A_321 : memref<1x1x128xi32, #tpu.memory_space<vmem>> -> memref<128xi32, #tpu.memory_space<vmem>>
      %dma_wait3A_323 = arith.constant 0 : i32
      %dma_wait3A_324 = arith.constant 0 : i32
      %dma_wait3A_325 = tpu.memref_slice %arg6[%dma_wait3A_323, %dma_wait3A_324] : memref<50048x32xf32, #tpu.memory_space<vmem_shared>> -> memref<50048x32xf32, #tpu.memory_space<vmem_shared>>
      tpu.wait_indirect_dma semaphore(%arg10 : memref<!tpu.dma_semaphore, #tpu.memory_space<semaphore_mem>>) src(%dma_wait3A_319 : memref<128x32xf32, #tpu.memory_space<vmem>>) dst(%dma_wait3A_325 : memref<50048x32xf32, #tpu.memory_space<vmem_shared>>)
      %dma_wait3A_326 = arith.constant 5 : i32
      %dma_wait3A_327 = arith.constant 1 : i32
      %dma_wait3A_328 = arith.constant 640 : i32
      %dma_wait3A_329 = arith.constant 0 : i32
      %dma_wait3A_330 = tpu.memref_slice %arg8[%dma_wait3A_328, %dma_wait3A_329] : memref<896x32xf32, #tpu.memory_space<vmem>> -> memref<128x32xf32, #tpu.memory_space<vmem>>
      %dma_wait3A_331 = arith.constant 0 : i32
      %dma_wait3A_332 = tpu.memref_slice %arg7[%dma_wait3A_326, %dma_wait3A_327, %dma_wait3A_331] : memref<7x2x128xi32, #tpu.memory_space<vmem>> -> memref<1x1x128xi32, #tpu.memory_space<vmem>>
      %dma_wait3A_333 = tpu.memref_squeeze %dma_wait3A_332 : memref<1x1x128xi32, #tpu.memory_space<vmem>> -> memref<128xi32, #tpu.memory_space<vmem>>
      %dma_wait3A_334 = arith.constant 0 : i32
      %dma_wait3A_335 = arith.constant 0 : i32
      %dma_wait3A_336 = tpu.memref_slice %arg6[%dma_wait3A_334, %dma_wait3A_335] : memref<50048x32xf32, #tpu.memory_space<vmem_shared>> -> memref<50048x32xf32, #tpu.memory_space<vmem_shared>>
      tpu.wait_indirect_dma semaphore(%arg10 : memref<!tpu.dma_semaphore, #tpu.memory_space<semaphore_mem>>) src(%dma_wait3A_330 : memref<128x32xf32, #tpu.memory_space<vmem>>) dst(%dma_wait3A_336 : memref<50048x32xf32, #tpu.memory_space<vmem_shared>>)
      %dma_wait3A_337 = arith.constant 6 : i32
      %dma_wait3A_338 = arith.constant 1 : i32
      %dma_wait3A_339 = arith.constant 768 : i32
      %dma_wait3A_340 = arith.constant 0 : i32
      %dma_wait3A_341 = tpu.memref_slice %arg8[%dma_wait3A_339, %dma_wait3A_340] : memref<896x32xf32, #tpu.memory_space<vmem>> -> memref<128x32xf32, #tpu.memory_space<vmem>>
      %dma_wait3A_342 = arith.constant 0 : i32
      %dma_wait3A_343 = tpu.memref_slice %arg7[%dma_wait3A_337, %dma_wait3A_338, %dma_wait3A_342] : memref<7x2x128xi32, #tpu.memory_space<vmem>> -> memref<1x1x128xi32, #tpu.memory_space<vmem>>
      %dma_wait3A_344 = tpu.memref_squeeze %dma_wait3A_343 : memref<1x1x128xi32, #tpu.memory_space<vmem>> -> memref<128xi32, #tpu.memory_space<vmem>>
      %dma_wait3A_345 = arith.constant 0 : i32
      %dma_wait3A_346 = arith.constant 0 : i32
      %dma_wait3A_347 = tpu.memref_slice %arg6[%dma_wait3A_345, %dma_wait3A_346] : memref<50048x32xf32, #tpu.memory_space<vmem_shared>> -> memref<50048x32xf32, #tpu.memory_space<vmem_shared>>
      tpu.wait_indirect_dma semaphore(%arg10 : memref<!tpu.dma_semaphore, #tpu.memory_space<semaphore_mem>>) src(%dma_wait3A_341 : memref<128x32xf32, #tpu.memory_space<vmem>>) dst(%dma_wait3A_347 : memref<50048x32xf32, #tpu.memory_space<vmem_shared>>)
    }
    %scan3A_9 = arith.constant 56 : i32
    %barrier3A_10 = arith.constant 0 : index
    tpu.barrier barrier_id(%barrier3A_10)
    %mul3A_11 = arith.constant 3128 : i32
    %mul3A_12 = arith.muli %arg1, %mul3A_11 : i32
    %mul3A_13 = arith.constant 50048 : i32
    %mul3A_14 = arith.muli %arg0, %mul3A_13 : i32
    %mul3A_15 = arith.constant 3128 : i32
    %mul3A_16 = arith.muli %arg1, %mul3A_15 : i32
    %add3A_17 = arith.addi %mul3A_14, %mul3A_16 : i32
    "tpu.region"() ({
      %run_scoped3A = tpu.sem_alloc : memref<!tpu.dma_semaphore, #tpu.memory_space<semaphore_mem>>
      %dma_start3A = arith.constant 0 : i32
      %dma_start3A_33 = tpu.memref_slice %arg5[%add3A_17, %dma_start3A] : memref<100096x32xf32, #tpu.memory_space<hbm>> -> memref<3128x32xf32, #tpu.memory_space<hbm>>
      %dma_start3A_34 = arith.constant 0 : i32
      %dma_start3A_35 = tpu.memref_slice %arg6[%mul3A_12, %dma_start3A_34] : memref<50048x32xf32, #tpu.memory_space<vmem_shared>> -> memref<3128x32xf32, #tpu.memory_space<vmem_shared>>
      tpu.enqueue_dma source(%dma_start3A_35 : memref<3128x32xf32, #tpu.memory_space<vmem_shared>>) target(%dma_start3A_33 : memref<3128x32xf32, #tpu.memory_space<hbm>>) target_semaphore(%run_scoped3A : memref<!tpu.dma_semaphore, #tpu.memory_space<semaphore_mem>>)
      %dma_wait3A = arith.constant 0 : i32
      %dma_wait3A_36 = tpu.memref_slice %arg5[%add3A_17, %dma_wait3A] : memref<100096x32xf32, #tpu.memory_space<hbm>> -> memref<3128x32xf32, #tpu.memory_space<hbm>>
      %dma_wait3A_37 = arith.constant 0 : i32
      %dma_wait3A_38 = tpu.memref_slice %arg6[%mul3A_12, %dma_wait3A_37] : memref<50048x32xf32, #tpu.memory_space<vmem_shared>> -> memref<3128x32xf32, #tpu.memory_space<vmem_shared>>
      tpu.wait_dma2 semaphore(%run_scoped3A : memref<!tpu.dma_semaphore, #tpu.memory_space<semaphore_mem>>) src(%dma_wait3A_38 : memref<3128x32xf32, #tpu.memory_space<vmem_shared>>) dst(%dma_wait3A_36 : memref<3128x32xf32, #tpu.memory_space<hbm>>)
      tpu.yield
    }) : () -> ()
    %barrier3A_18 = arith.constant 0 : index
    tpu.barrier barrier_id(%barrier3A_18)
    %scan3A_19 = arith.constant 0 : i32
    %scan3A_20 = arith.constant 0 : i32
    %scan3A_21 = arith.constant 56 : i32
    %scan3A_22 = arith.addi %scan3A_20, %scan3A_21 : i32
    %scan3A_23 = arith.constant 1 : i32
    scf.for %scan3A_33 = %scan3A_20 to %scan3A_22 step %scan3A_23  : i32 {
      %mul3A_34 = arith.constant 392 : i32
      %mul3A_35 = arith.muli %arg1, %mul3A_34 : i32
      %mul3A_36 = arith.constant 7 : i32
      %mul3A_37 = arith.muli %scan3A_33, %mul3A_36 : i32
      %add3A_38 = arith.addi %mul3A_35, %mul3A_37 : i32
      %mul3A_39 = arith.constant 6272 : i32
      %mul3A_40 = arith.muli %arg0, %mul3A_39 : i32
      %add3A_41 = arith.addi %mul3A_40, %add3A_38 : i32
      "tpu.region"() ({
        %run_scoped3A = tpu.sem_alloc : memref<!tpu.dma_semaphore, #tpu.memory_space<semaphore_mem>>
        %dma_start3A_348 = arith.constant 0 : i32
        %dma_start3A_349 = arith.constant 0 : i32
        %dma_start3A_350 = tpu.memref_slice %arg3[%add3A_41, %dma_start3A_348, %dma_start3A_349] : memref<12544x2x128xi32, #tpu.memory_space<hbm>> -> memref<7x2x128xi32, #tpu.memory_space<hbm>>
        %dma_start3A_351 = arith.constant 0 : i32
        %dma_start3A_352 = arith.constant 0 : i32
        %dma_start3A_353 = tpu.memref_slice %arg3[%add3A_41, %dma_start3A_351, %dma_start3A_352] : memref<12544x2x128xi32, #tpu.memory_space<hbm>> -> memref<7x2x128xi32, #tpu.memory_space<hbm>>
        tpu.enqueue_dma source(%dma_start3A_353 : memref<7x2x128xi32, #tpu.memory_space<hbm>>) target(%arg7 : memref<7x2x128xi32, #tpu.memory_space<vmem>>) target_semaphore(%run_scoped3A : memref<!tpu.dma_semaphore, #tpu.memory_space<semaphore_mem>>)
        %dma_wait3A_354 = arith.constant 0 : i32
        %dma_wait3A_355 = arith.constant 0 : i32
        %dma_wait3A_356 = tpu.memref_slice %arg3[%add3A_41, %dma_wait3A_354, %dma_wait3A_355] : memref<12544x2x128xi32, #tpu.memory_space<hbm>> -> memref<7x2x128xi32, #tpu.memory_space<hbm>>
        %dma_wait3A_357 = arith.constant 0 : i32
        %dma_wait3A_358 = arith.constant 0 : i32
        %dma_wait3A_359 = tpu.memref_slice %arg3[%add3A_41, %dma_wait3A_357, %dma_wait3A_358] : memref<12544x2x128xi32, #tpu.memory_space<hbm>> -> memref<7x2x128xi32, #tpu.memory_space<hbm>>
        tpu.wait_dma2 semaphore(%run_scoped3A : memref<!tpu.dma_semaphore, #tpu.memory_space<semaphore_mem>>) src(%dma_wait3A_359 : memref<7x2x128xi32, #tpu.memory_space<hbm>>) dst(%arg7 : memref<7x2x128xi32, #tpu.memory_space<vmem>>)
        tpu.yield
      }) : () -> ()
      %dma_start3A = arith.constant 0 : i32
      %dma_start3A_42 = arith.constant 0 : i32
      %dma_start3A_43 = arith.constant 0 : i32
      %dma_start3A_44 = arith.constant 0 : i32
      %dma_start3A_45 = tpu.memref_slice %arg8[%dma_start3A_43, %dma_start3A_44] : memref<896x32xf32, #tpu.memory_space<vmem>> -> memref<128x32xf32, #tpu.memory_space<vmem>>
      %dma_start3A_46 = arith.constant 0 : i32
      %dma_start3A_47 = tpu.memref_slice %arg7[%dma_start3A, %dma_start3A_42, %dma_start3A_46] : memref<7x2x128xi32, #tpu.memory_space<vmem>> -> memref<1x1x128xi32, #tpu.memory_space<vmem>>
      %dma_start3A_48 = tpu.memref_squeeze %dma_start3A_47 : memref<1x1x128xi32, #tpu.memory_space<vmem>> -> memref<128xi32, #tpu.memory_space<vmem>>
      %dma_start3A_49 = arith.constant 0 : i32
      %dma_start3A_50 = arith.constant 0 : i32
      %dma_start3A_51 = tpu.memref_slice %arg5[%dma_start3A_49, %dma_start3A_50] : memref<100096x32xf32, #tpu.memory_space<hbm>> -> memref<100096x32xf32, #tpu.memory_space<hbm>>
      tpu.enqueue_indirect_dma source(%dma_start3A_51 : memref<100096x32xf32, #tpu.memory_space<hbm>>) target(%dma_start3A_45 : memref<128x32xf32, #tpu.memory_space<vmem>>) offsets(%dma_start3A_48 : memref<128xi32, #tpu.memory_space<vmem>>) semaphore(%arg9 : memref<!tpu.dma_semaphore, #tpu.memory_space<semaphore_mem>>)
      %dma_start3A_52 = arith.constant 1 : i32
      %dma_start3A_53 = arith.constant 0 : i32
      %dma_start3A_54 = arith.constant 128 : i32
      %dma_start3A_55 = arith.constant 0 : i32
      %dma_start3A_56 = tpu.memref_slice %arg8[%dma_start3A_54, %dma_start3A_55] : memref<896x32xf32, #tpu.memory_space<vmem>> -> memref<128x32xf32, #tpu.memory_space<vmem>>
      %dma_start3A_57 = arith.constant 0 : i32
      %dma_start3A_58 = tpu.memref_slice %arg7[%dma_start3A_52, %dma_start3A_53, %dma_start3A_57] : memref<7x2x128xi32, #tpu.memory_space<vmem>> -> memref<1x1x128xi32, #tpu.memory_space<vmem>>
      %dma_start3A_59 = tpu.memref_squeeze %dma_start3A_58 : memref<1x1x128xi32, #tpu.memory_space<vmem>> -> memref<128xi32, #tpu.memory_space<vmem>>
      %dma_start3A_60 = arith.constant 0 : i32
      %dma_start3A_61 = arith.constant 0 : i32
      %dma_start3A_62 = tpu.memref_slice %arg5[%dma_start3A_60, %dma_start3A_61] : memref<100096x32xf32, #tpu.memory_space<hbm>> -> memref<100096x32xf32, #tpu.memory_space<hbm>>
      tpu.enqueue_indirect_dma source(%dma_start3A_62 : memref<100096x32xf32, #tpu.memory_space<hbm>>) target(%dma_start3A_56 : memref<128x32xf32, #tpu.memory_space<vmem>>) offsets(%dma_start3A_59 : memref<128xi32, #tpu.memory_space<vmem>>) semaphore(%arg9 : memref<!tpu.dma_semaphore, #tpu.memory_space<semaphore_mem>>)
      %dma_start3A_63 = arith.constant 2 : i32
      %dma_start3A_64 = arith.constant 0 : i32
      %dma_start3A_65 = arith.constant 256 : i32
      %dma_start3A_66 = arith.constant 0 : i32
      %dma_start3A_67 = tpu.memref_slice %arg8[%dma_start3A_65, %dma_start3A_66] : memref<896x32xf32, #tpu.memory_space<vmem>> -> memref<128x32xf32, #tpu.memory_space<vmem>>
      %dma_start3A_68 = arith.constant 0 : i32
      %dma_start3A_69 = tpu.memref_slice %arg7[%dma_start3A_63, %dma_start3A_64, %dma_start3A_68] : memref<7x2x128xi32, #tpu.memory_space<vmem>> -> memref<1x1x128xi32, #tpu.memory_space<vmem>>
      %dma_start3A_70 = tpu.memref_squeeze %dma_start3A_69 : memref<1x1x128xi32, #tpu.memory_space<vmem>> -> memref<128xi32, #tpu.memory_space<vmem>>
      %dma_start3A_71 = arith.constant 0 : i32
      %dma_start3A_72 = arith.constant 0 : i32
      %dma_start3A_73 = tpu.memref_slice %arg5[%dma_start3A_71, %dma_start3A_72] : memref<100096x32xf32, #tpu.memory_space<hbm>> -> memref<100096x32xf32, #tpu.memory_space<hbm>>
      tpu.enqueue_indirect_dma source(%dma_start3A_73 : memref<100096x32xf32, #tpu.memory_space<hbm>>) target(%dma_start3A_67 : memref<128x32xf32, #tpu.memory_space<vmem>>) offsets(%dma_start3A_70 : memref<128xi32, #tpu.memory_space<vmem>>) semaphore(%arg9 : memref<!tpu.dma_semaphore, #tpu.memory_space<semaphore_mem>>)
      %dma_start3A_74 = arith.constant 3 : i32
      %dma_start3A_75 = arith.constant 0 : i32
      %dma_start3A_76 = arith.constant 384 : i32
      %dma_start3A_77 = arith.constant 0 : i32
      %dma_start3A_78 = tpu.memref_slice %arg8[%dma_start3A_76, %dma_start3A_77] : memref<896x32xf32, #tpu.memory_space<vmem>> -> memref<128x32xf32, #tpu.memory_space<vmem>>
      %dma_start3A_79 = arith.constant 0 : i32
      %dma_start3A_80 = tpu.memref_slice %arg7[%dma_start3A_74, %dma_start3A_75, %dma_start3A_79] : memref<7x2x128xi32, #tpu.memory_space<vmem>> -> memref<1x1x128xi32, #tpu.memory_space<vmem>>
      %dma_start3A_81 = tpu.memref_squeeze %dma_start3A_80 : memref<1x1x128xi32, #tpu.memory_space<vmem>> -> memref<128xi32, #tpu.memory_space<vmem>>
      %dma_start3A_82 = arith.constant 0 : i32
      %dma_start3A_83 = arith.constant 0 : i32
      %dma_start3A_84 = tpu.memref_slice %arg5[%dma_start3A_82, %dma_start3A_83] : memref<100096x32xf32, #tpu.memory_space<hbm>> -> memref<100096x32xf32, #tpu.memory_space<hbm>>
      tpu.enqueue_indirect_dma source(%dma_start3A_84 : memref<100096x32xf32, #tpu.memory_space<hbm>>) target(%dma_start3A_78 : memref<128x32xf32, #tpu.memory_space<vmem>>) offsets(%dma_start3A_81 : memref<128xi32, #tpu.memory_space<vmem>>) semaphore(%arg9 : memref<!tpu.dma_semaphore, #tpu.memory_space<semaphore_mem>>)
      %dma_start3A_85 = arith.constant 4 : i32
      %dma_start3A_86 = arith.constant 0 : i32
      %dma_start3A_87 = arith.constant 512 : i32
      %dma_start3A_88 = arith.constant 0 : i32
      %dma_start3A_89 = tpu.memref_slice %arg8[%dma_start3A_87, %dma_start3A_88] : memref<896x32xf32, #tpu.memory_space<vmem>> -> memref<128x32xf32, #tpu.memory_space<vmem>>
      %dma_start3A_90 = arith.constant 0 : i32
      %dma_start3A_91 = tpu.memref_slice %arg7[%dma_start3A_85, %dma_start3A_86, %dma_start3A_90] : memref<7x2x128xi32, #tpu.memory_space<vmem>> -> memref<1x1x128xi32, #tpu.memory_space<vmem>>
      %dma_start3A_92 = tpu.memref_squeeze %dma_start3A_91 : memref<1x1x128xi32, #tpu.memory_space<vmem>> -> memref<128xi32, #tpu.memory_space<vmem>>
      %dma_start3A_93 = arith.constant 0 : i32
      %dma_start3A_94 = arith.constant 0 : i32
      %dma_start3A_95 = tpu.memref_slice %arg5[%dma_start3A_93, %dma_start3A_94] : memref<100096x32xf32, #tpu.memory_space<hbm>> -> memref<100096x32xf32, #tpu.memory_space<hbm>>
      tpu.enqueue_indirect_dma source(%dma_start3A_95 : memref<100096x32xf32, #tpu.memory_space<hbm>>) target(%dma_start3A_89 : memref<128x32xf32, #tpu.memory_space<vmem>>) offsets(%dma_start3A_92 : memref<128xi32, #tpu.memory_space<vmem>>) semaphore(%arg9 : memref<!tpu.dma_semaphore, #tpu.memory_space<semaphore_mem>>)
      %dma_start3A_96 = arith.constant 5 : i32
      %dma_start3A_97 = arith.constant 0 : i32
      %dma_start3A_98 = arith.constant 640 : i32
      %dma_start3A_99 = arith.constant 0 : i32
      %dma_start3A_100 = tpu.memref_slice %arg8[%dma_start3A_98, %dma_start3A_99] : memref<896x32xf32, #tpu.memory_space<vmem>> -> memref<128x32xf32, #tpu.memory_space<vmem>>
      %dma_start3A_101 = arith.constant 0 : i32
      %dma_start3A_102 = tpu.memref_slice %arg7[%dma_start3A_96, %dma_start3A_97, %dma_start3A_101] : memref<7x2x128xi32, #tpu.memory_space<vmem>> -> memref<1x1x128xi32, #tpu.memory_space<vmem>>
      %dma_start3A_103 = tpu.memref_squeeze %dma_start3A_102 : memref<1x1x128xi32, #tpu.memory_space<vmem>> -> memref<128xi32, #tpu.memory_space<vmem>>
      %dma_start3A_104 = arith.constant 0 : i32
      %dma_start3A_105 = arith.constant 0 : i32
      %dma_start3A_106 = tpu.memref_slice %arg5[%dma_start3A_104, %dma_start3A_105] : memref<100096x32xf32, #tpu.memory_space<hbm>> -> memref<100096x32xf32, #tpu.memory_space<hbm>>
      tpu.enqueue_indirect_dma source(%dma_start3A_106 : memref<100096x32xf32, #tpu.memory_space<hbm>>) target(%dma_start3A_100 : memref<128x32xf32, #tpu.memory_space<vmem>>) offsets(%dma_start3A_103 : memref<128xi32, #tpu.memory_space<vmem>>) semaphore(%arg9 : memref<!tpu.dma_semaphore, #tpu.memory_space<semaphore_mem>>)
      %dma_start3A_107 = arith.constant 6 : i32
      %dma_start3A_108 = arith.constant 0 : i32
      %dma_start3A_109 = arith.constant 768 : i32
      %dma_start3A_110 = arith.constant 0 : i32
      %dma_start3A_111 = tpu.memref_slice %arg8[%dma_start3A_109, %dma_start3A_110] : memref<896x32xf32, #tpu.memory_space<vmem>> -> memref<128x32xf32, #tpu.memory_space<vmem>>
      %dma_start3A_112 = arith.constant 0 : i32
      %dma_start3A_113 = tpu.memref_slice %arg7[%dma_start3A_107, %dma_start3A_108, %dma_start3A_112] : memref<7x2x128xi32, #tpu.memory_space<vmem>> -> memref<1x1x128xi32, #tpu.memory_space<vmem>>
      %dma_start3A_114 = tpu.memref_squeeze %dma_start3A_113 : memref<1x1x128xi32, #tpu.memory_space<vmem>> -> memref<128xi32, #tpu.memory_space<vmem>>
      %dma_start3A_115 = arith.constant 0 : i32
      %dma_start3A_116 = arith.constant 0 : i32
      %dma_start3A_117 = tpu.memref_slice %arg5[%dma_start3A_115, %dma_start3A_116] : memref<100096x32xf32, #tpu.memory_space<hbm>> -> memref<100096x32xf32, #tpu.memory_space<hbm>>
      tpu.enqueue_indirect_dma source(%dma_start3A_117 : memref<100096x32xf32, #tpu.memory_space<hbm>>) target(%dma_start3A_111 : memref<128x32xf32, #tpu.memory_space<vmem>>) offsets(%dma_start3A_114 : memref<128xi32, #tpu.memory_space<vmem>>) semaphore(%arg9 : memref<!tpu.dma_semaphore, #tpu.memory_space<semaphore_mem>>)
      %dma_wait3A = arith.constant 0 : i32
      %dma_wait3A_118 = arith.constant 0 : i32
      %dma_wait3A_119 = arith.constant 0 : i32
      %dma_wait3A_120 = arith.constant 0 : i32
      %dma_wait3A_121 = tpu.memref_slice %arg8[%dma_wait3A_119, %dma_wait3A_120] : memref<896x32xf32, #tpu.memory_space<vmem>> -> memref<128x32xf32, #tpu.memory_space<vmem>>
      %dma_wait3A_122 = arith.constant 0 : i32
      %dma_wait3A_123 = tpu.memref_slice %arg7[%dma_wait3A, %dma_wait3A_118, %dma_wait3A_122] : memref<7x2x128xi32, #tpu.memory_space<vmem>> -> memref<1x1x128xi32, #tpu.memory_space<vmem>>
      %dma_wait3A_124 = tpu.memref_squeeze %dma_wait3A_123 : memref<1x1x128xi32, #tpu.memory_space<vmem>> -> memref<128xi32, #tpu.memory_space<vmem>>
      %dma_wait3A_125 = arith.constant 0 : i32
      %dma_wait3A_126 = arith.constant 0 : i32
      %dma_wait3A_127 = tpu.memref_slice %arg5[%dma_wait3A_125, %dma_wait3A_126] : memref<100096x32xf32, #tpu.memory_space<hbm>> -> memref<100096x32xf32, #tpu.memory_space<hbm>>
      tpu.wait_indirect_dma semaphore(%arg9 : memref<!tpu.dma_semaphore, #tpu.memory_space<semaphore_mem>>) src(%dma_wait3A_127 : memref<100096x32xf32, #tpu.memory_space<hbm>>) dst(%dma_wait3A_121 : memref<128x32xf32, #tpu.memory_space<vmem>>)
      %dma_start3A_128 = arith.constant 0 : i32
      %dma_start3A_129 = arith.constant 1 : i32
      %dma_start3A_130 = arith.constant 0 : i32
      %dma_start3A_131 = arith.constant 0 : i32
      %dma_start3A_132 = tpu.memref_slice %arg8[%dma_start3A_130, %dma_start3A_131] : memref<896x32xf32, #tpu.memory_space<vmem>> -> memref<128x32xf32, #tpu.memory_space<vmem>>
      %dma_start3A_133 = arith.constant 0 : i32
      %dma_start3A_134 = tpu.memref_slice %arg7[%dma_start3A_128, %dma_start3A_129, %dma_start3A_133] : memref<7x2x128xi32, #tpu.memory_space<vmem>> -> memref<1x1x128xi32, #tpu.memory_space<vmem>>
      %dma_start3A_135 = tpu.memref_squeeze %dma_start3A_134 : memref<1x1x128xi32, #tpu.memory_space<vmem>> -> memref<128xi32, #tpu.memory_space<vmem>>
      %dma_start3A_136 = arith.constant 0 : i32
      %dma_start3A_137 = arith.constant 0 : i32
      %dma_start3A_138 = tpu.memref_slice %arg6[%dma_start3A_136, %dma_start3A_137] : memref<50048x32xf32, #tpu.memory_space<vmem_shared>> -> memref<50048x32xf32, #tpu.memory_space<vmem_shared>>
      tpu.enqueue_indirect_dma source(%dma_start3A_132 : memref<128x32xf32, #tpu.memory_space<vmem>>) target(%dma_start3A_138 : memref<50048x32xf32, #tpu.memory_space<vmem_shared>>) offsets(%dma_start3A_135 : memref<128xi32, #tpu.memory_space<vmem>>) semaphore(%arg10 : memref<!tpu.dma_semaphore, #tpu.memory_space<semaphore_mem>>) {add = true}
      %dma_wait3A_139 = arith.constant 1 : i32
      %dma_wait3A_140 = arith.constant 0 : i32
      %dma_wait3A_141 = arith.constant 128 : i32
      %dma_wait3A_142 = arith.constant 0 : i32
      %dma_wait3A_143 = tpu.memref_slice %arg8[%dma_wait3A_141, %dma_wait3A_142] : memref<896x32xf32, #tpu.memory_space<vmem>> -> memref<128x32xf32, #tpu.memory_space<vmem>>
      %dma_wait3A_144 = arith.constant 0 : i32
      %dma_wait3A_145 = tpu.memref_slice %arg7[%dma_wait3A_139, %dma_wait3A_140, %dma_wait3A_144] : memref<7x2x128xi32, #tpu.memory_space<vmem>> -> memref<1x1x128xi32, #tpu.memory_space<vmem>>
      %dma_wait3A_146 = tpu.memref_squeeze %dma_wait3A_145 : memref<1x1x128xi32, #tpu.memory_space<vmem>> -> memref<128xi32, #tpu.memory_space<vmem>>
      %dma_wait3A_147 = arith.constant 0 : i32
      %dma_wait3A_148 = arith.constant 0 : i32
      %dma_wait3A_149 = tpu.memref_slice %arg5[%dma_wait3A_147, %dma_wait3A_148] : memref<100096x32xf32, #tpu.memory_space<hbm>> -> memref<100096x32xf32, #tpu.memory_space<hbm>>
      tpu.wait_indirect_dma semaphore(%arg9 : memref<!tpu.dma_semaphore, #tpu.memory_space<semaphore_mem>>) src(%dma_wait3A_149 : memref<100096x32xf32, #tpu.memory_space<hbm>>) dst(%dma_wait3A_143 : memref<128x32xf32, #tpu.memory_space<vmem>>)
      %dma_start3A_150 = arith.constant 1 : i32
      %dma_start3A_151 = arith.constant 1 : i32
      %dma_start3A_152 = arith.constant 128 : i32
      %dma_start3A_153 = arith.constant 0 : i32
      %dma_start3A_154 = tpu.memref_slice %arg8[%dma_start3A_152, %dma_start3A_153] : memref<896x32xf32, #tpu.memory_space<vmem>> -> memref<128x32xf32, #tpu.memory_space<vmem>>
      %dma_start3A_155 = arith.constant 0 : i32
      %dma_start3A_156 = tpu.memref_slice %arg7[%dma_start3A_150, %dma_start3A_151, %dma_start3A_155] : memref<7x2x128xi32, #tpu.memory_space<vmem>> -> memref<1x1x128xi32, #tpu.memory_space<vmem>>
      %dma_start3A_157 = tpu.memref_squeeze %dma_start3A_156 : memref<1x1x128xi32, #tpu.memory_space<vmem>> -> memref<128xi32, #tpu.memory_space<vmem>>
      %dma_start3A_158 = arith.constant 0 : i32
      %dma_start3A_159 = arith.constant 0 : i32
      %dma_start3A_160 = tpu.memref_slice %arg6[%dma_start3A_158, %dma_start3A_159] : memref<50048x32xf32, #tpu.memory_space<vmem_shared>> -> memref<50048x32xf32, #tpu.memory_space<vmem_shared>>
      tpu.enqueue_indirect_dma source(%dma_start3A_154 : memref<128x32xf32, #tpu.memory_space<vmem>>) target(%dma_start3A_160 : memref<50048x32xf32, #tpu.memory_space<vmem_shared>>) offsets(%dma_start3A_157 : memref<128xi32, #tpu.memory_space<vmem>>) semaphore(%arg10 : memref<!tpu.dma_semaphore, #tpu.memory_space<semaphore_mem>>) {add = true}
      %dma_wait3A_161 = arith.constant 2 : i32
      %dma_wait3A_162 = arith.constant 0 : i32
      %dma_wait3A_163 = arith.constant 256 : i32
      %dma_wait3A_164 = arith.constant 0 : i32
      %dma_wait3A_165 = tpu.memref_slice %arg8[%dma_wait3A_163, %dma_wait3A_164] : memref<896x32xf32, #tpu.memory_space<vmem>> -> memref<128x32xf32, #tpu.memory_space<vmem>>
      %dma_wait3A_166 = arith.constant 0 : i32
      %dma_wait3A_167 = tpu.memref_slice %arg7[%dma_wait3A_161, %dma_wait3A_162, %dma_wait3A_166] : memref<7x2x128xi32, #tpu.memory_space<vmem>> -> memref<1x1x128xi32, #tpu.memory_space<vmem>>
      %dma_wait3A_168 = tpu.memref_squeeze %dma_wait3A_167 : memref<1x1x128xi32, #tpu.memory_space<vmem>> -> memref<128xi32, #tpu.memory_space<vmem>>
      %dma_wait3A_169 = arith.constant 0 : i32
      %dma_wait3A_170 = arith.constant 0 : i32
      %dma_wait3A_171 = tpu.memref_slice %arg5[%dma_wait3A_169, %dma_wait3A_170] : memref<100096x32xf32, #tpu.memory_space<hbm>> -> memref<100096x32xf32, #tpu.memory_space<hbm>>
      tpu.wait_indirect_dma semaphore(%arg9 : memref<!tpu.dma_semaphore, #tpu.memory_space<semaphore_mem>>) src(%dma_wait3A_171 : memref<100096x32xf32, #tpu.memory_space<hbm>>) dst(%dma_wait3A_165 : memref<128x32xf32, #tpu.memory_space<vmem>>)
      %dma_start3A_172 = arith.constant 2 : i32
      %dma_start3A_173 = arith.constant 1 : i32
      %dma_start3A_174 = arith.constant 256 : i32
      %dma_start3A_175 = arith.constant 0 : i32
      %dma_start3A_176 = tpu.memref_slice %arg8[%dma_start3A_174, %dma_start3A_175] : memref<896x32xf32, #tpu.memory_space<vmem>> -> memref<128x32xf32, #tpu.memory_space<vmem>>
      %dma_start3A_177 = arith.constant 0 : i32
      %dma_start3A_178 = tpu.memref_slice %arg7[%dma_start3A_172, %dma_start3A_173, %dma_start3A_177] : memref<7x2x128xi32, #tpu.memory_space<vmem>> -> memref<1x1x128xi32, #tpu.memory_space<vmem>>
      %dma_start3A_179 = tpu.memref_squeeze %dma_start3A_178 : memref<1x1x128xi32, #tpu.memory_space<vmem>> -> memref<128xi32, #tpu.memory_space<vmem>>
      %dma_start3A_180 = arith.constant 0 : i32
      %dma_start3A_181 = arith.constant 0 : i32
      %dma_start3A_182 = tpu.memref_slice %arg6[%dma_start3A_180, %dma_start3A_181] : memref<50048x32xf32, #tpu.memory_space<vmem_shared>> -> memref<50048x32xf32, #tpu.memory_space<vmem_shared>>
      tpu.enqueue_indirect_dma source(%dma_start3A_176 : memref<128x32xf32, #tpu.memory_space<vmem>>) target(%dma_start3A_182 : memref<50048x32xf32, #tpu.memory_space<vmem_shared>>) offsets(%dma_start3A_179 : memref<128xi32, #tpu.memory_space<vmem>>) semaphore(%arg10 : memref<!tpu.dma_semaphore, #tpu.memory_space<semaphore_mem>>) {add = true}
      %dma_wait3A_183 = arith.constant 3 : i32
      %dma_wait3A_184 = arith.constant 0 : i32
      %dma_wait3A_185 = arith.constant 384 : i32
      %dma_wait3A_186 = arith.constant 0 : i32
      %dma_wait3A_187 = tpu.memref_slice %arg8[%dma_wait3A_185, %dma_wait3A_186] : memref<896x32xf32, #tpu.memory_space<vmem>> -> memref<128x32xf32, #tpu.memory_space<vmem>>
      %dma_wait3A_188 = arith.constant 0 : i32
      %dma_wait3A_189 = tpu.memref_slice %arg7[%dma_wait3A_183, %dma_wait3A_184, %dma_wait3A_188] : memref<7x2x128xi32, #tpu.memory_space<vmem>> -> memref<1x1x128xi32, #tpu.memory_space<vmem>>
      %dma_wait3A_190 = tpu.memref_squeeze %dma_wait3A_189 : memref<1x1x128xi32, #tpu.memory_space<vmem>> -> memref<128xi32, #tpu.memory_space<vmem>>
      %dma_wait3A_191 = arith.constant 0 : i32
      %dma_wait3A_192 = arith.constant 0 : i32
      %dma_wait3A_193 = tpu.memref_slice %arg5[%dma_wait3A_191, %dma_wait3A_192] : memref<100096x32xf32, #tpu.memory_space<hbm>> -> memref<100096x32xf32, #tpu.memory_space<hbm>>
      tpu.wait_indirect_dma semaphore(%arg9 : memref<!tpu.dma_semaphore, #tpu.memory_space<semaphore_mem>>) src(%dma_wait3A_193 : memref<100096x32xf32, #tpu.memory_space<hbm>>) dst(%dma_wait3A_187 : memref<128x32xf32, #tpu.memory_space<vmem>>)
      %dma_start3A_194 = arith.constant 3 : i32
      %dma_start3A_195 = arith.constant 1 : i32
      %dma_start3A_196 = arith.constant 384 : i32
      %dma_start3A_197 = arith.constant 0 : i32
      %dma_start3A_198 = tpu.memref_slice %arg8[%dma_start3A_196, %dma_start3A_197] : memref<896x32xf32, #tpu.memory_space<vmem>> -> memref<128x32xf32, #tpu.memory_space<vmem>>
      %dma_start3A_199 = arith.constant 0 : i32
      %dma_start3A_200 = tpu.memref_slice %arg7[%dma_start3A_194, %dma_start3A_195, %dma_start3A_199] : memref<7x2x128xi32, #tpu.memory_space<vmem>> -> memref<1x1x128xi32, #tpu.memory_space<vmem>>
      %dma_start3A_201 = tpu.memref_squeeze %dma_start3A_200 : memref<1x1x128xi32, #tpu.memory_space<vmem>> -> memref<128xi32, #tpu.memory_space<vmem>>
      %dma_start3A_202 = arith.constant 0 : i32
      %dma_start3A_203 = arith.constant 0 : i32
      %dma_start3A_204 = tpu.memref_slice %arg6[%dma_start3A_202, %dma_start3A_203] : memref<50048x32xf32, #tpu.memory_space<vmem_shared>> -> memref<50048x32xf32, #tpu.memory_space<vmem_shared>>
      tpu.enqueue_indirect_dma source(%dma_start3A_198 : memref<128x32xf32, #tpu.memory_space<vmem>>) target(%dma_start3A_204 : memref<50048x32xf32, #tpu.memory_space<vmem_shared>>) offsets(%dma_start3A_201 : memref<128xi32, #tpu.memory_space<vmem>>) semaphore(%arg10 : memref<!tpu.dma_semaphore, #tpu.memory_space<semaphore_mem>>) {add = true}
      %dma_wait3A_205 = arith.constant 4 : i32
      %dma_wait3A_206 = arith.constant 0 : i32
      %dma_wait3A_207 = arith.constant 512 : i32
      %dma_wait3A_208 = arith.constant 0 : i32
      %dma_wait3A_209 = tpu.memref_slice %arg8[%dma_wait3A_207, %dma_wait3A_208] : memref<896x32xf32, #tpu.memory_space<vmem>> -> memref<128x32xf32, #tpu.memory_space<vmem>>
      %dma_wait3A_210 = arith.constant 0 : i32
      %dma_wait3A_211 = tpu.memref_slice %arg7[%dma_wait3A_205, %dma_wait3A_206, %dma_wait3A_210] : memref<7x2x128xi32, #tpu.memory_space<vmem>> -> memref<1x1x128xi32, #tpu.memory_space<vmem>>
      %dma_wait3A_212 = tpu.memref_squeeze %dma_wait3A_211 : memref<1x1x128xi32, #tpu.memory_space<vmem>> -> memref<128xi32, #tpu.memory_space<vmem>>
      %dma_wait3A_213 = arith.constant 0 : i32
      %dma_wait3A_214 = arith.constant 0 : i32
      %dma_wait3A_215 = tpu.memref_slice %arg5[%dma_wait3A_213, %dma_wait3A_214] : memref<100096x32xf32, #tpu.memory_space<hbm>> -> memref<100096x32xf32, #tpu.memory_space<hbm>>
      tpu.wait_indirect_dma semaphore(%arg9 : memref<!tpu.dma_semaphore, #tpu.memory_space<semaphore_mem>>) src(%dma_wait3A_215 : memref<100096x32xf32, #tpu.memory_space<hbm>>) dst(%dma_wait3A_209 : memref<128x32xf32, #tpu.memory_space<vmem>>)
      %dma_start3A_216 = arith.constant 4 : i32
      %dma_start3A_217 = arith.constant 1 : i32
      %dma_start3A_218 = arith.constant 512 : i32
      %dma_start3A_219 = arith.constant 0 : i32
      %dma_start3A_220 = tpu.memref_slice %arg8[%dma_start3A_218, %dma_start3A_219] : memref<896x32xf32, #tpu.memory_space<vmem>> -> memref<128x32xf32, #tpu.memory_space<vmem>>
      %dma_start3A_221 = arith.constant 0 : i32
      %dma_start3A_222 = tpu.memref_slice %arg7[%dma_start3A_216, %dma_start3A_217, %dma_start3A_221] : memref<7x2x128xi32, #tpu.memory_space<vmem>> -> memref<1x1x128xi32, #tpu.memory_space<vmem>>
      %dma_start3A_223 = tpu.memref_squeeze %dma_start3A_222 : memref<1x1x128xi32, #tpu.memory_space<vmem>> -> memref<128xi32, #tpu.memory_space<vmem>>
      %dma_start3A_224 = arith.constant 0 : i32
      %dma_start3A_225 = arith.constant 0 : i32
      %dma_start3A_226 = tpu.memref_slice %arg6[%dma_start3A_224, %dma_start3A_225] : memref<50048x32xf32, #tpu.memory_space<vmem_shared>> -> memref<50048x32xf32, #tpu.memory_space<vmem_shared>>
      tpu.enqueue_indirect_dma source(%dma_start3A_220 : memref<128x32xf32, #tpu.memory_space<vmem>>) target(%dma_start3A_226 : memref<50048x32xf32, #tpu.memory_space<vmem_shared>>) offsets(%dma_start3A_223 : memref<128xi32, #tpu.memory_space<vmem>>) semaphore(%arg10 : memref<!tpu.dma_semaphore, #tpu.memory_space<semaphore_mem>>) {add = true}
      %dma_wait3A_227 = arith.constant 5 : i32
      %dma_wait3A_228 = arith.constant 0 : i32
      %dma_wait3A_229 = arith.constant 640 : i32
      %dma_wait3A_230 = arith.constant 0 : i32
      %dma_wait3A_231 = tpu.memref_slice %arg8[%dma_wait3A_229, %dma_wait3A_230] : memref<896x32xf32, #tpu.memory_space<vmem>> -> memref<128x32xf32, #tpu.memory_space<vmem>>
      %dma_wait3A_232 = arith.constant 0 : i32
      %dma_wait3A_233 = tpu.memref_slice %arg7[%dma_wait3A_227, %dma_wait3A_228, %dma_wait3A_232] : memref<7x2x128xi32, #tpu.memory_space<vmem>> -> memref<1x1x128xi32, #tpu.memory_space<vmem>>
      %dma_wait3A_234 = tpu.memref_squeeze %dma_wait3A_233 : memref<1x1x128xi32, #tpu.memory_space<vmem>> -> memref<128xi32, #tpu.memory_space<vmem>>
      %dma_wait3A_235 = arith.constant 0 : i32
      %dma_wait3A_236 = arith.constant 0 : i32
      %dma_wait3A_237 = tpu.memref_slice %arg5[%dma_wait3A_235, %dma_wait3A_236] : memref<100096x32xf32, #tpu.memory_space<hbm>> -> memref<100096x32xf32, #tpu.memory_space<hbm>>
      tpu.wait_indirect_dma semaphore(%arg9 : memref<!tpu.dma_semaphore, #tpu.memory_space<semaphore_mem>>) src(%dma_wait3A_237 : memref<100096x32xf32, #tpu.memory_space<hbm>>) dst(%dma_wait3A_231 : memref<128x32xf32, #tpu.memory_space<vmem>>)
      %dma_start3A_238 = arith.constant 5 : i32
      %dma_start3A_239 = arith.constant 1 : i32
      %dma_start3A_240 = arith.constant 640 : i32
      %dma_start3A_241 = arith.constant 0 : i32
      %dma_start3A_242 = tpu.memref_slice %arg8[%dma_start3A_240, %dma_start3A_241] : memref<896x32xf32, #tpu.memory_space<vmem>> -> memref<128x32xf32, #tpu.memory_space<vmem>>
      %dma_start3A_243 = arith.constant 0 : i32
      %dma_start3A_244 = tpu.memref_slice %arg7[%dma_start3A_238, %dma_start3A_239, %dma_start3A_243] : memref<7x2x128xi32, #tpu.memory_space<vmem>> -> memref<1x1x128xi32, #tpu.memory_space<vmem>>
      %dma_start3A_245 = tpu.memref_squeeze %dma_start3A_244 : memref<1x1x128xi32, #tpu.memory_space<vmem>> -> memref<128xi32, #tpu.memory_space<vmem>>
      %dma_start3A_246 = arith.constant 0 : i32
      %dma_start3A_247 = arith.constant 0 : i32
      %dma_start3A_248 = tpu.memref_slice %arg6[%dma_start3A_246, %dma_start3A_247] : memref<50048x32xf32, #tpu.memory_space<vmem_shared>> -> memref<50048x32xf32, #tpu.memory_space<vmem_shared>>
      tpu.enqueue_indirect_dma source(%dma_start3A_242 : memref<128x32xf32, #tpu.memory_space<vmem>>) target(%dma_start3A_248 : memref<50048x32xf32, #tpu.memory_space<vmem_shared>>) offsets(%dma_start3A_245 : memref<128xi32, #tpu.memory_space<vmem>>) semaphore(%arg10 : memref<!tpu.dma_semaphore, #tpu.memory_space<semaphore_mem>>) {add = true}
      %dma_wait3A_249 = arith.constant 6 : i32
      %dma_wait3A_250 = arith.constant 0 : i32
      %dma_wait3A_251 = arith.constant 768 : i32
      %dma_wait3A_252 = arith.constant 0 : i32
      %dma_wait3A_253 = tpu.memref_slice %arg8[%dma_wait3A_251, %dma_wait3A_252] : memref<896x32xf32, #tpu.memory_space<vmem>> -> memref<128x32xf32, #tpu.memory_space<vmem>>
      %dma_wait3A_254 = arith.constant 0 : i32
      %dma_wait3A_255 = tpu.memref_slice %arg7[%dma_wait3A_249, %dma_wait3A_250, %dma_wait3A_254] : memref<7x2x128xi32, #tpu.memory_space<vmem>> -> memref<1x1x128xi32, #tpu.memory_space<vmem>>
      %dma_wait3A_256 = tpu.memref_squeeze %dma_wait3A_255 : memref<1x1x128xi32, #tpu.memory_space<vmem>> -> memref<128xi32, #tpu.memory_space<vmem>>
      %dma_wait3A_257 = arith.constant 0 : i32
      %dma_wait3A_258 = arith.constant 0 : i32
      %dma_wait3A_259 = tpu.memref_slice %arg5[%dma_wait3A_257, %dma_wait3A_258] : memref<100096x32xf32, #tpu.memory_space<hbm>> -> memref<100096x32xf32, #tpu.memory_space<hbm>>
      tpu.wait_indirect_dma semaphore(%arg9 : memref<!tpu.dma_semaphore, #tpu.memory_space<semaphore_mem>>) src(%dma_wait3A_259 : memref<100096x32xf32, #tpu.memory_space<hbm>>) dst(%dma_wait3A_253 : memref<128x32xf32, #tpu.memory_space<vmem>>)
      %dma_start3A_260 = arith.constant 6 : i32
      %dma_start3A_261 = arith.constant 1 : i32
      %dma_start3A_262 = arith.constant 768 : i32
      %dma_start3A_263 = arith.constant 0 : i32
      %dma_start3A_264 = tpu.memref_slice %arg8[%dma_start3A_262, %dma_start3A_263] : memref<896x32xf32, #tpu.memory_space<vmem>> -> memref<128x32xf32, #tpu.memory_space<vmem>>
      %dma_start3A_265 = arith.constant 0 : i32
      %dma_start3A_266 = tpu.memref_slice %arg7[%dma_start3A_260, %dma_start3A_261, %dma_start3A_265] : memref<7x2x128xi32, #tpu.memory_space<vmem>> -> memref<1x1x128xi32, #tpu.memory_space<vmem>>
      %dma_start3A_267 = tpu.memref_squeeze %dma_start3A_266 : memref<1x1x128xi32, #tpu.memory_space<vmem>> -> memref<128xi32, #tpu.memory_space<vmem>>
      %dma_start3A_268 = arith.constant 0 : i32
      %dma_start3A_269 = arith.constant 0 : i32
      %dma_start3A_270 = tpu.memref_slice %arg6[%dma_start3A_268, %dma_start3A_269] : memref<50048x32xf32, #tpu.memory_space<vmem_shared>> -> memref<50048x32xf32, #tpu.memory_space<vmem_shared>>
      tpu.enqueue_indirect_dma source(%dma_start3A_264 : memref<128x32xf32, #tpu.memory_space<vmem>>) target(%dma_start3A_270 : memref<50048x32xf32, #tpu.memory_space<vmem_shared>>) offsets(%dma_start3A_267 : memref<128xi32, #tpu.memory_space<vmem>>) semaphore(%arg10 : memref<!tpu.dma_semaphore, #tpu.memory_space<semaphore_mem>>) {add = true}
      %dma_wait3A_271 = arith.constant 0 : i32
      %dma_wait3A_272 = arith.constant 1 : i32
      %dma_wait3A_273 = arith.constant 0 : i32
      %dma_wait3A_274 = arith.constant 0 : i32
      %dma_wait3A_275 = tpu.memref_slice %arg8[%dma_wait3A_273, %dma_wait3A_274] : memref<896x32xf32, #tpu.memory_space<vmem>> -> memref<128x32xf32, #tpu.memory_space<vmem>>
      %dma_wait3A_276 = arith.constant 0 : i32
      %dma_wait3A_277 = tpu.memref_slice %arg7[%dma_wait3A_271, %dma_wait3A_272, %dma_wait3A_276] : memref<7x2x128xi32, #tpu.memory_space<vmem>> -> memref<1x1x128xi32, #tpu.memory_space<vmem>>
      %dma_wait3A_278 = tpu.memref_squeeze %dma_wait3A_277 : memref<1x1x128xi32, #tpu.memory_space<vmem>> -> memref<128xi32, #tpu.memory_space<vmem>>
      %dma_wait3A_279 = arith.constant 0 : i32
      %dma_wait3A_280 = arith.constant 0 : i32
      %dma_wait3A_281 = tpu.memref_slice %arg6[%dma_wait3A_279, %dma_wait3A_280] : memref<50048x32xf32, #tpu.memory_space<vmem_shared>> -> memref<50048x32xf32, #tpu.memory_space<vmem_shared>>
      tpu.wait_indirect_dma semaphore(%arg10 : memref<!tpu.dma_semaphore, #tpu.memory_space<semaphore_mem>>) src(%dma_wait3A_275 : memref<128x32xf32, #tpu.memory_space<vmem>>) dst(%dma_wait3A_281 : memref<50048x32xf32, #tpu.memory_space<vmem_shared>>)
      %dma_wait3A_282 = arith.constant 1 : i32
      %dma_wait3A_283 = arith.constant 1 : i32
      %dma_wait3A_284 = arith.constant 128 : i32
      %dma_wait3A_285 = arith.constant 0 : i32
      %dma_wait3A_286 = tpu.memref_slice %arg8[%dma_wait3A_284, %dma_wait3A_285] : memref<896x32xf32, #tpu.memory_space<vmem>> -> memref<128x32xf32, #tpu.memory_space<vmem>>
      %dma_wait3A_287 = arith.constant 0 : i32
      %dma_wait3A_288 = tpu.memref_slice %arg7[%dma_wait3A_282, %dma_wait3A_283, %dma_wait3A_287] : memref<7x2x128xi32, #tpu.memory_space<vmem>> -> memref<1x1x128xi32, #tpu.memory_space<vmem>>
      %dma_wait3A_289 = tpu.memref_squeeze %dma_wait3A_288 : memref<1x1x128xi32, #tpu.memory_space<vmem>> -> memref<128xi32, #tpu.memory_space<vmem>>
      %dma_wait3A_290 = arith.constant 0 : i32
      %dma_wait3A_291 = arith.constant 0 : i32
      %dma_wait3A_292 = tpu.memref_slice %arg6[%dma_wait3A_290, %dma_wait3A_291] : memref<50048x32xf32, #tpu.memory_space<vmem_shared>> -> memref<50048x32xf32, #tpu.memory_space<vmem_shared>>
      tpu.wait_indirect_dma semaphore(%arg10 : memref<!tpu.dma_semaphore, #tpu.memory_space<semaphore_mem>>) src(%dma_wait3A_286 : memref<128x32xf32, #tpu.memory_space<vmem>>) dst(%dma_wait3A_292 : memref<50048x32xf32, #tpu.memory_space<vmem_shared>>)
      %dma_wait3A_293 = arith.constant 2 : i32
      %dma_wait3A_294 = arith.constant 1 : i32
      %dma_wait3A_295 = arith.constant 256 : i32
      %dma_wait3A_296 = arith.constant 0 : i32
      %dma_wait3A_297 = tpu.memref_slice %arg8[%dma_wait3A_295, %dma_wait3A_296] : memref<896x32xf32, #tpu.memory_space<vmem>> -> memref<128x32xf32, #tpu.memory_space<vmem>>
      %dma_wait3A_298 = arith.constant 0 : i32
      %dma_wait3A_299 = tpu.memref_slice %arg7[%dma_wait3A_293, %dma_wait3A_294, %dma_wait3A_298] : memref<7x2x128xi32, #tpu.memory_space<vmem>> -> memref<1x1x128xi32, #tpu.memory_space<vmem>>
      %dma_wait3A_300 = tpu.memref_squeeze %dma_wait3A_299 : memref<1x1x128xi32, #tpu.memory_space<vmem>> -> memref<128xi32, #tpu.memory_space<vmem>>
      %dma_wait3A_301 = arith.constant 0 : i32
      %dma_wait3A_302 = arith.constant 0 : i32
      %dma_wait3A_303 = tpu.memref_slice %arg6[%dma_wait3A_301, %dma_wait3A_302] : memref<50048x32xf32, #tpu.memory_space<vmem_shared>> -> memref<50048x32xf32, #tpu.memory_space<vmem_shared>>
      tpu.wait_indirect_dma semaphore(%arg10 : memref<!tpu.dma_semaphore, #tpu.memory_space<semaphore_mem>>) src(%dma_wait3A_297 : memref<128x32xf32, #tpu.memory_space<vmem>>) dst(%dma_wait3A_303 : memref<50048x32xf32, #tpu.memory_space<vmem_shared>>)
      %dma_wait3A_304 = arith.constant 3 : i32
      %dma_wait3A_305 = arith.constant 1 : i32
      %dma_wait3A_306 = arith.constant 384 : i32
      %dma_wait3A_307 = arith.constant 0 : i32
      %dma_wait3A_308 = tpu.memref_slice %arg8[%dma_wait3A_306, %dma_wait3A_307] : memref<896x32xf32, #tpu.memory_space<vmem>> -> memref<128x32xf32, #tpu.memory_space<vmem>>
      %dma_wait3A_309 = arith.constant 0 : i32
      %dma_wait3A_310 = tpu.memref_slice %arg7[%dma_wait3A_304, %dma_wait3A_305, %dma_wait3A_309] : memref<7x2x128xi32, #tpu.memory_space<vmem>> -> memref<1x1x128xi32, #tpu.memory_space<vmem>>
      %dma_wait3A_311 = tpu.memref_squeeze %dma_wait3A_310 : memref<1x1x128xi32, #tpu.memory_space<vmem>> -> memref<128xi32, #tpu.memory_space<vmem>>
      %dma_wait3A_312 = arith.constant 0 : i32
      %dma_wait3A_313 = arith.constant 0 : i32
      %dma_wait3A_314 = tpu.memref_slice %arg6[%dma_wait3A_312, %dma_wait3A_313] : memref<50048x32xf32, #tpu.memory_space<vmem_shared>> -> memref<50048x32xf32, #tpu.memory_space<vmem_shared>>
      tpu.wait_indirect_dma semaphore(%arg10 : memref<!tpu.dma_semaphore, #tpu.memory_space<semaphore_mem>>) src(%dma_wait3A_308 : memref<128x32xf32, #tpu.memory_space<vmem>>) dst(%dma_wait3A_314 : memref<50048x32xf32, #tpu.memory_space<vmem_shared>>)
      %dma_wait3A_315 = arith.constant 4 : i32
      %dma_wait3A_316 = arith.constant 1 : i32
      %dma_wait3A_317 = arith.constant 512 : i32
      %dma_wait3A_318 = arith.constant 0 : i32
      %dma_wait3A_319 = tpu.memref_slice %arg8[%dma_wait3A_317, %dma_wait3A_318] : memref<896x32xf32, #tpu.memory_space<vmem>> -> memref<128x32xf32, #tpu.memory_space<vmem>>
      %dma_wait3A_320 = arith.constant 0 : i32
      %dma_wait3A_321 = tpu.memref_slice %arg7[%dma_wait3A_315, %dma_wait3A_316, %dma_wait3A_320] : memref<7x2x128xi32, #tpu.memory_space<vmem>> -> memref<1x1x128xi32, #tpu.memory_space<vmem>>
      %dma_wait3A_322 = tpu.memref_squeeze %dma_wait3A_321 : memref<1x1x128xi32, #tpu.memory_space<vmem>> -> memref<128xi32, #tpu.memory_space<vmem>>
      %dma_wait3A_323 = arith.constant 0 : i32
      %dma_wait3A_324 = arith.constant 0 : i32
      %dma_wait3A_325 = tpu.memref_slice %arg6[%dma_wait3A_323, %dma_wait3A_324] : memref<50048x32xf32, #tpu.memory_space<vmem_shared>> -> memref<50048x32xf32, #tpu.memory_space<vmem_shared>>
      tpu.wait_indirect_dma semaphore(%arg10 : memref<!tpu.dma_semaphore, #tpu.memory_space<semaphore_mem>>) src(%dma_wait3A_319 : memref<128x32xf32, #tpu.memory_space<vmem>>) dst(%dma_wait3A_325 : memref<50048x32xf32, #tpu.memory_space<vmem_shared>>)
      %dma_wait3A_326 = arith.constant 5 : i32
      %dma_wait3A_327 = arith.constant 1 : i32
      %dma_wait3A_328 = arith.constant 640 : i32
      %dma_wait3A_329 = arith.constant 0 : i32
      %dma_wait3A_330 = tpu.memref_slice %arg8[%dma_wait3A_328, %dma_wait3A_329] : memref<896x32xf32, #tpu.memory_space<vmem>> -> memref<128x32xf32, #tpu.memory_space<vmem>>
      %dma_wait3A_331 = arith.constant 0 : i32
      %dma_wait3A_332 = tpu.memref_slice %arg7[%dma_wait3A_326, %dma_wait3A_327, %dma_wait3A_331] : memref<7x2x128xi32, #tpu.memory_space<vmem>> -> memref<1x1x128xi32, #tpu.memory_space<vmem>>
      %dma_wait3A_333 = tpu.memref_squeeze %dma_wait3A_332 : memref<1x1x128xi32, #tpu.memory_space<vmem>> -> memref<128xi32, #tpu.memory_space<vmem>>
      %dma_wait3A_334 = arith.constant 0 : i32
      %dma_wait3A_335 = arith.constant 0 : i32
      %dma_wait3A_336 = tpu.memref_slice %arg6[%dma_wait3A_334, %dma_wait3A_335] : memref<50048x32xf32, #tpu.memory_space<vmem_shared>> -> memref<50048x32xf32, #tpu.memory_space<vmem_shared>>
      tpu.wait_indirect_dma semaphore(%arg10 : memref<!tpu.dma_semaphore, #tpu.memory_space<semaphore_mem>>) src(%dma_wait3A_330 : memref<128x32xf32, #tpu.memory_space<vmem>>) dst(%dma_wait3A_336 : memref<50048x32xf32, #tpu.memory_space<vmem_shared>>)
      %dma_wait3A_337 = arith.constant 6 : i32
      %dma_wait3A_338 = arith.constant 1 : i32
      %dma_wait3A_339 = arith.constant 768 : i32
      %dma_wait3A_340 = arith.constant 0 : i32
      %dma_wait3A_341 = tpu.memref_slice %arg8[%dma_wait3A_339, %dma_wait3A_340] : memref<896x32xf32, #tpu.memory_space<vmem>> -> memref<128x32xf32, #tpu.memory_space<vmem>>
      %dma_wait3A_342 = arith.constant 0 : i32
      %dma_wait3A_343 = tpu.memref_slice %arg7[%dma_wait3A_337, %dma_wait3A_338, %dma_wait3A_342] : memref<7x2x128xi32, #tpu.memory_space<vmem>> -> memref<1x1x128xi32, #tpu.memory_space<vmem>>
      %dma_wait3A_344 = tpu.memref_squeeze %dma_wait3A_343 : memref<1x1x128xi32, #tpu.memory_space<vmem>> -> memref<128xi32, #tpu.memory_space<vmem>>
      %dma_wait3A_345 = arith.constant 0 : i32
      %dma_wait3A_346 = arith.constant 0 : i32
      %dma_wait3A_347 = tpu.memref_slice %arg6[%dma_wait3A_345, %dma_wait3A_346] : memref<50048x32xf32, #tpu.memory_space<vmem_shared>> -> memref<50048x32xf32, #tpu.memory_space<vmem_shared>>
      tpu.wait_indirect_dma semaphore(%arg10 : memref<!tpu.dma_semaphore, #tpu.memory_space<semaphore_mem>>) src(%dma_wait3A_341 : memref<128x32xf32, #tpu.memory_space<vmem>>) dst(%dma_wait3A_347 : memref<50048x32xf32, #tpu.memory_space<vmem_shared>>)
    }
    %scan3A_24 = arith.constant 56 : i32
    %barrier3A_25 = arith.constant 0 : index
    tpu.barrier barrier_id(%barrier3A_25)
    %scan3A_26 = arith.constant 0 : i32
    %scan3A_27 = arith.constant 0 : i32
    %scan3A_28 = arith.constant 25 : i32
    %scan3A_29 = arith.addi %scan3A_27, %scan3A_28 : i32
    %scan3A_30 = arith.constant 1 : i32
    scf.for %scan3A_33 = %scan3A_27 to %scan3A_29 step %scan3A_30  : i32 {
      %mul3A_34 = arith.constant 3125 : i32
      %mul3A_35 = arith.muli %arg1, %mul3A_34 : i32
      %mul3A_36 = arith.constant 125 : i32
      %mul3A_37 = arith.muli %scan3A_33, %mul3A_36 : i32
      %add3A_38 = arith.addi %mul3A_35, %mul3A_37 : i32
      %mul3A_39 = arith.constant 50048 : i32
      %mul3A_40 = arith.muli %arg0, %mul3A_39 : i32
      %add3A_41 = arith.addi %mul3A_40, %add3A_38 : i32
      "tpu.region"() ({
        %run_scoped3A = tpu.sem_alloc : memref<!tpu.dma_semaphore, #tpu.memory_space<semaphore_mem>>
        %dma_start3A = arith.constant 0 : i32
        %dma_start3A_53 = arith.constant 0 : i32
        %dma_start3A_54 = tpu.memref_slice %arg8[%dma_start3A, %dma_start3A_53] : memref<896x32xf32, #tpu.memory_space<vmem>> -> memref<125x32xf32, #tpu.memory_space<vmem>>
        %dma_start3A_55 = arith.constant 0 : i32
        %dma_start3A_56 = tpu.memref_slice %arg2[%add3A_41, %dma_start3A_55] : memref<100096x32xf32, #tpu.memory_space<hbm>> -> memref<125x32xf32, #tpu.memory_space<hbm>>
        %dma_start3A_57 = arith.constant 0 : i32
        %dma_start3A_58 = arith.constant 0 : i32
        %dma_start3A_59 = tpu.memref_slice %arg8[%dma_start3A_57, %dma_start3A_58] : memref<896x32xf32, #tpu.memory_space<vmem>> -> memref<125x32xf32, #tpu.memory_space<vmem>>
        %dma_start3A_60 = arith.constant 0 : i32
        %dma_start3A_61 = tpu.memref_slice %arg2[%add3A_41, %dma_start3A_60] : memref<100096x32xf32, #tpu.memory_space<hbm>> -> memref<125x32xf32, #tpu.memory_space<hbm>>
        tpu.enqueue_dma source(%dma_start3A_61 : memref<125x32xf32, #tpu.memory_space<hbm>>) target(%dma_start3A_59 : memref<125x32xf32, #tpu.memory_space<vmem>>) target_semaphore(%run_scoped3A : memref<!tpu.dma_semaphore, #tpu.memory_space<semaphore_mem>>)
        %dma_wait3A = arith.constant 0 : i32
        %dma_wait3A_62 = arith.constant 0 : i32
        %dma_wait3A_63 = tpu.memref_slice %arg8[%dma_wait3A, %dma_wait3A_62] : memref<896x32xf32, #tpu.memory_space<vmem>> -> memref<125x32xf32, #tpu.memory_space<vmem>>
        %dma_wait3A_64 = arith.constant 0 : i32
        %dma_wait3A_65 = tpu.memref_slice %arg2[%add3A_41, %dma_wait3A_64] : memref<100096x32xf32, #tpu.memory_space<hbm>> -> memref<125x32xf32, #tpu.memory_space<hbm>>
        %dma_wait3A_66 = arith.constant 0 : i32
        %dma_wait3A_67 = arith.constant 0 : i32
        %dma_wait3A_68 = tpu.memref_slice %arg8[%dma_wait3A_66, %dma_wait3A_67] : memref<896x32xf32, #tpu.memory_space<vmem>> -> memref<125x32xf32, #tpu.memory_space<vmem>>
        %dma_wait3A_69 = arith.constant 0 : i32
        %dma_wait3A_70 = tpu.memref_slice %arg2[%add3A_41, %dma_wait3A_69] : memref<100096x32xf32, #tpu.memory_space<hbm>> -> memref<125x32xf32, #tpu.memory_space<hbm>>
        tpu.wait_dma2 semaphore(%run_scoped3A : memref<!tpu.dma_semaphore, #tpu.memory_space<semaphore_mem>>) src(%dma_wait3A_70 : memref<125x32xf32, #tpu.memory_space<hbm>>) dst(%dma_wait3A_68 : memref<125x32xf32, #tpu.memory_space<vmem>>)
        tpu.yield
      }) : () -> ()
      %mul3A_42 = arith.constant 50048 : i32
      %mul3A_43 = arith.muli %arg0, %mul3A_42 : i32
      %add3A_44 = arith.addi %mul3A_43, %add3A_38 : i32
      "tpu.region"() ({
        %run_scoped3A = tpu.sem_alloc : memref<!tpu.dma_semaphore, #tpu.memory_space<semaphore_mem>>
        %dma_start3A = arith.constant 128 : i32
        %dma_start3A_53 = arith.constant 0 : i32
        %dma_start3A_54 = tpu.memref_slice %arg8[%dma_start3A, %dma_start3A_53] : memref<896x32xf32, #tpu.memory_space<vmem>> -> memref<125x32xf32, #tpu.memory_space<vmem>>
        %dma_start3A_55 = arith.constant 0 : i32
        %dma_start3A_56 = tpu.memref_slice %arg5[%add3A_44, %dma_start3A_55] : memref<100096x32xf32, #tpu.memory_space<hbm>> -> memref<125x32xf32, #tpu.memory_space<hbm>>
        %dma_start3A_57 = arith.constant 128 : i32
        %dma_start3A_58 = arith.constant 0 : i32
        %dma_start3A_59 = tpu.memref_slice %arg8[%dma_start3A_57, %dma_start3A_58] : memref<896x32xf32, #tpu.memory_space<vmem>> -> memref<125x32xf32, #tpu.memory_space<vmem>>
        %dma_start3A_60 = arith.constant 0 : i32
        %dma_start3A_61 = tpu.memref_slice %arg5[%add3A_44, %dma_start3A_60] : memref<100096x32xf32, #tpu.memory_space<hbm>> -> memref<125x32xf32, #tpu.memory_space<hbm>>
        tpu.enqueue_dma source(%dma_start3A_61 : memref<125x32xf32, #tpu.memory_space<hbm>>) target(%dma_start3A_59 : memref<125x32xf32, #tpu.memory_space<vmem>>) target_semaphore(%run_scoped3A : memref<!tpu.dma_semaphore, #tpu.memory_space<semaphore_mem>>)
        %dma_wait3A = arith.constant 128 : i32
        %dma_wait3A_62 = arith.constant 0 : i32
        %dma_wait3A_63 = tpu.memref_slice %arg8[%dma_wait3A, %dma_wait3A_62] : memref<896x32xf32, #tpu.memory_space<vmem>> -> memref<125x32xf32, #tpu.memory_space<vmem>>
        %dma_wait3A_64 = arith.constant 0 : i32
        %dma_wait3A_65 = tpu.memref_slice %arg5[%add3A_44, %dma_wait3A_64] : memref<100096x32xf32, #tpu.memory_space<hbm>> -> memref<125x32xf32, #tpu.memory_space<hbm>>
        %dma_wait3A_66 = arith.constant 128 : i32
        %dma_wait3A_67 = arith.constant 0 : i32
        %dma_wait3A_68 = tpu.memref_slice %arg8[%dma_wait3A_66, %dma_wait3A_67] : memref<896x32xf32, #tpu.memory_space<vmem>> -> memref<125x32xf32, #tpu.memory_space<vmem>>
        %dma_wait3A_69 = arith.constant 0 : i32
        %dma_wait3A_70 = tpu.memref_slice %arg5[%add3A_44, %dma_wait3A_69] : memref<100096x32xf32, #tpu.memory_space<hbm>> -> memref<125x32xf32, #tpu.memory_space<hbm>>
        tpu.wait_dma2 semaphore(%run_scoped3A : memref<!tpu.dma_semaphore, #tpu.memory_space<semaphore_mem>>) src(%dma_wait3A_70 : memref<125x32xf32, #tpu.memory_space<hbm>>) dst(%dma_wait3A_68 : memref<125x32xf32, #tpu.memory_space<vmem>>)
        tpu.yield
      }) : () -> ()
      "tpu.region"() ({
        %run_scoped3A = tpu.sem_alloc : memref<!tpu.dma_semaphore, #tpu.memory_space<semaphore_mem>>
        %dma_start3A = arith.constant 256 : i32
        %dma_start3A_53 = arith.constant 0 : i32
        %dma_start3A_54 = tpu.memref_slice %arg8[%dma_start3A, %dma_start3A_53] : memref<896x32xf32, #tpu.memory_space<vmem>> -> memref<125x32xf32, #tpu.memory_space<vmem>>
        %dma_start3A_55 = arith.constant 0 : i32
        %dma_start3A_56 = tpu.memref_slice %arg6[%add3A_38, %dma_start3A_55] : memref<50048x32xf32, #tpu.memory_space<vmem_shared>> -> memref<125x32xf32, #tpu.memory_space<vmem_shared>>
        %dma_start3A_57 = arith.constant 256 : i32
        %dma_start3A_58 = arith.constant 0 : i32
        %dma_start3A_59 = tpu.memref_slice %arg8[%dma_start3A_57, %dma_start3A_58] : memref<896x32xf32, #tpu.memory_space<vmem>> -> memref<125x32xf32, #tpu.memory_space<vmem>>
        %dma_start3A_60 = arith.constant 0 : i32
        %dma_start3A_61 = tpu.memref_slice %arg6[%add3A_38, %dma_start3A_60] : memref<50048x32xf32, #tpu.memory_space<vmem_shared>> -> memref<125x32xf32, #tpu.memory_space<vmem_shared>>
        tpu.enqueue_dma source(%dma_start3A_61 : memref<125x32xf32, #tpu.memory_space<vmem_shared>>) target(%dma_start3A_59 : memref<125x32xf32, #tpu.memory_space<vmem>>) target_semaphore(%run_scoped3A : memref<!tpu.dma_semaphore, #tpu.memory_space<semaphore_mem>>)
        %dma_wait3A = arith.constant 256 : i32
        %dma_wait3A_62 = arith.constant 0 : i32
        %dma_wait3A_63 = tpu.memref_slice %arg8[%dma_wait3A, %dma_wait3A_62] : memref<896x32xf32, #tpu.memory_space<vmem>> -> memref<125x32xf32, #tpu.memory_space<vmem>>
        %dma_wait3A_64 = arith.constant 0 : i32
        %dma_wait3A_65 = tpu.memref_slice %arg6[%add3A_38, %dma_wait3A_64] : memref<50048x32xf32, #tpu.memory_space<vmem_shared>> -> memref<125x32xf32, #tpu.memory_space<vmem_shared>>
        %dma_wait3A_66 = arith.constant 256 : i32
        %dma_wait3A_67 = arith.constant 0 : i32
        %dma_wait3A_68 = tpu.memref_slice %arg8[%dma_wait3A_66, %dma_wait3A_67] : memref<896x32xf32, #tpu.memory_space<vmem>> -> memref<125x32xf32, #tpu.memory_space<vmem>>
        %dma_wait3A_69 = arith.constant 0 : i32
        %dma_wait3A_70 = tpu.memref_slice %arg6[%add3A_38, %dma_wait3A_69] : memref<50048x32xf32, #tpu.memory_space<vmem_shared>> -> memref<125x32xf32, #tpu.memory_space<vmem_shared>>
        tpu.wait_dma2 semaphore(%run_scoped3A : memref<!tpu.dma_semaphore, #tpu.memory_space<semaphore_mem>>) src(%dma_wait3A_70 : memref<125x32xf32, #tpu.memory_space<vmem_shared>>) dst(%dma_wait3A_68 : memref<125x32xf32, #tpu.memory_space<vmem>>)
        tpu.yield
      }) : () -> ()
      %scan3A_45 = arith.constant 0 : i32
      %scan3A_46 = arith.constant 0 : i32
      %scan3A_47 = arith.constant 125 : i32
      %scan3A_48 = arith.addi %scan3A_46, %scan3A_47 : i32
      %scan3A_49 = arith.constant 1 : i32
      scf.for %scan3A_53 = %scan3A_46 to %scan3A_48 step %scan3A_49  : i32 {
        %add3A_54 = arith.constant 0 : i32
        %add3A_55 = arith.addi %add3A_54, %scan3A_53 : i32
        %get3A = arith.index_cast %add3A_55 : i32 to index
        %get3A_56 = arith.constant 0 : index
        %get3A_57 = tpu.vector_load %arg8[%get3A, %get3A_56] {strides = array<i32>} : memref<896x32xf32, #tpu.memory_space<vmem>>, vector<1x16xf32>,
        %get3A_58 = vector.shape_cast %get3A_57 : vector<1x16xf32> to vector<16xf32>
        %add3A_59 = arith.constant 128 : i32
        %add3A_60 = arith.addi %add3A_59, %scan3A_53 : i32
        %get3A_61 = arith.index_cast %add3A_60 : i32 to index
        %get3A_62 = arith.constant 0 : index
        %get3A_63 = tpu.vector_load %arg8[%get3A_61, %get3A_62] {strides = array<i32>} : memref<896x32xf32, #tpu.memory_space<vmem>>, vector<1x16xf32>,
        %get3A_64 = vector.shape_cast %get3A_63 : vector<1x16xf32> to vector<16xf32>
        %add3A_65 = arith.addf %get3A_58, %get3A_64 : vector<16xf32>
        %add3A_66 = arith.constant 256 : i32
        %add3A_67 = arith.addi %add3A_66, %scan3A_53 : i32
        %get3A_68 = arith.index_cast %add3A_67 : i32 to index
        %get3A_69 = arith.constant 0 : index
        %get3A_70 = tpu.vector_load %arg8[%get3A_68, %get3A_69] {strides = array<i32>} : memref<896x32xf32, #tpu.memory_space<vmem>>, vector<1x16xf32>,
        %get3A_71 = vector.shape_cast %get3A_70 : vector<1x16xf32> to vector<16xf32>
        %add3A_72 = arith.addf %add3A_65, %get3A_71 : vector<16xf32>
        %mul3A_73 = arith.constant 0.333333343 : f32
        %mul3A_74 = vector.broadcast %mul3A_73 : f32 to vector<16xf32>
        %mul3A_75 = arith.mulf %add3A_72, %mul3A_74 : vector<16xf32>
        %add3A_76 = arith.constant 384 : i32
        %add3A_77 = arith.addi %add3A_76, %scan3A_53 : i32
        %swap3A = arith.index_cast %add3A_77 : i32 to index
        %swap3A_78 = arith.constant 0 : index
        %swap3A_79 = tpu.vector_load %arg8[%swap3A, %swap3A_78] {strides = array<i32>} : memref<896x32xf32, #tpu.memory_space<vmem>>, vector<1x16xf32>,
        %swap3A_80 = vector.shape_cast %swap3A_79 : vector<1x16xf32> to vector<16xf32>
        %swap3A_81 = vector.shape_cast %mul3A_75 : vector<16xf32> to vector<1x16xf32>
        tpu.vector_store %arg8[%swap3A, %swap3A_78], %swap3A_81 {strides = array<i32>} : memref<896x32xf32, #tpu.memory_space<vmem>>, vector<1x16xf32>,
        %add3A_82 = arith.constant 0 : i32
        %add3A_83 = arith.addi %add3A_82, %scan3A_53 : i32
        %get3A_84 = arith.index_cast %add3A_83 : i32 to index
        %get3A_85 = arith.constant 16 : index
        %get3A_86 = tpu.vector_load %arg8[%get3A_84, %get3A_85] {strides = array<i32>} : memref<896x32xf32, #tpu.memory_space<vmem>>, vector<1x16xf32>,
        %get3A_87 = vector.shape_cast %get3A_86 : vector<1x16xf32> to vector<16xf32>
        %add3A_88 = arith.constant 128 : i32
        %add3A_89 = arith.addi %add3A_88, %scan3A_53 : i32
        %get3A_90 = arith.index_cast %add3A_89 : i32 to index
        %get3A_91 = arith.constant 16 : index
        %get3A_92 = tpu.vector_load %arg8[%get3A_90, %get3A_91] {strides = array<i32>} : memref<896x32xf32, #tpu.memory_space<vmem>>, vector<1x16xf32>,
        %get3A_93 = vector.shape_cast %get3A_92 : vector<1x16xf32> to vector<16xf32>
        %add3A_94 = arith.addf %get3A_87, %get3A_93 : vector<16xf32>
        %add3A_95 = arith.constant 256 : i32
        %add3A_96 = arith.addi %add3A_95, %scan3A_53 : i32
        %get3A_97 = arith.index_cast %add3A_96 : i32 to index
        %get3A_98 = arith.constant 16 : index
        %get3A_99 = tpu.vector_load %arg8[%get3A_97, %get3A_98] {strides = array<i32>} : memref<896x32xf32, #tpu.memory_space<vmem>>, vector<1x16xf32>,
        %get3A_100 = vector.shape_cast %get3A_99 : vector<1x16xf32> to vector<16xf32>
        %add3A_101 = arith.addf %add3A_94, %get3A_100 : vector<16xf32>
        %mul3A_102 = arith.constant 0.333333343 : f32
        %mul3A_103 = vector.broadcast %mul3A_102 : f32 to vector<16xf32>
        %mul3A_104 = arith.mulf %add3A_101, %mul3A_103 : vector<16xf32>
        %add3A_105 = arith.constant 384 : i32
        %add3A_106 = arith.addi %add3A_105, %scan3A_53 : i32
        %swap3A_107 = arith.index_cast %add3A_106 : i32 to index
        %swap3A_108 = arith.constant 16 : index
        %swap3A_109 = tpu.vector_load %arg8[%swap3A_107, %swap3A_108] {strides = array<i32>} : memref<896x32xf32, #tpu.memory_space<vmem>>, vector<1x16xf32>,
        %swap3A_110 = vector.shape_cast %swap3A_109 : vector<1x16xf32> to vector<16xf32>
        %swap3A_111 = vector.shape_cast %mul3A_104 : vector<16xf32> to vector<1x16xf32>
        tpu.vector_store %arg8[%swap3A_107, %swap3A_108], %swap3A_111 {strides = array<i32>} : memref<896x32xf32, #tpu.memory_space<vmem>>, vector<1x16xf32>,
      }
      %scan3A_50 = arith.constant 125 : i32
      %mul3A_51 = arith.constant 32 : i32
      %mul3A_52 = arith.muli %arg0, %mul3A_51 : i32
      "tpu.region"() ({
        %run_scoped3A = tpu.sem_alloc : memref<!tpu.dma_semaphore, #tpu.memory_space<semaphore_mem>>
        %dma_start3A = arith.constant 384 : i32
        %dma_start3A_53 = arith.constant 0 : i32
        %dma_start3A_54 = tpu.memref_slice %arg8[%dma_start3A, %dma_start3A_53] : memref<896x32xf32, #tpu.memory_space<vmem>> -> memref<125x32xf32, #tpu.memory_space<vmem>>
        %dma_start3A_55 = tpu.memref_slice %arg4[%add3A_38, %mul3A_52] : memref<50000x64xf32, #tpu.memory_space<hbm>> -> memref<125x32xf32, #tpu.memory_space<hbm>>
        %dma_start3A_56 = tpu.memref_slice %arg4[%add3A_38, %mul3A_52] : memref<50000x64xf32, #tpu.memory_space<hbm>> -> memref<125x32xf32, #tpu.memory_space<hbm>>
        %dma_start3A_57 = arith.constant 384 : i32
        %dma_start3A_58 = arith.constant 0 : i32
        %dma_start3A_59 = tpu.memref_slice %arg8[%dma_start3A_57, %dma_start3A_58] : memref<896x32xf32, #tpu.memory_space<vmem>> -> memref<125x32xf32, #tpu.memory_space<vmem>>
        tpu.enqueue_dma source(%dma_start3A_59 : memref<125x32xf32, #tpu.memory_space<vmem>>) target(%dma_start3A_56 : memref<125x32xf32, #tpu.memory_space<hbm>>) target_semaphore(%run_scoped3A : memref<!tpu.dma_semaphore, #tpu.memory_space<semaphore_mem>>)
        %dma_wait3A = arith.constant 384 : i32
        %dma_wait3A_60 = arith.constant 0 : i32
        %dma_wait3A_61 = tpu.memref_slice %arg8[%dma_wait3A, %dma_wait3A_60] : memref<896x32xf32, #tpu.memory_space<vmem>> -> memref<125x32xf32, #tpu.memory_space<vmem>>
        %dma_wait3A_62 = tpu.memref_slice %arg4[%add3A_38, %mul3A_52] : memref<50000x64xf32, #tpu.memory_space<hbm>> -> memref<125x32xf32, #tpu.memory_space<hbm>>
        %dma_wait3A_63 = tpu.memref_slice %arg4[%add3A_38, %mul3A_52] : memref<50000x64xf32, #tpu.memory_space<hbm>> -> memref<125x32xf32, #tpu.memory_space<hbm>>
        %dma_wait3A_64 = arith.constant 384 : i32
        %dma_wait3A_65 = arith.constant 0 : i32
        %dma_wait3A_66 = tpu.memref_slice %arg8[%dma_wait3A_64, %dma_wait3A_65] : memref<896x32xf32, #tpu.memory_space<vmem>> -> memref<125x32xf32, #tpu.memory_space<vmem>>
        tpu.wait_dma2 semaphore(%run_scoped3A : memref<!tpu.dma_semaphore, #tpu.memory_space<semaphore_mem>>) src(%dma_wait3A_66 : memref<125x32xf32, #tpu.memory_space<vmem>>) dst(%dma_wait3A_63 : memref<125x32xf32, #tpu.memory_space<hbm>>)
        tpu.yield
      }) : () -> ()
    }
    %scan3A_31 = arith.constant 25 : i32
    %barrier3A_32 = arith.constant 0 : index
    tpu.barrier barrier_id(%barrier3A_32)
    return
  }
}

</mosaic_0001>

<sc_bundles>
// kernel: kernel.4.cloned.1.call-start
scs
__scs_entry_jumppad:
0x0: {  	(pc) =	sbr.rel $0x88, $3  }
0x1: {  	(tag) =	ssettag $0x0;
	lr =	simm.s32 $0x1  }
0x2: {  	[smem:$0x3F9B] =	sst lr;
	_ =	strace $0xD0000000  }
0x3: {  	_ = 	snop  }
0x4: {  	_ = 	snop  }
0x5: {  	_ = 	snop  }
0x6: {  	_ = 	snop  }
0x7: {  	_ = 	snop  }
__scs_overlays_trampoline_lowered:
0x8: {  	[smem:$0x3FAA] =	sst s0  }
0x9: {  	[smem:$0x3FAB] =	sst s1  }
0xa: {  	[smem:$0x3FAC] =	sst s2  }
0xb: {  	[smem:$0x3FAD] =	sst s3  }
0xc: {  	[smem:$0x3FAE] =	sst s4  }
0xd: {  	[smem:$0x3FAF] =	sst s5  }
0xe: {  	[smem:$0x3FB0] =	sst s6  }
0xf: {  	[smem:$0x3FB1] =	sst s7  }
0x10: {  	[smem:$0x3FB2] =	sst s8  }
0x11: {  	[smem:$0x3FB3] =	sst s9;
	s0 =	simm.s32 @!p0 $0x0  }
0x12: {  	s1 =	sld [smem:$0x3F99];
	s0 =	simm.s32 @p0 $0x1  }
0x13: {  	[smem:$0x3FB4] =	sst s0;
	s0 =	simm.s32 @!p1 $0x0  }
0x14: {  	s2 =	sld [smem:$0x3F98];
	s0 =	simm.s32 @p1 $0x1  }
0x15: {  	[smem:$0x3FB5] =	sst s0;
	s0 =	simm.s32 @!p2 $0x0  }
0x16: {  	s3 =	sld [smem:$0x3FDB];
	s0 =	simm.s32 @p2 $0x1  }
0x17: {  	s4 =	simm.s32 $0x1BF5;
	[smem:$0x3FB7] =	sst s0  }
0x18: {  	s0 =	sld [smem:$0x3F9A];
	_ =	swait.ge [sflag:s4], $0x0  }
0x19: {  	s7 =	sld [smem:$0x3F9B]  }
0x1a: {  	s8 =	sadd.s32 $0xFFFFE003, lr  }
0x1b: {  	s9 =	sadd.s32 $0xFFFFFEF7, lr;
	s5 =	simm.s32 $0xFFFFFFFF;
	p2 =	slt.u32 s8, $0xFFFFF086  }
0x1c: {  	p1 =	slt.u32 s9, $0xF7A;
	s5 =	simm.s32 @!p2 $0x0  }
0x1d: {  	s5 =	simm.s32 @p1 $0x1;
	p0 =	seq.s32 s7, s2  }
0x1e: {  	s7 =	smul.u32 @!p0 $0xF7A, s2;
	p2 =	seq.s32 @!p0 s5, $0x0  }
0x1f: {  	s9 =	smul.u32 $0xF7A, s1;
	s8 =	simm.s32 @!p0 $0x1BF5;
	p2 =	por !p2, p0  }
0x20: {  	[sflag:s8] =	ssyncset.s32 @!p0 $0xFFFFF086;
	s6 =	sadd.s32 @!p0 s3, s7;
	s7 =	simm.s32 @!p0 $0x108  }
0x21: {  	s3 =	sadd.s32 s3, s9;
	s6 =	sadd.s32 @!p0 $0x88, s6;
	s7 =	simm.s32 @p2 $0x1082  }
0x22: {  	[simem:s7], [sflag:s8] =	dma.local @!p0 [hbm:s6], $0xF7A  }
0x23: {  	s9 =	sor.u32 $0xD0000000, s2;
	s6 =	simm.s32 $0x108;
	_ =	swait.ge @!p0 [sflag:s8], $0x0  }
0x24: {  	s3 =	sadd.s32 $0x88, s3;
	s6 =	simm.s32 @!p1 $0x1082;
	[sflag:s4] =	ssyncset.s32 $0xFFFFF086  }
0x25: {  	[simem:s6], [sflag:s4] =	dma.local [hbm:s3], $0xF7A  }
0x26: {  	[smem:$0x3F9B] =	sst s1;
	(tag) =	ssettag s2;
	_ =	strace s9  }
0x27: {  	s1 =	sld [smem:$0x3FAB]  }
0x28: {  	s2 =	sld [smem:$0x3FAC]  }
0x29: {  	s4 =	sld [smem:$0x3FAE]  }
0x2a: {  	p0 =	seq.s32 s5, $0x0;
	s5 =	sld [smem:$0x3FAF]  }
0x2b: {  	s6 =	sld [smem:$0x3FB0]  }
0x2c: {  	s7 =	sld [smem:$0x3FB1]  }
0x2d: {  	s3 =	simm.s32 $0x108;
	s8 =	sld [smem:$0x3FB2]  }
0x2e: {  	s3 =	simm.s32 @!p0 $0x1082;
	s9 =	sld [smem:$0x3FB3]  }
0x2f: {  	lr =	sadd.s32 s0, s3;
	s0 =	sld [smem:$0x3FAA]  }
0x30: {  	s3 =	sld [smem:$0x3FAD]  }
0x31: {  	[smem:$0x3FB6] =	sst s10  }
0x32: {  	s10 =	sld [smem:$0x3FB4];
	_ =	sdelay $0x3  }
0x33: {  	p0 =	seq.s32 s10, $0x1;
	s10 =	sld [smem:$0x3FB6];
	_ =	sdelay $0x3  }
0x34: {  	[smem:$0x3FB6] =	sst s10  }
0x35: {  	s10 =	sld [smem:$0x3FB5];
	_ =	sdelay $0x3  }
0x36: {  	p1 =	seq.s32 s10, $0x1;
	s10 =	sld [smem:$0x3FB6];
	_ =	sdelay $0x3  }
0x37: {  	[smem:$0x3FB6] =	sst s10  }
0x38: {  	s10 =	sld [smem:$0x3FB7]  }
0x39: {  	_ = 	snop;
	(pc) =	sbr.ind lr, $3  }
0x3a: {  	_ = 	snop  }
0x3b: {  	_ = 	snop  }
0x3c: {  	p2 =	seq.s32 s10, $0x1;
	s10 =	sld [smem:$0x3FB6]  }
0x3d: {  	_ =	shalt  }
0x3e: {  	_ =	shalt  }
0x3f: {  	_ =	shalt  }
0x40: {  	_ =	shalt  }
0x41: {  	_ =	shalt  }
0x42: {  	_ =	shalt  }
0x43: {  	_ =	shalt  }
0x44: {  	_ =	shalt  }
0x45: {  	_ =	shalt  }
0x46: {  	_ =	shalt  }
0x47: {  	_ =	shalt  }
0x48: {  	_ =	shalt  }
0x49: {  	_ =	shalt  }
0x4a: {  	_ =	shalt  }
0x4b: {  	_ =	shalt  }
0x4c: {  	_ =	shalt  }
0x4d: {  	_ =	shalt  }
0x4e: {  	_ =	shalt  }
0x4f: {  	_ =	shalt  }
0x50: {  	_ =	shalt  }
0x51: {  	_ =	shalt  }
0x52: {  	_ =	shalt  }
0x53: {  	_ =	shalt  }
0x54: {  	_ =	shalt  }
0x55: {  	_ =	shalt  }
0x56: {  	_ =	shalt  }
0x57: {  	_ =	shalt  }
0x58: {  	_ =	shalt  }
0x59: {  	_ =	shalt  }
0x5a: {  	_ =	shalt  }
0x5b: {  	_ =	shalt  }
0x5c: {  	_ =	shalt  }
0x5d: {  	_ =	shalt  }
0x5e: {  	_ =	shalt  }
0x5f: {  	_ =	shalt  }
0x60: {  	_ =	shalt  }
0x61: {  	_ =	shalt  }
0x62: {  	_ =	shalt  }
0x63: {  	_ =	shalt  }
0x64: {  	_ =	shalt  }
0x65: {  	_ =	shalt  }
0x66: {  	_ =	shalt  }
0x67: {  	_ =	shalt  }
0x68: {  	_ =	shalt  }
0x69: {  	_ =	shalt  }
0x6a: {  	_ =	shalt  }
0x6b: {  	_ =	shalt  }
0x6c: {  	_ =	shalt  }
0x6d: {  	_ =	shalt  }
0x6e: {  	_ =	shalt  }
0x6f: {  	_ =	shalt  }
0x70: {  	_ =	shalt  }
0x71: {  	_ =	shalt  }
0x72: {  	_ =	shalt  }
0x73: {  	_ =	shalt  }
0x74: {  	_ =	shalt  }
0x75: {  	_ =	shalt  }
0x76: {  	_ =	shalt  }
0x77: {  	_ =	shalt  }
0x78: {  	_ =	shalt  }
0x79: {  	_ =	shalt  }
0x7a: {  	_ =	shalt  }
0x7b: {  	_ =	shalt  }
0x7c: {  	_ =	shalt  }
0x7d: {  	_ =	shalt  }
0x7e: {  	_ =	shalt  }
0x7f: {  	_ =	shalt  }
0x80: {  	_ =	shalt  }
0x81: {  	_ =	shalt  }
0x82: {  	_ =	shalt  }
0x83: {  	_ =	shalt  }
0x84: {  	_ =	shalt  }
0x85: {  	_ =	shalt  }
0x86: {  	_ =	shalt  }
0x87: {  	_ =	shalt  }
.Lfunc_end0:
.L_simem_size_0:
called_computation_lowered:
.L_overlay_start_0:
0x88: {  	s2 =	sld [smem:$0x3FD9]  }
0x89: {  	s3 =	sld [smem:$0x3FFE];
	_ =	sdelay $0x1  }
0x8a: {  	s1 =	srdreg.scid  }
0x8b: {  	s0 =	sand.u32 $0x1, s1  }
0x8c: {  	s15 =	sshll.u32 s0, $0xA;
	s2 =	sadd.s32 s3, s2  }
0x8d: {  	s2 =	sadd.s32 s2, s15  }
0x8e: {  	[smem:$0x3FC2] =	sst s2  }
0x8f: {  	_ = 	snop  }
0x90: {  	s2 =	sld [smem:$0x3FD0];
	_ =	sdelay $0x2  }
0x91: {  	s16 =	simm.s32 $0xB;
	s4 =	simm.s32 $0x10  }
0x92: {  	[smem:s4], [sflag:s16] =	dma.local [hbm:s2], $0x1  }
0x93: {  	_ =	swait.eq [sflag:s16], $0x1  }
0x94: {  	[sflag:s16] =	ssyncset.done $0x0  }
0x95: {  	[sflag:s16] =	ssyncadd.s32 $0xFFFFFFFF  }
0x96: {  	s17 =	sld [smem:$0x10];
	(tm) =	ssettm $0x1  }
0x97: {  	s18 =	sld [smem:$0x3FFB];
	_ =	sdelay $0x3  }
0x98: {  	_ =	strace s18  }
0x99: {  	s2 =	sld [smem:$0x3FFC];
	_ =	sdelay $0x3  }
0x9a: {  	_ =	strace s2  }
0x9b: {  	s2 =	sld [smem:$0x3FFD];
	_ =	sdelay $0x3  }
0x9c: {  	_ =	strace s2  }
0x9d: {  	_ =	strace $0x8FFFFFFF  }
0x9e: {  	s19 =	sld [smem:$0x3FDB];
	_ =	sdelay $0x1  }
0x9f: {  	s20 =	simm.s32 $_scs_section_size  }
0xa0: {  	s5 =	simm.s32 $_size__tile_overlayer_lowered;
	s6 =	simm.s32 $_tile_overlayer_lowered  }
0xa1: {  	s7 =	simm.s32 $0x1BFF;
	s21 =	sshll.u32 s6, $0x1;
	s4 =	sadd.s32 s20, s19  }
0xa2: {  	s22 =	simm.s32 $0x0;
	s5 =	sshll.u32 s5, $0x1;
	s6 =	sadd.s32 s21, s4  }
0xa3: {  	[timem:s22], [sflag:s7] =	dma.local [hbm:s6], s5  }
0xa4: {  	_ =	swait.ge [sflag:s7], s5  }
0xa5: {  	s5 =	ssub.s32 $0x0, s5;
	[sflag:s7] =	ssyncset.done $0x0  }
0xa6: {  	[sflag:s7] =	ssyncadd.s32 s5;
	_ =	sdelay $0x1  }
0xa7: {  	s23 =	simm.s32 $0x1B8B  }
0xa8: {  	_ =	swait.ge [sflag:s23], $0x1  }
0xa9: {  	[sflag:s23] =	ssyncset.done $0x0  }
0xaa: {  	[sflag:s23] =	ssyncadd.s32 $0xFFFFFFFF  }
0xab: {  	s5 =	sld [smem:$0x0]  }
0xac: {  	s6 =	sand.u32 $0xFFFFFFFE, s1  }
0xad: {  	p0 =	sne.s32 s1, s6  }
0xae: {  	s6 =	sshll.u32 @p0 s6, $0xE  }
0xaf: {  	s6 =	sadd.s32 @p0 $0x11B8D, s6;
	s7 =	sshll.u32 @p0 s5, $0x11  }
0xb0: {  	s6 =	sor.u32 @p0 s7, s6  }
0xb1: {  	[sflag:s6] =	ssyncadd.remote.s32 @p0 $0x1;
	_ =	sdelay $0x1  }
0xb2: {  	s6 =	simm.s32 @p0 $0x1B8D  }
0xb3: {  	_ =	swait.eq @p0 [sflag:s6], $0x1  }
0xb4: {  	[sflag:s6] =	ssyncadd.s32 @p0 $0xFFFFFFFF  }
0xb5: {  	s7 =	sshll.u32 @!p0 s1, $0xE  }
0xb6: {  	s7 =	sor.u32 @!p0 $0x4000, s7;
	s6 =	simm.s32 @!p0 $0x1B8D  }
0xb7: {  	s5 =	sshll.u32 @!p0 s5, $0x11;
	s7 =	sadd.s32 @!p0 $0x11B8D, s7;
	_ =	swait.eq @!p0 [sflag:s6], $0x1  }
0xb8: {  	s5 =	sor.u32 @!p0 s5, s7;
	[sflag:s6] =	ssyncadd.s32 @!p0 $0xFFFFFFFF  }
0xb9: {  	s25 =	simm.s32 $0x1B8E;
	s24 =	sld [smem:$0x3FFE];
	[sflag:s5] =	ssyncadd.remote.s32 @!p0 $0x1  }
0xba: {  	s26 =	simm.s32 $execute0_lowered;
	[smem:$0x3FD2] =	sst s25  }
0xbb: {  	s6 =	sshll.u32 s26, $0x1;
	_ =	strace $0x80000049;
	[dreg:$0x1] =	wrdreg $0xFFFFFFFF  }
0xbc: {  	s28 =	simm.s32 $_size_execute0_lowered;
	s4 =	sadd.s32 s4, s6;
	[dreg:$0x0] =	wrdreg $0x0  }
0xbd: {  	s6 =	sshll.u32 s28, $0x1;
	[dreg:$0x2] =	wrdreg s4  }
0xbe: {  	[dreg:$0x3] =	wrdreg s6  }
0xbf: {  	[dreg:$0x4] =	wrdreg $0xC0  }
0xc0: {  	_ =	task [dreg:s22], $0x5FFFF  }
0xc1: {  	[dreg:$0x1] =	wrdreg $0xFFFFFFFF  }
0xc2: {  	[dreg:$0x0] =	wrdreg $0x60  }
0xc3: {  	[dreg:$0x2] =	wrdreg s17  }
0xc4: {  	[dreg:$0x3] =	wrdreg s24  }
0xc5: {  	[dreg:$0x4] =	wrdreg $0x0  }
0xc6: {  	[dreg:$0x5] =	wrdreg $0x9  }
0xc7: {  	_ =	task.clear_ibuf [dreg:s22], $0x6FFFF;
	_ =	strace $0x90000049  }
0xc8: {  	s29 =	simm.s32 $0x9;
	_ =	strace $0x8000004B  }
0xc9: {  	_ =	swait.ge [sflag:s29], $0x1  }
0xca: {  	[sflag:s29] =	ssyncadd.s32 $0xFFFFFFFF  }
0xcb: {  	_ =	strace $0x9000004B  }
0xcc: {  	_ =	sfence  }
0xcd: {  	s30 =	sld [smem:$0x0];
	_ =	sdelay $0x2  }
0xce: {  	s31 =	sshll.u32 s1, $0xD;
	s1 =	sshrl.u32 s1, $0x2  }
0xcf: {  	s4 =	sand.u32 $0x4000, s31;
	s1 =	sadd.s32 s1, s30  }
0xd0: {  	s0 =	sor.u32 s4, s0;
	s1 =	sshll.u32 s1, $0x11  }
0xd1: {  	s0 =	sor.u32 s1, s0  }
0xd2: {  	s0 =	sadd.s32 $0x8F2B, s0  }
0xd3: {  	[sflag:s0] =	ssyncadd.remote.s32 $0x1  }
0xd4: {  	_ =	sfence.sel $0xFFFF  }
0xd5: {  	[dreg:$0x0] =	wrdreg $0xFFFFFFFF;
	(pc) =	sbr.abs _section_cstart, $3  }
0xd6: {  	[dreg:$0x1] =	wrdreg $0xFFFFFFFF  }
0xd7: {  	_ =	task.clear_ibuf [dreg:s22], $0x2FFFF;
	_ =	strace $0x9FFFFFFF  }
0xd8: {  	(tm) =	ssettm $0x7FFFFFFF  }
0xd9: {  	_ =	shalt  }
tec
execute0_lowered:
.L_overlay_start_1:
0x0: {  	(tag) =	ssettag $0x1  }
0x1: {  	s1 =	rddreg [dreg:$0x0]  }
0x2: {  	s0 =	rddreg [dreg:$0x1]  }
0x3: {  	s2 =	rddreg [dreg:$0x2]  }
0x4: {  	s3 =	srdreg.scid;
	s23 =	simm.s32 $0x0;
	s10 =	stileid.u32  }
0x5: {  	s15 =	simm.s32 $0x3;
	s16 =	simm.s32 $0x18700;
	s5 =	smul.u32 $0x61C00, s10  }
0x6: {  	s17 =	simm.s32 $0x80;
	s18 =	simm.s32 $0x18E00;
	s7 =	smul.u32 $0xC38, s10  }
0x7: {  	s29 =	simm.s32 $0x1DE00;
	s31 =	simm.s32 $0x1EE00;
	s24 =	smul.u32 $0x3100, s10  }
0x8: {  	s3 =	sand.u32 $0x1, s3;
	[smem:$0x7FF] =	sst s23;
	s25 =	smul.u32 $0xC35, s10  }
0x9: {  	s22 =	sshll.u32 s10, $0x6;
	s10 =	simm.s32 $0x2;
	s4 =	smul.u32 $0x31000, s3  }
0xa: {  	s9 =	smul.u32 $0xC380, s3;
	_ =	strace $0x8000004A;
	s6 =	sshll.u32 s3, $0x2  }
0xb: {  	s19 =	ssub.s32 $0x2, s3;
	s8 =	sadd.s32 s6, s0;
	s6 =	sadd.s32 $0x140000, s0  }
0xc: {  	s3 =	sshrl.u32 s19, $0x1;
	s5 =	sshrl.u32 s5, $0x2;
	[dreg:$0x8] =	wrdreg s25  }
0xd: {  	s4 =	sadd.s32 s4, s0;
	[dreg:$0x4] =	wrdreg s9;
	s7 =	sadd.s32 s7, s9  }
0xe: {  	s0 =	ssub.s32 s19, s3;
	s20 =	sadd.s32 s5, s2;
	s26 =	sadd.s32 $0x1A1C00, s8  }
0xf: {  	s3 =	simm.s32 $0x0;
	s21 =	sshll.u32 s7, $0x2;
	[dreg:$0x9] =	wrdreg s26  }
0x10: {  	s0 =	smax.u32 s0, $0x1;
	s28 =	sadd.s32 s24, s4;
	s30 =	sshrl.u32 s20, $0x3  }
0x11: {  	s20 =	simm.s32 $0x19E00;
	s24 =	simm.s32 $0x1BE00;
	[dreg:$0xa] =	wrdreg s0  }
0x12: {  	s26 =	simm.s32 $0x1CE00;
	s7 =	sadd.s32 s1, s21;
	[dreg:$0xb] =	wrdreg s30  }
0x13: {  	s5 =	sadd.s32 s6, s21;
	s13 =	sadd.s32 $0xDE000, s28;
	[dreg:$0x5] =	wrdreg s7  }
0x14: {  	s21 =	simm.s32 $0x18800;
	s7 =	sor.u32 $0x1C03, s22;
	[dreg:$0x7] =	wrdreg s5  }
0x15: {  	s0 =	simm.s32 $0x1;
	s22 =	simm.s32 $0x1AE00;
	[dreg:$0x6] =	wrdreg s7  }
.LBB2_1:
0x16: {  	[dreg:$0xc] =	wrdreg s3  }
0x17: {  	s4 =	rddreg [dreg:$0x5]  }
0x18: {  	s11 =	rddreg [dreg:$0x6]  }
0x19: {  	s19 =	rddreg [dreg:$0xb]  }
0x1a: {  	[spmem:s19], [sflag:s11] =	dma.local [hbm:s4], $0x30E0  }
0x1b: {  	_ =	swait.ge [sflag:s15], $0x30E0  }
0x1c: {  	[sflag:s15] =	ssyncset.done $0x0  }
0x1d: {  	[sflag:s15] =	ssyncadd.s32 $0xFFFFCF20  }
0x1e: {  	s25 =	sadd.s32 $0x0, s13;
	[bflag:$0x0] =	sbarrier.arrive $0xFFFF  }
0x1f: {  	[tilespmem:s16], [sflag:$0x3] =	stream.linear.gather [hbm4b:s25+s23], $0x700, $0x38;
	[tilespmem:$0x1FE00] =	vst v63  }
0x20: {  	_ =	swait.ge [sflag:s15], $0x700  }
0x21: {  	[sflag:s15] =	ssyncset.done $0x0  }
0x22: {  	[sflag:s15] =	ssyncadd.s32 $0xFFFFF900  }
0x23: {  	[tilespmem:s18], [sflag:$0x1] =	stream.indirect.gather [hbm4b:s1+s17], $0x20, s16, s17, $0xb8;
	[tilespmem:$0x1FE00] =	vst v63  }
0x24: {  	_ = 	snop  }
0x25: {  	[tilespmem:s20], [sflag:$0x1] =	stream.indirect.gather [hbm4b:s1+s17], $0x20, s21, s17, $0xb8;
	[tilespmem:$0x1FE00] =	vst v63  }
0x26: {  	s25 =	simm.s32 $0x18900  }
0x27: {  	[tilespmem:s22], [sflag:$0x1] =	stream.indirect.gather [hbm4b:s1+s17], $0x20, s25, s17, $0xb8;
	[tilespmem:$0x1FE00] =	vst v63  }
0x28: {  	s19 =	simm.s32 $0x18A00  }
0x29: {  	[tilespmem:s24], [sflag:$0x1] =	stream.indirect.gather [hbm4b:s1+s17], $0x20, s19, s17, $0xb8;
	[tilespmem:$0x1FE00] =	vst v63  }
0x2a: {  	s14 =	simm.s32 $0x18B00  }
0x2b: {  	[tilespmem:s26], [sflag:$0x1] =	stream.indirect.gather [hbm4b:s1+s17], $0x20, s14, s17, $0xb8;
	[tilespmem:$0x1FE00] =	vst v63  }
0x2c: {  	s21 =	simm.s32 $0x18C00  }
0x2d: {  	[tilespmem:s29], [sflag:$0x1] =	stream.indirect.gather [hbm4b:s1+s17], $0x20, s21, s17, $0xb8;
	[tilespmem:$0x1FE00] =	vst v63  }
0x2e: {  	s3 =	simm.s32 $0x18D00  }
0x2f: {  	[tilespmem:s31], [sflag:$0x1] =	stream.indirect.gather [hbm4b:s1+s17], $0x20, s3, s17, $0xb8;
	[tilespmem:$0x1FE00] =	vst v63  }
0x30: {  	_ =	swait.ge [sflag:s0], $0x1000  }
0x31: {  	[sflag:s0] =	ssyncset.done $0x0  }
0x32: {  	s7 =	simm.s32 $0x18780;
	[sflag:s0] =	ssyncadd.s32 $0xFFFFF000  }
0x33: {  	[spmem:s2] =	stream.indirect.scatter.add.f32 [tilespmem:s18], [sflag:$0x2], $0x20, s7, s17, $0xb8;
	[tilespmem:$0x1FE00] =	vst v63  }
0x34: {  	_ =	swait.ge [sflag:s0], $0x1000  }
0x35: {  	[sflag:s0] =	ssyncset.done $0x0  }
0x36: {  	s9 =	simm.s32 $0x18880;
	[sflag:s0] =	ssyncadd.s32 $0xFFFFF000  }
0x37: {  	[spmem:s2] =	stream.indirect.scatter.add.f32 [tilespmem:s20], [sflag:$0x2], $0x20, s9, s17, $0xb8;
	[tilespmem:$0x1FE00] =	vst v63  }
0x38: {  	_ =	swait.ge [sflag:s0], $0x1000  }
0x39: {  	[sflag:s0] =	ssyncset.done $0x0  }
0x3a: {  	s12 =	simm.s32 $0x18980;
	[sflag:s0] =	ssyncadd.s32 $0xFFFFF000  }
0x3b: {  	[spmem:s2] =	stream.indirect.scatter.add.f32 [tilespmem:s22], [sflag:$0x2], $0x20, s12, s17, $0xb8;
	[tilespmem:$0x1FE00] =	vst v63  }
0x3c: {  	_ =	swait.ge [sflag:s0], $0x1000  }
0x3d: {  	[sflag:s0] =	ssyncset.done $0x0  }
0x3e: {  	s8 =	simm.s32 $0x18A80;
	[sflag:s0] =	ssyncadd.s32 $0xFFFFF000  }
0x3f: {  	[spmem:s2] =	stream.indirect.scatter.add.f32 [tilespmem:s24], [sflag:$0x2], $0x20, s8, s17, $0xb8;
	[tilespmem:$0x1FE00] =	vst v63  }
0x40: {  	_ =	swait.ge [sflag:s0], $0x1000  }
0x41: {  	[sflag:s0] =	ssyncset.done $0x0  }
0x42: {  	s11 =	simm.s32 $0x18B80;
	[sflag:s0] =	ssyncadd.s32 $0xFFFFF000  }
0x43: {  	[spmem:s2] =	stream.indirect.scatter.add.f32 [tilespmem:s26], [sflag:$0x2], $0x20, s11, s17, $0xb8;
	[tilespmem:$0x1FE00] =	vst v63  }
0x44: {  	_ =	swait.ge [sflag:s0], $0x1000  }
0x45: {  	[sflag:s0] =	ssyncset.done $0x0  }
0x46: {  	s5 =	simm.s32 $0x18C80;
	[sflag:s0] =	ssyncadd.s32 $0xFFFFF000  }
0x47: {  	[spmem:s2] =	stream.indirect.scatter.add.f32 [tilespmem:s29], [sflag:$0x2], $0x20, s5, s17, $0xb8;
	[tilespmem:$0x1FE00] =	vst v63  }
0x48: {  	_ =	swait.ge [sflag:s0], $0x1000  }
0x49: {  	[sflag:s0] =	ssyncset.done $0x0  }
0x4a: {  	s4 =	simm.s32 $0x18D80;
	[sflag:s0] =	ssyncadd.s32 $0xFFFFF000  }
0x4b: {  	[spmem:s2] =	stream.indirect.scatter.add.f32 [tilespmem:s31], [sflag:$0x2], $0x20, s4, s17, $0xb8;
	[tilespmem:$0x1FE00] =	vst v63  }
0x4c: {  	_ =	swait.ge [sflag:s10], $0x1000  }
0x4d: {  	[sflag:s10] =	ssyncset.done $0x0  }
0x4e: {  	[sflag:s10] =	ssyncadd.s32 $0xFFFFF000  }
0x4f: {  	_ =	swait.ge [sflag:s10], $0x1000  }
0x50: {  	[sflag:s10] =	ssyncset.done $0x0  }
0x51: {  	[sflag:s10] =	ssyncadd.s32 $0xFFFFF000  }
0x52: {  	_ =	swait.ge [sflag:s10], $0x1000  }
0x53: {  	[sflag:s10] =	ssyncset.done $0x0  }
0x54: {  	[sflag:s10] =	ssyncadd.s32 $0xFFFFF000  }
0x55: {  	_ =	swait.ge [sflag:s10], $0x1000  }
0x56: {  	[sflag:s10] =	ssyncset.done $0x0  }
0x57: {  	[sflag:s10] =	ssyncadd.s32 $0xFFFFF000  }
0x58: {  	_ =	swait.ge [sflag:s10], $0x1000  }
0x59: {  	[sflag:s10] =	ssyncset.done $0x0  }
0x5a: {  	s28 =	simm.s32 $0x18B00;
	s30 =	simm.s32 $0x18D00;
	[sflag:s10] =	ssyncadd.s32 $0xFFFFF000  }
0x5b: {  	s25 =	simm.s32 $0x18C00;
	s19 =	simm.s32 $0x1C0;
	_ =	swait.ge [sflag:s10], $0x1000  }
0x5c: {  	s14 =	simm.s32 $0x18C80;
	s3 =	simm.s32 $0x18780;
	[sflag:s10] =	ssyncset.done $0x0  }
0x5d: {  	s7 =	simm.s32 $0x18880;
	s9 =	simm.s32 $0x18980;
	[sflag:s10] =	ssyncadd.s32 $0xFFFFF000  }
0x5e: {  	s12 =	simm.s32 $0x18A80;
	s8 =	simm.s32 $0x18B80;
	_ =	swait.ge [sflag:s10], $0x1000  }
0x5f: {  	s11 =	simm.s32 $0xE0;
	s5 =	simm.s32 $0x18D80;
	[sflag:s10] =	ssyncset.done $0x0  }
.LBB2_2:
0x60: {  	s21 =	sadd.s32 s11, s13  }
0x61: {  	[sflag:s10] =	ssyncadd.s32 $0xFFFFF000;
	s11 =	smov.u32 s19;
	s4 =	sadd.s32 $0xE0, s19  }
0x62: {  	[tilespmem:s16], [sflag:$0x3] =	stream.linear.gather [hbm4b:s21+s23], $0x700, $0x38;
	[tilespmem:$0x1FE00] =	vst v63  }
0x63: {  	s21 =	simm.s32 $0x18800  }
0x64: {  	p0 =	sne.s32 s19, $0x3020;
	_ =	swait.ge [sflag:s15], $0x700  }
0x65: {  	[sflag:s15] =	ssyncset.done $0x0  }
0x66: {  	[sflag:s15] =	ssyncadd.s32 $0xFFFFF900  }
0x67: {  	[tilespmem:s18], [sflag:$0x1] =	stream.indirect.gather [hbm4b:s1+s17], $0x20, s16, s17, $0xb8;
	[tilespmem:$0x1FE00] =	vst v63  }
0x68: {  	_ = 	snop  }
0x69: {  	[tilespmem:s20], [sflag:$0x1] =	stream.indirect.gather [hbm4b:s1+s17], $0x20, s21, s17, $0xb8;
	[tilespmem:$0x1FE00] =	vst v63  }
0x6a: {  	s19 =	simm.s32 $0x18900  }
0x6b: {  	[tilespmem:s22], [sflag:$0x1] =	stream.indirect.gather [hbm4b:s1+s17], $0x20, s19, s17, $0xb8;
	[tilespmem:$0x1FE00] =	vst v63  }
0x6c: {  	s19 =	simm.s32 $0x18A00  }
0x6d: {  	[tilespmem:s24], [sflag:$0x1] =	stream.indirect.gather [hbm4b:s1+s17], $0x20, s19, s17, $0xb8;
	[tilespmem:$0x1FE00] =	vst v63  }
0x6e: {  	_ = 	snop  }
0x6f: {  	[tilespmem:s26], [sflag:$0x1] =	stream.indirect.gather [hbm4b:s1+s17], $0x20, s28, s17, $0xb8;
	[tilespmem:$0x1FE00] =	vst v63  }
0x70: {  	_ = 	snop  }
0x71: {  	[tilespmem:s29], [sflag:$0x1] =	stream.indirect.gather [hbm4b:s1+s17], $0x20, s25, s17, $0xb8;
	[tilespmem:$0x1FE00] =	vst v63  }
0x72: {  	_ = 	snop  }
0x73: {  	[tilespmem:s31], [sflag:$0x1] =	stream.indirect.gather [hbm4b:s1+s17], $0x20, s30, s17, $0xb8;
	[tilespmem:$0x1FE00] =	vst v63  }
0x74: {  	_ =	swait.ge [sflag:s0], $0x1000  }
0x75: {  	[sflag:s0] =	ssyncset.done $0x0  }
0x76: {  	[sflag:s0] =	ssyncadd.s32 $0xFFFFF000  }
0x77: {  	[spmem:s2] =	stream.indirect.scatter.add.f32 [tilespmem:s18], [sflag:$0x2], $0x20, s3, s17, $0xb8;
	[tilespmem:$0x1FE00] =	vst v63  }
0x78: {  	_ =	swait.ge [sflag:s0], $0x1000  }
0x79: {  	[sflag:s0] =	ssyncset.done $0x0  }
0x7a: {  	[sflag:s0] =	ssyncadd.s32 $0xFFFFF000  }
0x7b: {  	[spmem:s2] =	stream.indirect.scatter.add.f32 [tilespmem:s20], [sflag:$0x2], $0x20, s7, s17, $0xb8;
	[tilespmem:$0x1FE00] =	vst v63  }
0x7c: {  	_ =	swait.ge [sflag:s0], $0x1000  }
0x7d: {  	[sflag:s0] =	ssyncset.done $0x0  }
0x7e: {  	[sflag:s0] =	ssyncadd.s32 $0xFFFFF000  }
0x7f: {  	[spmem:s2] =	stream.indirect.scatter.add.f32 [tilespmem:s22], [sflag:$0x2], $0x20, s9, s17, $0xb8;
	[tilespmem:$0x1FE00] =	vst v63  }
0x80: {  	_ =	swait.ge [sflag:s0], $0x1000  }
0x81: {  	[sflag:s0] =	ssyncset.done $0x0  }
0x82: {  	[sflag:s0] =	ssyncadd.s32 $0xFFFFF000  }
0x83: {  	[spmem:s2] =	stream.indirect.scatter.add.f32 [tilespmem:s24], [sflag:$0x2], $0x20, s12, s17, $0xb8;
	[tilespmem:$0x1FE00] =	vst v63  }
0x84: {  	_ =	swait.ge [sflag:s0], $0x1000  }
0x85: {  	[sflag:s0] =	ssyncset.done $0x0  }
0x86: {  	[sflag:s0] =	ssyncadd.s32 $0xFFFFF000  }
0x87: {  	[spmem:s2] =	stream.indirect.scatter.add.f32 [tilespmem:s26], [sflag:$0x2], $0x20, s8, s17, $0xb8;
	[tilespmem:$0x1FE00] =	vst v63  }
0x88: {  	_ =	swait.ge [sflag:s0], $0x1000  }
0x89: {  	[sflag:s0] =	ssyncset.done $0x0  }
0x8a: {  	[sflag:s0] =	ssyncadd.s32 $0xFFFFF000  }
0x8b: {  	[spmem:s2] =	stream.indirect.scatter.add.f32 [tilespmem:s29], [sflag:$0x2], $0x20, s14, s17, $0xb8;
	[tilespmem:$0x1FE00] =	vst v63  }
0x8c: {  	_ =	swait.ge [sflag:s0], $0x1000  }
0x8d: {  	[sflag:s0] =	ssyncset.done $0x0  }
0x8e: {  	[sflag:s0] =	ssyncadd.s32 $0xFFFFF000  }
0x8f: {  	[spmem:s2] =	stream.indirect.scatter.add.f32 [tilespmem:s31], [sflag:$0x2], $0x20, s5, s17, $0xb8;
	[tilespmem:$0x1FE00] =	vst v63  }
0x90: {  	_ =	swait.ge [sflag:s10], $0x1000  }
0x91: {  	[sflag:s10] =	ssyncset.done $0x0  }
0x92: {  	[sflag:s10] =	ssyncadd.s32 $0xFFFFF000  }
0x93: {  	_ =	swait.ge [sflag:s10], $0x1000  }
0x94: {  	[sflag:s10] =	ssyncset.done $0x0  }
0x95: {  	[sflag:s10] =	ssyncadd.s32 $0xFFFFF000  }
0x96: {  	_ =	swait.ge [sflag:s10], $0x1000  }
0x97: {  	[sflag:s10] =	ssyncset.done $0x0  }
0x98: {  	[sflag:s10] =	ssyncadd.s32 $0xFFFFF000  }
0x99: {  	_ =	swait.ge [sflag:s10], $0x1000  }
0x9a: {  	[sflag:s10] =	ssyncset.done $0x0  }
0x9b: {  	[sflag:s10] =	ssyncadd.s32 $0xFFFFF000  }
0x9c: {  	_ =	swait.ge [sflag:s10], $0x1000  }
0x9d: {  	[sflag:s10] =	ssyncset.done $0x0  }
0x9e: {  	[sflag:s10] =	ssyncadd.s32 $0xFFFFF000  }
.Ltmp0:
0x9f: {  	_ =	swait.ge [sflag:s10], $0x1000;
	(pc) =	sbr.rel @p0 .LBB2_2-.Ltmp0, $4  }
0xa0: {  	[sflag:s10] =	ssyncset.done $0x0  }
0xa1: {  	[sflag:s10] =	ssyncadd.s32 $0xFFFFF000  }
0xa2: {  	_ =	swait.ge [sflag:s10], $0x1000  }
0xa3: {  	s19 =	smov.u32 s4;
	[sflag:s10] =	ssyncset.done $0x0  }
0xa4: {  	s4 =	sadd.s32 s11, s13;
	[sflag:s10] =	ssyncadd.s32 $0xFFFFF000  }
0xa5: {  	[tilespmem:s16], [sflag:$0x3] =	stream.linear.gather [hbm4b:s4+s23], $0x700, $0x38;
	[tilespmem:$0x1FE00] =	vst v63  }
0xa6: {  	_ =	swait.ge [sflag:s15], $0x700  }
0xa7: {  	[sflag:s15] =	ssyncset.done $0x0  }
0xa8: {  	[sflag:s15] =	ssyncadd.s32 $0xFFFFF900  }
0xa9: {  	[tilespmem:s18], [sflag:$0x1] =	stream.indirect.gather [hbm4b:s1+s17], $0x20, s16, s17, $0xb8;
	[tilespmem:$0x1FE00] =	vst v63  }
0xaa: {  	_ = 	snop  }
0xab: {  	[tilespmem:s20], [sflag:$0x1] =	stream.indirect.gather [hbm4b:s1+s17], $0x20, s21, s17, $0xb8;
	[tilespmem:$0x1FE00] =	vst v63  }
0xac: {  	s25 =	simm.s32 $0x18900  }
0xad: {  	[tilespmem:s22], [sflag:$0x1] =	stream.indirect.gather [hbm4b:s1+s17], $0x20, s25, s17, $0xb8;
	[tilespmem:$0x1FE00] =	vst v63  }
0xae: {  	s28 =	simm.s32 $0x18A00  }
0xaf: {  	[tilespmem:s24], [sflag:$0x1] =	stream.indirect.gather [hbm4b:s1+s17], $0x20, s28, s17, $0xb8;
	[tilespmem:$0x1FE00] =	vst v63  }
0xb0: {  	s30 =	simm.s32 $0x18B00  }
0xb1: {  	[tilespmem:s26], [sflag:$0x1] =	stream.indirect.gather [hbm4b:s1+s17], $0x20, s30, s17, $0xb8;
	[tilespmem:$0x1FE00] =	vst v63  }
0xb2: {  	s3 =	simm.s32 $0x18C00  }
0xb3: {  	[tilespmem:s29], [sflag:$0x1] =	stream.indirect.gather [hbm4b:s1+s17], $0x20, s3, s17, $0xb8;
	[tilespmem:$0x1FE00] =	vst v63  }
0xb4: {  	s3 =	simm.s32 $0x18D00  }
0xb5: {  	[tilespmem:s31], [sflag:$0x1] =	stream.indirect.gather [hbm4b:s1+s17], $0x20, s3, s17, $0xb8;
	[tilespmem:$0x1FE00] =	vst v63  }
0xb6: {  	_ =	swait.ge [sflag:s0], $0x1000  }
0xb7: {  	[sflag:s0] =	ssyncset.done $0x0  }
0xb8: {  	s7 =	simm.s32 $0x18780;
	[sflag:s0] =	ssyncadd.s32 $0xFFFFF000  }
0xb9: {  	[spmem:s2] =	stream.indirect.scatter.add.f32 [tilespmem:s18], [sflag:$0x2], $0x20, s7, s17, $0xb8;
	[tilespmem:$0x1FE00] =	vst v63  }
0xba: {  	_ =	swait.ge [sflag:s0], $0x1000  }
0xbb: {  	[sflag:s0] =	ssyncset.done $0x0  }
0xbc: {  	s9 =	simm.s32 $0x18880;
	[sflag:s0] =	ssyncadd.s32 $0xFFFFF000  }
0xbd: {  	[spmem:s2] =	stream.indirect.scatter.add.f32 [tilespmem:s20], [sflag:$0x2], $0x20, s9, s17, $0xb8;
	[tilespmem:$0x1FE00] =	vst v63  }
0xbe: {  	_ =	swait.ge [sflag:s0], $0x1000  }
0xbf: {  	[sflag:s0] =	ssyncset.done $0x0  }
0xc0: {  	s12 =	simm.s32 $0x18980;
	[sflag:s0] =	ssyncadd.s32 $0xFFFFF000  }
0xc1: {  	[spmem:s2] =	stream.indirect.scatter.add.f32 [tilespmem:s22], [sflag:$0x2], $0x20, s12, s17, $0xb8;
	[tilespmem:$0x1FE00] =	vst v63  }
0xc2: {  	_ =	swait.ge [sflag:s0], $0x1000  }
0xc3: {  	[sflag:s0] =	ssyncset.done $0x0  }
0xc4: {  	s8 =	simm.s32 $0x18A80;
	[sflag:s0] =	ssyncadd.s32 $0xFFFFF000  }
0xc5: {  	[spmem:s2] =	stream.indirect.scatter.add.f32 [tilespmem:s24], [sflag:$0x2], $0x20, s8, s17, $0xb8;
	[tilespmem:$0x1FE00] =	vst v63  }
0xc6: {  	_ =	swait.ge [sflag:s0], $0x1000  }
0xc7: {  	[sflag:s0] =	ssyncset.done $0x0  }
0xc8: {  	s14 =	simm.s32 $0x18B80;
	[sflag:s0] =	ssyncadd.s32 $0xFFFFF000  }
0xc9: {  	[spmem:s2] =	stream.indirect.scatter.add.f32 [tilespmem:s26], [sflag:$0x2], $0x20, s14, s17, $0xb8;
	[tilespmem:$0x1FE00] =	vst v63  }
0xca: {  	_ =	swait.ge [sflag:s0], $0x1000  }
0xcb: {  	[sflag:s0] =	ssyncset.done $0x0  }
0xcc: {  	s5 =	simm.s32 $0x18C80;
	[sflag:s0] =	ssyncadd.s32 $0xFFFFF000  }
0xcd: {  	[spmem:s2] =	stream.indirect.scatter.add.f32 [tilespmem:s29], [sflag:$0x2], $0x20, s5, s17, $0xb8;
	[tilespmem:$0x1FE00] =	vst v63  }
0xce: {  	_ =	swait.ge [sflag:s0], $0x1000  }
0xcf: {  	[sflag:s0] =	ssyncset.done $0x0  }
0xd0: {  	s19 =	simm.s32 $0x18D80;
	[sflag:s0] =	ssyncadd.s32 $0xFFFFF000  }
0xd1: {  	[spmem:s2] =	stream.indirect.scatter.add.f32 [tilespmem:s31], [sflag:$0x2], $0x20, s19, s17, $0xb8;
	[tilespmem:$0x1FE00] =	vst v63  }
0xd2: {  	_ =	swait.ge [sflag:s10], $0x1000  }
0xd3: {  	[sflag:s10] =	ssyncset.done $0x0  }
0xd4: {  	[sflag:s10] =	ssyncadd.s32 $0xFFFFF000  }
0xd5: {  	_ =	swait.ge [sflag:s10], $0x1000  }
0xd6: {  	[sflag:s10] =	ssyncset.done $0x0  }
0xd7: {  	[sflag:s10] =	ssyncadd.s32 $0xFFFFF000  }
0xd8: {  	_ =	swait.ge [sflag:s10], $0x1000  }
0xd9: {  	[sflag:s10] =	ssyncset.done $0x0  }
0xda: {  	[sflag:s10] =	ssyncadd.s32 $0xFFFFF000  }
0xdb: {  	_ =	swait.ge [sflag:s10], $0x1000  }
0xdc: {  	[sflag:s10] =	ssyncset.done $0x0  }
0xdd: {  	[sflag:s10] =	ssyncadd.s32 $0xFFFFF000  }
0xde: {  	_ =	swait.ge [sflag:s10], $0x1000  }
0xdf: {  	[sflag:s10] =	ssyncset.done $0x0  }
0xe0: {  	[sflag:s10] =	ssyncadd.s32 $0xFFFFF000  }
0xe1: {  	_ =	swait.ge [sflag:s10], $0x1000  }
0xe2: {  	[sflag:s10] =	ssyncset.done $0x0  }
0xe3: {  	[sflag:s10] =	ssyncadd.s32 $0xFFFFF000  }
0xe4: {  	_ =	swait.ge [sflag:s10], $0x1000  }
0xe5: {  	[sflag:s10] =	ssyncset.done $0x0  }
0xe6: {  	[sflag:s10] =	ssyncadd.s32 $0xFFFFF000  }
0xe7: {  	[bflag:$0x0] =	sbarrier.arrive $0xFFFF  }
0xe8: {  	s4 =	rddreg [dreg:$0x6]  }
0xe9: {  	s11 =	rddreg [dreg:$0x7]  }
0xea: {  	s19 =	rddreg [dreg:$0xb]  }
0xeb: {  	[hbm:s11], [sflag:s4] =	dma.local [spmem:s19], $0x30E0  }
0xec: {  	_ =	swait.ge [sflag:s15], $0x30E0  }
0xed: {  	[sflag:s15] =	ssyncset.done $0x0  }
0xee: {  	[sflag:s15] =	ssyncadd.s32 $0xFFFFCF20  }
0xef: {  	s11 =	sadd.s32 $0x0, s13;
	[bflag:$0x0] =	sbarrier.arrive $0xFFFF  }
0xf0: {  	[tilespmem:s16], [sflag:$0x3] =	stream.linear.gather [hbm4b:s11+s23], $0x700, $0x38;
	[tilespmem:$0x1FE00] =	vst v63  }
0xf1: {  	_ =	swait.ge [sflag:s15], $0x700  }
0xf2: {  	[sflag:s15] =	ssyncset.done $0x0  }
0xf3: {  	[sflag:s15] =	ssyncadd.s32 $0xFFFFF900  }
0xf4: {  	[tilespmem:s18], [sflag:$0x1] =	stream.indirect.gather [hbm4b:s6+s17], $0x20, s16, s17, $0xb8;
	[tilespmem:$0x1FE00] =	vst v63  }
0xf5: {  	_ = 	snop  }
0xf6: {  	[tilespmem:s20], [sflag:$0x1] =	stream.indirect.gather [hbm4b:s6+s17], $0x20, s21, s17, $0xb8;
	[tilespmem:$0x1FE00] =	vst v63  }
0xf7: {  	_ = 	snop  }
0xf8: {  	[tilespmem:s22], [sflag:$0x1] =	stream.indirect.gather [hbm4b:s6+s17], $0x20, s25, s17, $0xb8;
	[tilespmem:$0x1FE00] =	vst v63  }
0xf9: {  	_ = 	snop  }
0xfa: {  	[tilespmem:s24], [sflag:$0x1] =	stream.indirect.gather [hbm4b:s6+s17], $0x20, s28, s17, $0xb8;
	[tilespmem:$0x1FE00] =	vst v63  }
0xfb: {  	_ = 	snop  }
0xfc: {  	[tilespmem:s26], [sflag:$0x1] =	stream.indirect.gather [hbm4b:s6+s17], $0x20, s30, s17, $0xb8;
	[tilespmem:$0x1FE00] =	vst v63  }
0xfd: {  	s19 =	simm.s32 $0x18C00  }
0xfe: {  	[tilespmem:s29], [sflag:$0x1] =	stream.indirect.gather [hbm4b:s6+s17], $0x20, s19, s17, $0xb8;
	[tilespmem:$0x1FE00] =	vst v63  }
0xff: {  	_ = 	snop  }
0x100: {  	[tilespmem:s31], [sflag:$0x1] =	stream.indirect.gather [hbm4b:s6+s17], $0x20, s3, s17, $0xb8;
	[tilespmem:$0x1FE00] =	vst v63  }
0x101: {  	_ =	swait.ge [sflag:s0], $0x1000  }
0x102: {  	[sflag:s0] =	ssyncset.done $0x0  }
0x103: {  	[sflag:s0] =	ssyncadd.s32 $0xFFFFF000  }
0x104: {  	[spmem:s2] =	stream.indirect.scatter.add.f32 [tilespmem:s18], [sflag:$0x2], $0x20, s7, s17, $0xb8;
	[tilespmem:$0x1FE00] =	vst v63  }
0x105: {  	_ =	swait.ge [sflag:s0], $0x1000  }
0x106: {  	[sflag:s0] =	ssyncset.done $0x0  }
0x107: {  	[sflag:s0] =	ssyncadd.s32 $0xFFFFF000  }
0x108: {  	[spmem:s2] =	stream.indirect.scatter.add.f32 [tilespmem:s20], [sflag:$0x2], $0x20, s9, s17, $0xb8;
	[tilespmem:$0x1FE00] =	vst v63  }
0x109: {  	_ =	swait.ge [sflag:s0], $0x1000  }
0x10a: {  	[sflag:s0] =	ssyncset.done $0x0  }
0x10b: {  	[sflag:s0] =	ssyncadd.s32 $0xFFFFF000  }
0x10c: {  	[spmem:s2] =	stream.indirect.scatter.add.f32 [tilespmem:s22], [sflag:$0x2], $0x20, s12, s17, $0xb8;
	[tilespmem:$0x1FE00] =	vst v63  }
0x10d: {  	_ =	swait.ge [sflag:s0], $0x1000  }
0x10e: {  	[sflag:s0] =	ssyncset.done $0x0  }
0x10f: {  	[sflag:s0] =	ssyncadd.s32 $0xFFFFF000  }
0x110: {  	[spmem:s2] =	stream.indirect.scatter.add.f32 [tilespmem:s24], [sflag:$0x2], $0x20, s8, s17, $0xb8;
	[tilespmem:$0x1FE00] =	vst v63  }
0x111: {  	_ =	swait.ge [sflag:s0], $0x1000  }
0x112: {  	[sflag:s0] =	ssyncset.done $0x0  }
0x113: {  	[sflag:s0] =	ssyncadd.s32 $0xFFFFF000  }
0x114: {  	[spmem:s2] =	stream.indirect.scatter.add.f32 [tilespmem:s26], [sflag:$0x2], $0x20, s14, s17, $0xb8;
	[tilespmem:$0x1FE00] =	vst v63  }
0x115: {  	_ =	swait.ge [sflag:s0], $0x1000  }
0x116: {  	[sflag:s0] =	ssyncset.done $0x0  }
0x117: {  	[sflag:s0] =	ssyncadd.s32 $0xFFFFF000  }
0x118: {  	[spmem:s2] =	stream.indirect.scatter.add.f32 [tilespmem:s29], [sflag:$0x2], $0x20, s5, s17, $0xb8;
	[tilespmem:$0x1FE00] =	vst v63  }
0x119: {  	_ =	swait.ge [sflag:s0], $0x1000  }
0x11a: {  	[sflag:s0] =	ssyncset.done $0x0  }
0x11b: {  	s21 =	simm.s32 $0x18D80;
	[sflag:s0] =	ssyncadd.s32 $0xFFFFF000  }
0x11c: {  	[spmem:s2] =	stream.indirect.scatter.add.f32 [tilespmem:s31], [sflag:$0x2], $0x20, s21, s17, $0xb8;
	[tilespmem:$0x1FE00] =	vst v63  }
0x11d: {  	_ =	swait.ge [sflag:s10], $0x1000  }
0x11e: {  	[sflag:s10] =	ssyncset.done $0x0  }
0x11f: {  	[sflag:s10] =	ssyncadd.s32 $0xFFFFF000  }
0x120: {  	_ =	swait.ge [sflag:s10], $0x1000  }
0x121: {  	[sflag:s10] =	ssyncset.done $0x0  }
0x122: {  	[sflag:s10] =	ssyncadd.s32 $0xFFFFF000  }
0x123: {  	_ =	swait.ge [sflag:s10], $0x1000  }
0x124: {  	[sflag:s10] =	ssyncset.done $0x0  }
0x125: {  	[sflag:s10] =	ssyncadd.s32 $0xFFFFF000  }
0x126: {  	_ =	swait.ge [sflag:s10], $0x1000  }
0x127: {  	[sflag:s10] =	ssyncset.done $0x0  }
0x128: {  	[sflag:s10] =	ssyncadd.s32 $0xFFFFF000  }
0x129: {  	_ =	swait.ge [sflag:s10], $0x1000  }
0x12a: {  	[sflag:s10] =	ssyncset.done $0x0  }
0x12b: {  	s11 =	simm.s32 $0xE0;
	s25 =	simm.s32 $0x18A00;
	[sflag:s10] =	ssyncadd.s32 $0xFFFFF000  }
0x12c: {  	s28 =	simm.s32 $0x18B00;
	s30 =	simm.s32 $0x18D00;
	_ =	swait.ge [sflag:s10], $0x1000  }
0x12d: {  	s19 =	simm.s32 $0x1C0;
	s3 =	simm.s32 $0x18780;
	[sflag:s10] =	ssyncset.done $0x0  }
0x12e: {  	s7 =	simm.s32 $0x18880;
	s9 =	simm.s32 $0x18980;
	[sflag:s10] =	ssyncadd.s32 $0xFFFFF000  }
0x12f: {  	s12 =	simm.s32 $0x18A80;
	s8 =	simm.s32 $0x18B80;
	_ =	swait.ge [sflag:s10], $0x1000  }
0x130: {  	s14 =	simm.s32 $0x18C80;
	s5 =	simm.s32 $0x18D80;
	[sflag:s10] =	ssyncset.done $0x0  }
.LBB2_4:
0x131: {  	s21 =	sadd.s32 s11, s13  }
0x132: {  	[sflag:s10] =	ssyncadd.s32 $0xFFFFF000;
	s11 =	smov.u32 s19;
	s4 =	sadd.s32 $0xE0, s19  }
0x133: {  	[tilespmem:s16], [sflag:$0x3] =	stream.linear.gather [hbm4b:s21+s23], $0x700, $0x38;
	[tilespmem:$0x1FE00] =	vst v63  }
0x134: {  	s21 =	simm.s32 $0x18800  }
0x135: {  	p0 =	sne.s32 s19, $0x3020;
	_ =	swait.ge [sflag:s15], $0x700  }
0x136: {  	[sflag:s15] =	ssyncset.done $0x0  }
0x137: {  	[sflag:s15] =	ssyncadd.s32 $0xFFFFF900  }
0x138: {  	[tilespmem:s18], [sflag:$0x1] =	stream.indirect.gather [hbm4b:s6+s17], $0x20, s16, s17, $0xb8;
	[tilespmem:$0x1FE00] =	vst v63  }
0x139: {  	_ = 	snop  }
0x13a: {  	[tilespmem:s20], [sflag:$0x1] =	stream.indirect.gather [hbm4b:s6+s17], $0x20, s21, s17, $0xb8;
	[tilespmem:$0x1FE00] =	vst v63  }
0x13b: {  	s19 =	simm.s32 $0x18900  }
0x13c: {  	[tilespmem:s22], [sflag:$0x1] =	stream.indirect.gather [hbm4b:s6+s17], $0x20, s19, s17, $0xb8;
	[tilespmem:$0x1FE00] =	vst v63  }
0x13d: {  	_ = 	snop  }
0x13e: {  	[tilespmem:s24], [sflag:$0x1] =	stream.indirect.gather [hbm4b:s6+s17], $0x20, s25, s17, $0xb8;
	[tilespmem:$0x1FE00] =	vst v63  }
0x13f: {  	_ = 	snop  }
0x140: {  	[tilespmem:s26], [sflag:$0x1] =	stream.indirect.gather [hbm4b:s6+s17], $0x20, s28, s17, $0xb8;
	[tilespmem:$0x1FE00] =	vst v63  }
0x141: {  	s19 =	simm.s32 $0x18C00  }
0x142: {  	[tilespmem:s29], [sflag:$0x1] =	stream.indirect.gather [hbm4b:s6+s17], $0x20, s19, s17, $0xb8;
	[tilespmem:$0x1FE00] =	vst v63  }
0x143: {  	_ = 	snop  }
0x144: {  	[tilespmem:s31], [sflag:$0x1] =	stream.indirect.gather [hbm4b:s6+s17], $0x20, s30, s17, $0xb8;
	[tilespmem:$0x1FE00] =	vst v63  }
0x145: {  	_ =	swait.ge [sflag:s0], $0x1000  }
0x146: {  	[sflag:s0] =	ssyncset.done $0x0  }
0x147: {  	[sflag:s0] =	ssyncadd.s32 $0xFFFFF000  }
0x148: {  	[spmem:s2] =	stream.indirect.scatter.add.f32 [tilespmem:s18], [sflag:$0x2], $0x20, s3, s17, $0xb8;
	[tilespmem:$0x1FE00] =	vst v63  }
0x149: {  	_ =	swait.ge [sflag:s0], $0x1000  }
0x14a: {  	[sflag:s0] =	ssyncset.done $0x0  }
0x14b: {  	[sflag:s0] =	ssyncadd.s32 $0xFFFFF000  }
0x14c: {  	[spmem:s2] =	stream.indirect.scatter.add.f32 [tilespmem:s20], [sflag:$0x2], $0x20, s7, s17, $0xb8;
	[tilespmem:$0x1FE00] =	vst v63  }
0x14d: {  	_ =	swait.ge [sflag:s0], $0x1000  }
0x14e: {  	[sflag:s0] =	ssyncset.done $0x0  }
0x14f: {  	[sflag:s0] =	ssyncadd.s32 $0xFFFFF000  }
0x150: {  	[spmem:s2] =	stream.indirect.scatter.add.f32 [tilespmem:s22], [sflag:$0x2], $0x20, s9, s17, $0xb8;
	[tilespmem:$0x1FE00] =	vst v63  }
0x151: {  	_ =	swait.ge [sflag:s0], $0x1000  }
0x152: {  	[sflag:s0] =	ssyncset.done $0x0  }
0x153: {  	[sflag:s0] =	ssyncadd.s32 $0xFFFFF000  }
0x154: {  	[spmem:s2] =	stream.indirect.scatter.add.f32 [tilespmem:s24], [sflag:$0x2], $0x20, s12, s17, $0xb8;
	[tilespmem:$0x1FE00] =	vst v63  }
0x155: {  	_ =	swait.ge [sflag:s0], $0x1000  }
0x156: {  	[sflag:s0] =	ssyncset.done $0x0  }
0x157: {  	[sflag:s0] =	ssyncadd.s32 $0xFFFFF000  }
0x158: {  	[spmem:s2] =	stream.indirect.scatter.add.f32 [tilespmem:s26], [sflag:$0x2], $0x20, s8, s17, $0xb8;
	[tilespmem:$0x1FE00] =	vst v63  }
0x159: {  	_ =	swait.ge [sflag:s0], $0x1000  }
0x15a: {  	[sflag:s0] =	ssyncset.done $0x0  }
0x15b: {  	[sflag:s0] =	ssyncadd.s32 $0xFFFFF000  }
0x15c: {  	[spmem:s2] =	stream.indirect.scatter.add.f32 [tilespmem:s29], [sflag:$0x2], $0x20, s14, s17, $0xb8;
	[tilespmem:$0x1FE00] =	vst v63  }
0x15d: {  	_ =	swait.ge [sflag:s0], $0x1000  }
0x15e: {  	[sflag:s0] =	ssyncset.done $0x0  }
0x15f: {  	[sflag:s0] =	ssyncadd.s32 $0xFFFFF000  }
0x160: {  	[spmem:s2] =	stream.indirect.scatter.add.f32 [tilespmem:s31], [sflag:$0x2], $0x20, s5, s17, $0xb8;
	[tilespmem:$0x1FE00] =	vst v63  }
0x161: {  	_ =	swait.ge [sflag:s10], $0x1000  }
0x162: {  	[sflag:s10] =	ssyncset.done $0x0  }
0x163: {  	[sflag:s10] =	ssyncadd.s32 $0xFFFFF000  }
0x164: {  	_ =	swait.ge [sflag:s10], $0x1000  }
0x165: {  	[sflag:s10] =	ssyncset.done $0x0  }
0x166: {  	[sflag:s10] =	ssyncadd.s32 $0xFFFFF000  }
0x167: {  	_ =	swait.ge [sflag:s10], $0x1000  }
0x168: {  	[sflag:s10] =	ssyncset.done $0x0  }
0x169: {  	[sflag:s10] =	ssyncadd.s32 $0xFFFFF000  }
0x16a: {  	_ =	swait.ge [sflag:s10], $0x1000  }
0x16b: {  	[sflag:s10] =	ssyncset.done $0x0  }
0x16c: {  	[sflag:s10] =	ssyncadd.s32 $0xFFFFF000  }
0x16d: {  	_ =	swait.ge [sflag:s10], $0x1000  }
0x16e: {  	[sflag:s10] =	ssyncset.done $0x0  }
0x16f: {  	[sflag:s10] =	ssyncadd.s32 $0xFFFFF000  }
.Ltmp1:
0x170: {  	_ =	swait.ge [sflag:s10], $0x1000;
	(pc) =	sbr.rel @p0 .LBB2_4-.Ltmp1, $4  }
0x171: {  	[sflag:s10] =	ssyncset.done $0x0  }
0x172: {  	[sflag:s10] =	ssyncadd.s32 $0xFFFFF000  }
0x173: {  	_ =	swait.ge [sflag:s10], $0x1000  }
0x174: {  	s19 =	smov.u32 s4;
	[sflag:s10] =	ssyncset.done $0x0  }
0x175: {  	s4 =	sadd.s32 s11, s13;
	[sflag:s10] =	ssyncadd.s32 $0xFFFFF000  }
0x176: {  	[tilespmem:s16], [sflag:$0x3] =	stream.linear.gather [hbm4b:s4+s23], $0x700, $0x38;
	[tilespmem:$0x1FE00] =	vst v63  }
0x177: {  	_ =	swait.ge [sflag:s15], $0x700  }
0x178: {  	[sflag:s15] =	ssyncset.done $0x0  }
0x179: {  	[sflag:s15] =	ssyncadd.s32 $0xFFFFF900  }
0x17a: {  	[tilespmem:s18], [sflag:$0x1] =	stream.indirect.gather [hbm4b:s6+s17], $0x20, s16, s17, $0xb8;
	[tilespmem:$0x1FE00] =	vst v63  }
0x17b: {  	_ = 	snop  }
0x17c: {  	[tilespmem:s20], [sflag:$0x1] =	stream.indirect.gather [hbm4b:s6+s17], $0x20, s21, s17, $0xb8;
	[tilespmem:$0x1FE00] =	vst v63  }
0x17d: {  	s23 =	simm.s32 $0x18900  }
0x17e: {  	[tilespmem:s22], [sflag:$0x1] =	stream.indirect.gather [hbm4b:s6+s17], $0x20, s23, s17, $0xb8;
	[tilespmem:$0x1FE00] =	vst v63  }
0x17f: {  	_ = 	snop  }
0x180: {  	[tilespmem:s24], [sflag:$0x1] =	stream.indirect.gather [hbm4b:s6+s17], $0x20, s25, s17, $0xb8;
	[tilespmem:$0x1FE00] =	vst v63  }
0x181: {  	_ = 	snop  }
0x182: {  	[tilespmem:s26], [sflag:$0x1] =	stream.indirect.gather [hbm4b:s6+s17], $0x20, s28, s17, $0xb8;
	[tilespmem:$0x1FE00] =	vst v63  }
0x183: {  	s28 =	simm.s32 $0x18C00  }
0x184: {  	[tilespmem:s29], [sflag:$0x1] =	stream.indirect.gather [hbm4b:s6+s17], $0x20, s28, s17, $0xb8;
	[tilespmem:$0x1FE00] =	vst v63  }
0x185: {  	_ = 	snop  }
0x186: {  	[tilespmem:s31], [sflag:$0x1] =	stream.indirect.gather [hbm4b:s6+s17], $0x20, s30, s17, $0xb8;
	[tilespmem:$0x1FE00] =	vst v63  }
0x187: {  	_ =	swait.ge [sflag:s0], $0x1000  }
0x188: {  	[sflag:s0] =	ssyncset.done $0x0  }
0x189: {  	[sflag:s0] =	ssyncadd.s32 $0xFFFFF000  }
0x18a: {  	[spmem:s2] =	stream.indirect.scatter.add.f32 [tilespmem:s18], [sflag:$0x2], $0x20, s3, s17, $0xb8;
	[tilespmem:$0x1FE00] =	vst v63  }
0x18b: {  	_ =	swait.ge [sflag:s0], $0x1000  }
0x18c: {  	[sflag:s0] =	ssyncset.done $0x0  }
0x18d: {  	[sflag:s0] =	ssyncadd.s32 $0xFFFFF000  }
0x18e: {  	[spmem:s2] =	stream.indirect.scatter.add.f32 [tilespmem:s20], [sflag:$0x2], $0x20, s7, s17, $0xb8;
	[tilespmem:$0x1FE00] =	vst v63  }
0x18f: {  	_ =	swait.ge [sflag:s0], $0x1000  }
0x190: {  	[sflag:s0] =	ssyncset.done $0x0  }
0x191: {  	[sflag:s0] =	ssyncadd.s32 $0xFFFFF000  }
0x192: {  	[spmem:s2] =	stream.indirect.scatter.add.f32 [tilespmem:s22], [sflag:$0x2], $0x20, s9, s17, $0xb8;
	[tilespmem:$0x1FE00] =	vst v63  }
0x193: {  	_ =	swait.ge [sflag:s0], $0x1000  }
0x194: {  	[sflag:s0] =	ssyncset.done $0x0  }
0x195: {  	[sflag:s0] =	ssyncadd.s32 $0xFFFFF000  }
0x196: {  	[spmem:s2] =	stream.indirect.scatter.add.f32 [tilespmem:s24], [sflag:$0x2], $0x20, s12, s17, $0xb8;
	[tilespmem:$0x1FE00] =	vst v63  }
0x197: {  	_ =	swait.ge [sflag:s0], $0x1000  }
0x198: {  	[sflag:s0] =	ssyncset.done $0x0  }
0x199: {  	[sflag:s0] =	ssyncadd.s32 $0xFFFFF000  }
0x19a: {  	[spmem:s2] =	stream.indirect.scatter.add.f32 [tilespmem:s26], [sflag:$0x2], $0x20, s8, s17, $0xb8;
	[tilespmem:$0x1FE00] =	vst v63  }
0x19b: {  	_ =	swait.ge [sflag:s0], $0x1000  }
0x19c: {  	[sflag:s0] =	ssyncset.done $0x0  }
0x19d: {  	[sflag:s0] =	ssyncadd.s32 $0xFFFFF000  }
0x19e: {  	[spmem:s2] =	stream.indirect.scatter.add.f32 [tilespmem:s29], [sflag:$0x2], $0x20, s14, s17, $0xb8;
	[tilespmem:$0x1FE00] =	vst v63  }
0x19f: {  	_ =	swait.ge [sflag:s0], $0x1000  }
0x1a0: {  	[sflag:s0] =	ssyncset.done $0x0  }
0x1a1: {  	[sflag:s0] =	ssyncadd.s32 $0xFFFFF000  }
0x1a2: {  	[spmem:s2] =	stream.indirect.scatter.add.f32 [tilespmem:s31], [sflag:$0x2], $0x20, s5, s17, $0xb8;
	[tilespmem:$0x1FE00] =	vst v63  }
0x1a3: {  	_ =	swait.ge [sflag:s10], $0x1000  }
0x1a4: {  	[sflag:s10] =	ssyncset.done $0x0  }
0x1a5: {  	[sflag:s10] =	ssyncadd.s32 $0xFFFFF000  }
0x1a6: {  	_ =	swait.ge [sflag:s10], $0x1000  }
0x1a7: {  	[sflag:s10] =	ssyncset.done $0x0  }
0x1a8: {  	[sflag:s10] =	ssyncadd.s32 $0xFFFFF000  }
0x1a9: {  	_ =	swait.ge [sflag:s10], $0x1000  }
0x1aa: {  	[sflag:s10] =	ssyncset.done $0x0  }
0x1ab: {  	[sflag:s10] =	ssyncadd.s32 $0xFFFFF000  }
0x1ac: {  	_ =	swait.ge [sflag:s10], $0x1000  }
0x1ad: {  	[sflag:s10] =	ssyncset.done $0x0  }
0x1ae: {  	[sflag:s10] =	ssyncadd.s32 $0xFFFFF000  }
0x1af: {  	_ =	swait.ge [sflag:s10], $0x1000  }
0x1b0: {  	[sflag:s10] =	ssyncset.done $0x0  }
0x1b1: {  	[sflag:s10] =	ssyncadd.s32 $0xFFFFF000  }
0x1b2: {  	_ =	swait.ge [sflag:s10], $0x1000  }
0x1b3: {  	[sflag:s10] =	ssyncset.done $0x0  }
0x1b4: {  	[sflag:s10] =	ssyncadd.s32 $0xFFFFF000  }
0x1b5: {  	_ =	swait.ge [sflag:s10], $0x1000  }
0x1b6: {  	[sflag:s10] =	ssyncset.done $0x0  }
0x1b7: {  	s11 =	simm.s32 $0x0;
	s3 =	simm.s32 $0x20;
	[sflag:s10] =	ssyncadd.s32 $0xFFFFF000  }
0x1b8: {  	s7 =	simm.s32 $0x0;
	s5 =	simm.s32 $0x40;
	[bflag:$0x0] =	sbarrier.arrive $0xFFFF  }
.LBB2_6:
0x1b9: {  	s4 =	smul.u32 $0x7D, s11  }
0x1ba: {  	s19 =	rddreg [dreg:$0x8]  }
0x1bb: {  	s25 =	rddreg [dreg:$0x4];
	s8 =	sadd.s32 s19, s4  }
0x1bc: {  	s4 =	sadd.s32 s25, s8  }
0x1bd: {  	s4 =	sshll.u32 s4, $0x2  }
0x1be: {  	s28 =	sadd.s32 s1, s4  }
0x1bf: {  	[tilespmem:s18], [sflag:$0x3] =	stream.linear.gather [hbm4b:s28+s7], $0xFA0, $0x38;
	[tilespmem:$0x1FE00] =	vst v63  }
0x1c0: {  	_ =	swait.ge [sflag:s15], $0xFA0  }
0x1c1: {  	[sflag:s15] =	ssyncset.done $0x0  }
0x1c2: {  	s4 =	sadd.s32 s6, s4;
	[sflag:s15] =	ssyncadd.s32 $0xFFFFF060  }
0x1c3: {  	[tilespmem:s20], [sflag:$0x3] =	stream.linear.gather [hbm4b:s4+s7], $0xFA0, $0x38;
	[tilespmem:$0x1FE00] =	vst v63  }
0x1c4: {  	s30 =	sshll.u32 s8, $0x5;
	_ =	swait.ge [sflag:s15], $0xFA0  }
0x1c5: {  	s4 =	sand.u32 $0x3FFFFFE0, s30;
	[sflag:s15] =	ssyncset.done $0x0  }
0x1c6: {  	s4 =	sadd.s32 s4, s2;
	[sflag:s15] =	ssyncadd.s32 $0xFFFFF060  }
0x1c7: {  	[tilespmem:s22], [sflag:$0x3] =	stream.linear.gather [spmem:s4], $0xFA0, $0x38;
	[tilespmem:$0x1FE00] =	vst v63  }
0x1c8: {  	_ =	swait.ge [sflag:s15], $0xFA0  }
0x1c9: {  	[sflag:s15] =	ssyncset.done $0x0  }
0x1ca: {  	s4 =	simm.s32 $0x0;
	[sflag:s15] =	ssyncadd.s32 $0xFFFFF060  }
0x1cb: {  	v2 =	vld [tilespmem:s4+$0x18E10]  }
0x1cc: {  	v3 =	vld [tilespmem:s4+$0x19E10]  }
0x1cd: {  	v5 =	vld [tilespmem:s4+$0x18E00]  }
0x1ce: {  	v6 =	vld [tilespmem:s4+$0x1AE10]  }
0x1cf: {  	v7 =	vld [tilespmem:s4+$0x19E00]  }
0x1d0: {  	s19 =	simm.s32 $0x20;
	v0 =	vld [tilespmem:s4+$0x1AE00]  }
0x1d1: {  	v1 =	vld [tilespmem:s19+$0x18E10];
	v3 =	vadd.f32 v3, v2  }
0x1d2: {  	v4 =	vld [tilespmem:s19+$0x19E10]  }
0x1d3: {  	v2 =	vld [tilespmem:s19+$0x18E00];
	v6 =	vadd.f32 v6, v3  }
0x1d4: {  	v7 =	vadd.f32 v7, v5;
	v3 =	vld [tilespmem:s19+$0x1AE10]  }
0x1d5: {  	s21 =	simm.s32 $0x100;
	v5 =	vld [tilespmem:s19+$0x19E00];
	v6 =	vmul.f32 $3.333333430e-01, v6  }
.LBB2_7:
0x1d6: {  	s23 =	sshra.s32 s21, $0x2;
	v9 =	vadd.f32 v0, v7;
	v0 =	vld [tilespmem:s19+$0x1AE00];
	p0 =	sne.s32 s21, $0x3E00  }
.Ltmp2:
0x1d7: {  	s21 =	sadd.s32 $0x80, s21;
	v8 =	vadd.f32 v4, v1;
	v1 =	vld [tilespmem:s23+$0x18E10];
	[tilespmem:s4+$0x1BE10] =	vst v6;
	(pc) =	sbr.rel @p0 .LBB2_7-.Ltmp2, $4  }
0x1d8: {  	v4 =	vld [tilespmem:s23+$0x19E10];
	v6 =	vmul.f32 $3.333333430e-01, v9;
	v7 =	vmov v2  }
0x1d9: {  	v2 =	vld [tilespmem:s23+$0x18E00];
	v8 =	vadd.f32 v3, v8  }
0x1da: {  	v3 =	vld [tilespmem:s23+$0x1AE10];
	v7 =	vadd.f32 v5, v7;
	[tilespmem:s4+$0x1BE00] =	vst v6;
	s4 =	smov.u32 s19;
	s19 =	smov.u32 s23  }
0x1db: {  	v5 =	vld [tilespmem:s19+$0x19E00];
	v6 =	vmul.f32 $3.333333430e-01, v8  }
0x1dc: {  	_ = 	snop  }
0x1dd: {  	v8 =	vld [tilespmem:s19+$0x1AE00];
	_ =	sdelay $0x1  }
0x1de: {  	v1 =	vadd.f32 v4, v1  }
0x1df: {  	v0 =	vadd.f32 v0, v7;
	v2 =	vadd.f32 v5, v2  }
0x1e0: {  	v1 =	vadd.f32 v3, v1  }
0x1e1: {  	v0 =	vmul.f32 $3.333333430e-01, v0;
	v2 =	vadd.f32 v8, v2  }
0x1e2: {  	[tilespmem:s4+$0x1BE10] =	vst v6;
	v1 =	vmul.f32 $3.333333430e-01, v1  }
0x1e3: {  	s11 =	sadd.s32 $0x1, s11;
	[tilespmem:s4+$0x1BE00] =	vst v0;
	v63 =	vmul.f32 $3.333333430e-01, v2  }
0x1e4: {  	s28 =	sshll.u32 s8, $0x3;
	s30 =	rddreg [dreg:$0x9];
	p0 =	sne.s32 s11, $0x19;
	[tilespmem:s19+$0x1BE10] =	vst v1  }
.Ltmp3:
0x1e5: {  	s4 =	sadd.s32 s28, s30;
	[tilespmem:s19+$0x1BE00] =	vst v63;
	(pc) =	sbr.rel @p0 .LBB2_6-.Ltmp3, $4  }
0x1e6: {  	[hbm4b:s4+s3] =	stream.strided.scatter [tilespmem:s24], [sflag:$0x3], $0xFA0, s5, s3, $0x38;
	[tilespmem:$0x1FE00] =	vst v63  }
0x1e7: {  	_ =	swait.ge [sflag:s15], $0xFA0  }
0x1e8: {  	[sflag:s15] =	ssyncset.done $0x0  }
0x1e9: {  	[sflag:s15] =	ssyncadd.s32 $0xFFFFF060  }
0x1ea: {  	s3 =	rddreg [dreg:$0xc]  }
0x1eb: {  	s4 =	rddreg [dreg:$0xa];
	s3 =	sadd.s32 $0x1, s3  }
0x1ec: {  	p0 =	sne.s32 s3, s4  }
.Ltmp4:
0x1ed: {  	_ = 	snop;
	(pc) =	sbr.rel @p0 .LBB2_1-.Ltmp4, $3  }
0x1ee: {  	_ =	sdelay $0x1  }
0x1ef: {  	[bflag:$0x0] =	sbarrier.arrive $0xFFFF  }
0x1f0: {  	s23 =	simm.s32 $0x0;
	s21 =	simm.s32 $0x18800  }
0x1f1: {  	_ =	sfence.sel $0x180000  }
0x1f2: {  	[bflag:$0x0] =	sbarrier.arrive $0xFFFF  }
0x1f3: {  	_ =	strace $0x9000004A  }
0x1f4: {  	s0 =	stileid.u32;
	[bflag:$0x2] =	sbarrier.arrive $0xFFFF  }
0x1f5: {  	p0 =	sne.s32 s0, $0x0;
	s0 =	rddreg [dreg:$0x3]  }
0x1f6: {  	s0 =	sadd.s32 @!p0 $0x100000, s0  }
0x1f7: {  	[sflag:s0] =	ssyncadd.tile.s32 @!p0 $0x1;
	_ =	shalt  }
.Lfunc_end2:
_tile_overlayer_lowered:
.L_overlay_start_2:
0x1f8: {  	(tag) =	ssettag $0x2  }
0x1f9: {  	s0 =	rddreg [dreg:$0x0];
	s2 =	stileid.u32  }
0x1fa: {  	s1 =	rddreg [dreg:$0x1];
	p0 =	sne.s32 s2, $0x0  }
0x1fb: {  	s3 =	rddreg [dreg:$0x2];
	[bflag:$0x3] =	sbarrier.arrive $0xFFFF;
	s2 =	simm.s32 @!p0 $0x1C03  }
0x1fc: {  	[timem:s3], [sflag:s2] =	dma.local @!p0 [hbm:s0], s1  }
0x1fd: {  	s0 =	simm.s32 @!p0 $0x3  }
0x1fe: {  	_ =	swait.ge @!p0 [sflag:s0], s1  }
0x1ff: {  	s1 =	ssub.s32 @!p0 $0x0, s1;
	[sflag:s0] =	ssyncset.done @!p0 $0x0  }
0x200: {  	[sflag:s0] =	ssyncadd.s32 @!p0 s1  }
0x201: {  	[bflag:$0x3] =	sbarrier.arrive $0xFFFF  }
0x202: {  	_ =	shalt  }

// kernel: kernel.7.cloned.1.call-start
scs
__scs_entry_jumppad:
0x0: {  	(pc) =	sbr.rel $0x88, $3  }
0x1: {  	(tag) =	ssettag $0x0;
	lr =	simm.s32 $0x1  }
0x2: {  	[smem:$0x3F9B] =	sst lr;
	_ =	strace $0xD0000000  }
0x3: {  	_ = 	snop  }
0x4: {  	_ = 	snop  }
0x5: {  	_ = 	snop  }
0x6: {  	_ = 	snop  }
0x7: {  	_ = 	snop  }
__scs_overlays_trampoline_lowered:
0x8: {  	[smem:$0x3FAA] =	sst s0  }
0x9: {  	[smem:$0x3FAB] =	sst s1  }
0xa: {  	[smem:$0x3FAC] =	sst s2  }
0xb: {  	[smem:$0x3FAD] =	sst s3  }
0xc: {  	[smem:$0x3FAE] =	sst s4  }
0xd: {  	[smem:$0x3FAF] =	sst s5  }
0xe: {  	[smem:$0x3FB0] =	sst s6  }
0xf: {  	[smem:$0x3FB1] =	sst s7  }
0x10: {  	[smem:$0x3FB2] =	sst s8  }
0x11: {  	[smem:$0x3FB3] =	sst s9;
	s0 =	simm.s32 @!p0 $0x0  }
0x12: {  	s1 =	sld [smem:$0x3F99];
	s0 =	simm.s32 @p0 $0x1  }
0x13: {  	[smem:$0x3FB4] =	sst s0;
	s0 =	simm.s32 @!p1 $0x0  }
0x14: {  	s2 =	sld [smem:$0x3F98];
	s0 =	simm.s32 @p1 $0x1  }
0x15: {  	[smem:$0x3FB5] =	sst s0;
	s0 =	simm.s32 @!p2 $0x0  }
0x16: {  	s3 =	sld [smem:$0x3FDB];
	s0 =	simm.s32 @p2 $0x1  }
0x17: {  	s4 =	simm.s32 $0x1BF5;
	[smem:$0x3FB7] =	sst s0  }
0x18: {  	s0 =	sld [smem:$0x3F9A];
	_ =	swait.ge [sflag:s4], $0x0  }
0x19: {  	s7 =	sld [smem:$0x3F9B]  }
0x1a: {  	s8 =	sadd.s32 $0xFFFFE003, lr  }
0x1b: {  	s9 =	sadd.s32 $0xFFFFFEF7, lr;
	s5 =	simm.s32 $0xFFFFFFFF;
	p2 =	slt.u32 s8, $0xFFFFF086  }
0x1c: {  	p1 =	slt.u32 s9, $0xF7A;
	s5 =	simm.s32 @!p2 $0x0  }
0x1d: {  	s5 =	simm.s32 @p1 $0x1;
	p0 =	seq.s32 s7, s2  }
0x1e: {  	s7 =	smul.u32 @!p0 $0xF7A, s2;
	p2 =	seq.s32 @!p0 s5, $0x0  }
0x1f: {  	s9 =	smul.u32 $0xF7A, s1;
	s8 =	simm.s32 @!p0 $0x1BF5;
	p2 =	por !p2, p0  }
0x20: {  	[sflag:s8] =	ssyncset.s32 @!p0 $0xFFFFF086;
	s6 =	sadd.s32 @!p0 s3, s7;
	s7 =	simm.s32 @!p0 $0x108  }
0x21: {  	s3 =	sadd.s32 s3, s9;
	s6 =	sadd.s32 @!p0 $0x88, s6;
	s7 =	simm.s32 @p2 $0x1082  }
0x22: {  	[simem:s7], [sflag:s8] =	dma.local @!p0 [hbm:s6], $0xF7A  }
0x23: {  	s9 =	sor.u32 $0xD0000000, s2;
	s6 =	simm.s32 $0x108;
	_ =	swait.ge @!p0 [sflag:s8], $0x0  }
0x24: {  	s3 =	sadd.s32 $0x88, s3;
	s6 =	simm.s32 @!p1 $0x1082;
	[sflag:s4] =	ssyncset.s32 $0xFFFFF086  }
0x25: {  	[simem:s6], [sflag:s4] =	dma.local [hbm:s3], $0xF7A  }
0x26: {  	[smem:$0x3F9B] =	sst s1;
	(tag) =	ssettag s2;
	_ =	strace s9  }
0x27: {  	s1 =	sld [smem:$0x3FAB]  }
0x28: {  	s2 =	sld [smem:$0x3FAC]  }
0x29: {  	s4 =	sld [smem:$0x3FAE]  }
0x2a: {  	p0 =	seq.s32 s5, $0x0;
	s5 =	sld [smem:$0x3FAF]  }
0x2b: {  	s6 =	sld [smem:$0x3FB0]  }
0x2c: {  	s7 =	sld [smem:$0x3FB1]  }
0x2d: {  	s3 =	simm.s32 $0x108;
	s8 =	sld [smem:$0x3FB2]  }
0x2e: {  	s3 =	simm.s32 @!p0 $0x1082;
	s9 =	sld [smem:$0x3FB3]  }
0x2f: {  	lr =	sadd.s32 s0, s3;
	s0 =	sld [smem:$0x3FAA]  }
0x30: {  	s3 =	sld [smem:$0x3FAD]  }
0x31: {  	[smem:$0x3FB6] =	sst s10  }
0x32: {  	s10 =	sld [smem:$0x3FB4];
	_ =	sdelay $0x3  }
0x33: {  	p0 =	seq.s32 s10, $0x1;
	s10 =	sld [smem:$0x3FB6];
	_ =	sdelay $0x3  }
0x34: {  	[smem:$0x3FB6] =	sst s10  }
0x35: {  	s10 =	sld [smem:$0x3FB5];
	_ =	sdelay $0x3  }
0x36: {  	p1 =	seq.s32 s10, $0x1;
	s10 =	sld [smem:$0x3FB6];
	_ =	sdelay $0x3  }
0x37: {  	[smem:$0x3FB6] =	sst s10  }
0x38: {  	s10 =	sld [smem:$0x3FB7]  }
0x39: {  	_ = 	snop;
	(pc) =	sbr.ind lr, $3  }
0x3a: {  	_ = 	snop  }
0x3b: {  	_ = 	snop  }
0x3c: {  	p2 =	seq.s32 s10, $0x1;
	s10 =	sld [smem:$0x3FB6]  }
0x3d: {  	_ =	shalt  }
0x3e: {  	_ =	shalt  }
0x3f: {  	_ =	shalt  }
0x40: {  	_ =	shalt  }
0x41: {  	_ =	shalt  }
0x42: {  	_ =	shalt  }
0x43: {  	_ =	shalt  }
0x44: {  	_ =	shalt  }
0x45: {  	_ =	shalt  }
0x46: {  	_ =	shalt  }
0x47: {  	_ =	shalt  }
0x48: {  	_ =	shalt  }
0x49: {  	_ =	shalt  }
0x4a: {  	_ =	shalt  }
0x4b: {  	_ =	shalt  }
0x4c: {  	_ =	shalt  }
0x4d: {  	_ =	shalt  }
0x4e: {  	_ =	shalt  }
0x4f: {  	_ =	shalt  }
0x50: {  	_ =	shalt  }
0x51: {  	_ =	shalt  }
0x52: {  	_ =	shalt  }
0x53: {  	_ =	shalt  }
0x54: {  	_ =	shalt  }
0x55: {  	_ =	shalt  }
0x56: {  	_ =	shalt  }
0x57: {  	_ =	shalt  }
0x58: {  	_ =	shalt  }
0x59: {  	_ =	shalt  }
0x5a: {  	_ =	shalt  }
0x5b: {  	_ =	shalt  }
0x5c: {  	_ =	shalt  }
0x5d: {  	_ =	shalt  }
0x5e: {  	_ =	shalt  }
0x5f: {  	_ =	shalt  }
0x60: {  	_ =	shalt  }
0x61: {  	_ =	shalt  }
0x62: {  	_ =	shalt  }
0x63: {  	_ =	shalt  }
0x64: {  	_ =	shalt  }
0x65: {  	_ =	shalt  }
0x66: {  	_ =	shalt  }
0x67: {  	_ =	shalt  }
0x68: {  	_ =	shalt  }
0x69: {  	_ =	shalt  }
0x6a: {  	_ =	shalt  }
0x6b: {  	_ =	shalt  }
0x6c: {  	_ =	shalt  }
0x6d: {  	_ =	shalt  }
0x6e: {  	_ =	shalt  }
0x6f: {  	_ =	shalt  }
0x70: {  	_ =	shalt  }
0x71: {  	_ =	shalt  }
0x72: {  	_ =	shalt  }
0x73: {  	_ =	shalt  }
0x74: {  	_ =	shalt  }
0x75: {  	_ =	shalt  }
0x76: {  	_ =	shalt  }
0x77: {  	_ =	shalt  }
0x78: {  	_ =	shalt  }
0x79: {  	_ =	shalt  }
0x7a: {  	_ =	shalt  }
0x7b: {  	_ =	shalt  }
0x7c: {  	_ =	shalt  }
0x7d: {  	_ =	shalt  }
0x7e: {  	_ =	shalt  }
0x7f: {  	_ =	shalt  }
0x80: {  	_ =	shalt  }
0x81: {  	_ =	shalt  }
0x82: {  	_ =	shalt  }
0x83: {  	_ =	shalt  }
0x84: {  	_ =	shalt  }
0x85: {  	_ =	shalt  }
0x86: {  	_ =	shalt  }
0x87: {  	_ =	shalt  }
.Lfunc_end0:
.L_simem_size_0:
called_computation.1_lowered:
.L_overlay_start_0:
0x88: {  	s2 =	sld [smem:$0x3FD9]  }
0x89: {  	s3 =	sld [smem:$0x3FFE];
	_ =	sdelay $0x1  }
0x8a: {  	s1 =	srdreg.scid  }
0x8b: {  	s0 =	sand.u32 $0x1, s1  }
0x8c: {  	s14 =	sshll.u32 s0, $0xA;
	s2 =	sadd.s32 s3, s2  }
0x8d: {  	s2 =	sadd.s32 s2, s14  }
0x8e: {  	[smem:$0x3FC2] =	sst s2  }
0x8f: {  	_ = 	snop  }
0x90: {  	s2 =	sld [smem:$0x3FD0];
	_ =	sdelay $0x2  }
0x91: {  	s15 =	simm.s32 $0xB;
	s4 =	simm.s32 $0x10  }
0x92: {  	[smem:s4], [sflag:s15] =	dma.local [hbm:s2], $0x1  }
0x93: {  	_ =	swait.eq [sflag:s15], $0x1  }
0x94: {  	[sflag:s15] =	ssyncset.done $0x0  }
0x95: {  	s16 =	sld [smem:$0x10];
	[sflag:s15] =	ssyncadd.s32 $0xFFFFFFFF  }
0x96: {  	s17 =	sld [smem:$0x11];
	(tm) =	ssettm $0x1  }
0x97: {  	s18 =	sld [smem:$0x3FFB];
	_ =	sdelay $0x3  }
0x98: {  	_ =	strace s18  }
0x99: {  	s4 =	sld [smem:$0x3FFC];
	_ =	sdelay $0x3  }
0x9a: {  	_ =	strace s4  }
0x9b: {  	s4 =	sld [smem:$0x3FFD];
	_ =	sdelay $0x3  }
0x9c: {  	_ =	strace s4  }
0x9d: {  	_ =	strace $0x8FFFFFFF  }
0x9e: {  	s19 =	sld [smem:$0x3FDB];
	_ =	sdelay $0x1  }
0x9f: {  	s5 =	simm.s32 $_scs_section_size  }
0xa0: {  	s6 =	simm.s32 $_size__tile_overlayer_lowered;
	s7 =	simm.s32 $_tile_overlayer_lowered  }
0xa1: {  	s22 =	simm.s32 $0x1BFF;
	s21 =	sshll.u32 s7, $0x1;
	s4 =	sadd.s32 s5, s19  }
0xa2: {  	s8 =	simm.s32 $0x0;
	s20 =	sshll.u32 s6, $0x1;
	s6 =	sadd.s32 s21, s4  }
0xa3: {  	[timem:s8], [sflag:s22] =	dma.local [hbm:s6], s20  }
0xa4: {  	_ =	swait.ge [sflag:s22], s20  }
0xa5: {  	s5 =	ssub.s32 $0x0, s20;
	[sflag:s22] =	ssyncset.done $0x0  }
0xa6: {  	[sflag:s22] =	ssyncadd.s32 s5;
	_ =	sdelay $0x1  }
0xa7: {  	s23 =	simm.s32 $0x1B8B  }
0xa8: {  	_ =	swait.ge [sflag:s23], $0x1  }
0xa9: {  	[sflag:s23] =	ssyncset.done $0x0  }
0xaa: {  	s25 =	simm.s32 $0x1B8E;
	s24 =	sld [smem:$0x3FFE];
	[sflag:s23] =	ssyncadd.s32 $0xFFFFFFFF  }
0xab: {  	s26 =	simm.s32 $execute0_lowered;
	[smem:$0x3FD2] =	sst s25  }
0xac: {  	s6 =	sshll.u32 s26, $0x1;
	_ =	strace $0x80000046;
	[dreg:$0x1] =	wrdreg $0xFFFFFFFF  }
0xad: {  	s28 =	simm.s32 $_size_execute0_lowered;
	s4 =	sadd.s32 s4, s6;
	[dreg:$0x0] =	wrdreg $0x0  }
0xae: {  	s6 =	sshll.u32 s28, $0x1;
	[dreg:$0x2] =	wrdreg s4  }
0xaf: {  	[dreg:$0x3] =	wrdreg s6  }
0xb0: {  	[dreg:$0x4] =	wrdreg $0xC0  }
0xb1: {  	_ =	task [dreg:s8], $0x5FFFF  }
0xb2: {  	[dreg:$0x1] =	wrdreg $0xFFFFFFFF  }
0xb3: {  	[dreg:$0x0] =	wrdreg $0x60  }
0xb4: {  	[dreg:$0x2] =	wrdreg s16  }
0xb5: {  	[dreg:$0x3] =	wrdreg s17  }
0xb6: {  	[dreg:$0x4] =	wrdreg s24  }
0xb7: {  	[dreg:$0x5] =	wrdreg $0x0  }
0xb8: {  	[dreg:$0x6] =	wrdreg $0xA  }
0xb9: {  	_ =	task.clear_ibuf [dreg:s8], $0x7FFFF;
	_ =	strace $0x90000046  }
0xba: {  	s29 =	simm.s32 $0xA;
	_ =	strace $0x80000048  }
0xbb: {  	_ =	swait.ge [sflag:s29], $0x1  }
0xbc: {  	[sflag:s29] =	ssyncadd.s32 $0xFFFFFFFF  }
0xbd: {  	_ =	strace $0x90000048  }
0xbe: {  	_ =	sfence  }
0xbf: {  	s30 =	sld [smem:$0x0];
	_ =	sdelay $0x2  }
0xc0: {  	s31 =	sshll.u32 s1, $0xD;
	s1 =	sshrl.u32 s1, $0x2  }
0xc1: {  	s3 =	sand.u32 $0x4000, s31;
	s1 =	sadd.s32 s1, s30  }
0xc2: {  	s0 =	sor.u32 s3, s0;
	s1 =	sshll.u32 s1, $0x11  }
0xc3: {  	s0 =	sor.u32 s1, s0  }
0xc4: {  	s0 =	sadd.s32 $0x8F2B, s0  }
0xc5: {  	[sflag:s0] =	ssyncadd.remote.s32 $0x1  }
0xc6: {  	_ =	sfence.sel $0xFFFF  }
0xc7: {  	[dreg:$0x0] =	wrdreg $0xFFFFFFFF;
	(pc) =	sbr.abs _section_cstart, $3  }
0xc8: {  	[dreg:$0x1] =	wrdreg $0xFFFFFFFF  }
0xc9: {  	_ =	task.clear_ibuf [dreg:s8], $0x2FFFF;
	_ =	strace $0x9FFFFFFF  }
0xca: {  	(tm) =	ssettm $0x7FFFFFFF  }
0xcb: {  	_ =	shalt  }
tec
execute0_lowered:
.L_overlay_start_1:
0x0: {  	(tag) =	ssettag $0x1  }
0x1: {  	s1 =	rddreg [dreg:$0x0]  }
0x2: {  	s0 =	rddreg [dreg:$0x2]  }
0x3: {  	s3 =	rddreg [dreg:$0x3]  }
0x4: {  	s2 =	srdreg.scid;
	s24 =	simm.s32 $0x0;
	s10 =	stileid.u32  }
0x5: {  	s16 =	simm.s32 $0x3;
	s17 =	simm.s32 $0x18700;
	s5 =	smul.u32 $0x61C00, s10  }
0x6: {  	s18 =	simm.s32 $0x80;
	s28 =	simm.s32 $0x1CE00;
	s8 =	smul.u32 $0xC38, s10  }
0x7: {  	s30 =	simm.s32 $0x1DE00;
	s11 =	simm.s32 $0x2;
	s23 =	smul.u32 $0xC40, s10  }
0x8: {  	s2 =	sand.u32 $0x1, s2;
	[smem:$0x7FF] =	sst s24;
	s25 =	smul.u32 $0xC35, s10  }
0x9: {  	s7 =	sadd.s32 $0x1A800, s0;
	s22 =	sshll.u32 s10, $0x6;
	s4 =	smul.u32 $0xC400, s2  }
0xa: {  	s9 =	smul.u32 $0xC380, s2;
	s6 =	sshll.u32 s2, $0x2;
	s19 =	ssub.s32 $0x2, s2  }
0xb: {  	_ =	strace $0x80000047;
	s6 =	sadd.s32 s6, s0;
	s2 =	sshrl.u32 s19, $0x1  }
0xc: {  	s5 =	sshrl.u32 s5, $0x2;
	[dreg:$0x9] =	wrdreg s25;
	s25 =	simm.s32 $0x1BE00  }
0xd: {  	s4 =	sadd.s32 s4, s0;
	[dreg:$0x5] =	wrdreg s9;
	s8 =	sadd.s32 s8, s9  }
0xe: {  	s0 =	ssub.s32 s19, s2;
	s20 =	sadd.s32 s5, s3;
	s26 =	sadd.s32 $0x7C400, s6  }
0xf: {  	s19 =	simm.s32 $0x18E00;
	s2 =	simm.s32 $0x0;
	s21 =	sshll.u32 s8, $0x2  }
0x10: {  	[dreg:$0xa] =	wrdreg s26;
	s0 =	smax.u32 s0, $0x1;
	s29 =	sadd.s32 s23, s4  }
0x11: {  	s31 =	sshrl.u32 s20, $0x3;
	s23 =	simm.s32 $0x1AE00;
	[dreg:$0xb] =	wrdreg s0  }
0x12: {  	s4 =	simm.s32 $0x1;
	s8 =	sadd.s32 s1, s21;
	[dreg:$0xc] =	wrdreg s31  }
0x13: {  	s5 =	sadd.s32 s7, s21;
	s14 =	sadd.s32 $0x2000, s29;
	[dreg:$0x6] =	wrdreg s8  }
0x14: {  	s21 =	simm.s32 $0x19E00;
	s8 =	sor.u32 $0x1C03, s22;
	[dreg:$0x8] =	wrdreg s5  }
0x15: {  	s0 =	simm.s32 $0x1EE00;
	s22 =	simm.s32 $0x18800;
	[dreg:$0x7] =	wrdreg s8  }
.LBB2_1:
0x16: {  	[dreg:$0xd] =	wrdreg s2  }
0x17: {  	s5 =	rddreg [dreg:$0x6]  }
0x18: {  	s12 =	rddreg [dreg:$0x7]  }
0x19: {  	s20 =	rddreg [dreg:$0xc]  }
0x1a: {  	[spmem:s20], [sflag:s12] =	dma.local [hbm:s5], $0x30E0  }
0x1b: {  	_ =	swait.ge [sflag:s16], $0x30E0  }
0x1c: {  	[sflag:s16] =	ssyncset.done $0x0  }
0x1d: {  	[sflag:s16] =	ssyncadd.s32 $0xFFFFCF20  }
0x1e: {  	s26 =	sadd.s32 $0x0, s14;
	[bflag:$0x0] =	sbarrier.arrive $0xFFFF  }
0x1f: {  	[tilespmem:s17], [sflag:$0x3] =	stream.linear.gather [hbm4b:s26+s24], $0x700, $0x38;
	[tilespmem:$0x1FE00] =	vst v63  }
0x20: {  	_ =	swait.ge [sflag:s16], $0x700  }
0x21: {  	[sflag:s16] =	ssyncset.done $0x0  }
0x22: {  	[sflag:s16] =	ssyncadd.s32 $0xFFFFF900  }
0x23: {  	[tilespmem:s19], [sflag:$0x1] =	stream.indirect.gather [hbm4b:s1+s18], $0x20, s17, s18, $0xb8;
	[tilespmem:$0x1FE00] =	vst v63  }
0x24: {  	_ = 	snop  }
0x25: {  	[tilespmem:s21], [sflag:$0x1] =	stream.indirect.gather [hbm4b:s1+s18], $0x20, s22, s18, $0xb8;
	[tilespmem:$0x1FE00] =	vst v63  }
0x26: {  	s26 =	simm.s32 $0x18900  }
0x27: {  	[tilespmem:s23], [sflag:$0x1] =	stream.indirect.gather [hbm4b:s1+s18], $0x20, s26, s18, $0xb8;
	[tilespmem:$0x1FE00] =	vst v63  }
0x28: {  	s20 =	simm.s32 $0x18A00  }
0x29: {  	[tilespmem:s25], [sflag:$0x1] =	stream.indirect.gather [hbm4b:s1+s18], $0x20, s20, s18, $0xb8;
	[tilespmem:$0x1FE00] =	vst v63  }
0x2a: {  	s15 =	simm.s32 $0x18B00  }
0x2b: {  	[tilespmem:s28], [sflag:$0x1] =	stream.indirect.gather [hbm4b:s1+s18], $0x20, s15, s18, $0xb8;
	[tilespmem:$0x1FE00] =	vst v63  }
0x2c: {  	s22 =	simm.s32 $0x18C00  }
0x2d: {  	[tilespmem:s30], [sflag:$0x1] =	stream.indirect.gather [hbm4b:s1+s18], $0x20, s22, s18, $0xb8;
	[tilespmem:$0x1FE00] =	vst v63  }
0x2e: {  	s8 =	simm.s32 $0x18D00  }
0x2f: {  	[tilespmem:s0], [sflag:$0x1] =	stream.indirect.gather [hbm4b:s1+s18], $0x20, s8, s18, $0xb8;
	[tilespmem:$0x1FE00] =	vst v63  }
0x30: {  	_ =	swait.ge [sflag:s4], $0x1000  }
0x31: {  	[sflag:s4] =	ssyncset.done $0x0  }
0x32: {  	s10 =	simm.s32 $0x18780;
	[sflag:s4] =	ssyncadd.s32 $0xFFFFF000  }
0x33: {  	[spmem:s3] =	stream.indirect.scatter.add.f32 [tilespmem:s19], [sflag:$0x2], $0x20, s10, s18, $0xb8;
	[tilespmem:$0x1FE00] =	vst v63  }
0x34: {  	_ =	swait.ge [sflag:s4], $0x1000  }
0x35: {  	[sflag:s4] =	ssyncset.done $0x0  }
0x36: {  	s13 =	simm.s32 $0x18880;
	[sflag:s4] =	ssyncadd.s32 $0xFFFFF000  }
0x37: {  	[spmem:s3] =	stream.indirect.scatter.add.f32 [tilespmem:s21], [sflag:$0x2], $0x20, s13, s18, $0xb8;
	[tilespmem:$0x1FE00] =	vst v63  }
0x38: {  	_ =	swait.ge [sflag:s4], $0x1000  }
0x39: {  	[sflag:s4] =	ssyncset.done $0x0  }
0x3a: {  	s9 =	simm.s32 $0x18980;
	[sflag:s4] =	ssyncadd.s32 $0xFFFFF000  }
0x3b: {  	[spmem:s3] =	stream.indirect.scatter.add.f32 [tilespmem:s23], [sflag:$0x2], $0x20, s9, s18, $0xb8;
	[tilespmem:$0x1FE00] =	vst v63  }
0x3c: {  	_ =	swait.ge [sflag:s4], $0x1000  }
0x3d: {  	[sflag:s4] =	ssyncset.done $0x0  }
0x3e: {  	s12 =	simm.s32 $0x18A80;
	[sflag:s4] =	ssyncadd.s32 $0xFFFFF000  }
0x3f: {  	[spmem:s3] =	stream.indirect.scatter.add.f32 [tilespmem:s25], [sflag:$0x2], $0x20, s12, s18, $0xb8;
	[tilespmem:$0x1FE00] =	vst v63  }
0x40: {  	_ =	swait.ge [sflag:s4], $0x1000  }
0x41: {  	[sflag:s4] =	ssyncset.done $0x0  }
0x42: {  	s2 =	simm.s32 $0x18B80;
	[sflag:s4] =	ssyncadd.s32 $0xFFFFF000  }
0x43: {  	[spmem:s3] =	stream.indirect.scatter.add.f32 [tilespmem:s28], [sflag:$0x2], $0x20, s2, s18, $0xb8;
	[tilespmem:$0x1FE00] =	vst v63  }
0x44: {  	_ =	swait.ge [sflag:s4], $0x1000  }
0x45: {  	[sflag:s4] =	ssyncset.done $0x0  }
0x46: {  	s6 =	simm.s32 $0x18C80;
	[sflag:s4] =	ssyncadd.s32 $0xFFFFF000  }
0x47: {  	[spmem:s3] =	stream.indirect.scatter.add.f32 [tilespmem:s30], [sflag:$0x2], $0x20, s6, s18, $0xb8;
	[tilespmem:$0x1FE00] =	vst v63  }
0x48: {  	_ =	swait.ge [sflag:s4], $0x1000  }
0x49: {  	[sflag:s4] =	ssyncset.done $0x0  }
0x4a: {  	s5 =	simm.s32 $0x18D80;
	[sflag:s4] =	ssyncadd.s32 $0xFFFFF000  }
0x4b: {  	[spmem:s3] =	stream.indirect.scatter.add.f32 [tilespmem:s0], [sflag:$0x2], $0x20, s5, s18, $0xb8;
	[tilespmem:$0x1FE00] =	vst v63  }
0x4c: {  	_ =	swait.ge [sflag:s11], $0x1000  }
0x4d: {  	[sflag:s11] =	ssyncset.done $0x0  }
0x4e: {  	[sflag:s11] =	ssyncadd.s32 $0xFFFFF000  }
0x4f: {  	_ =	swait.ge [sflag:s11], $0x1000  }
0x50: {  	[sflag:s11] =	ssyncset.done $0x0  }
0x51: {  	[sflag:s11] =	ssyncadd.s32 $0xFFFFF000  }
0x52: {  	_ =	swait.ge [sflag:s11], $0x1000  }
0x53: {  	[sflag:s11] =	ssyncset.done $0x0  }
0x54: {  	[sflag:s11] =	ssyncadd.s32 $0xFFFFF000  }
0x55: {  	_ =	swait.ge [sflag:s11], $0x1000  }
0x56: {  	[sflag:s11] =	ssyncset.done $0x0  }
0x57: {  	[sflag:s11] =	ssyncadd.s32 $0xFFFFF000  }
0x58: {  	_ =	swait.ge [sflag:s11], $0x1000  }
0x59: {  	[sflag:s11] =	ssyncset.done $0x0  }
0x5a: {  	s29 =	simm.s32 $0x18B00;
	s31 =	simm.s32 $0x18D00;
	[sflag:s11] =	ssyncadd.s32 $0xFFFFF000  }
0x5b: {  	s26 =	simm.s32 $0x18C00;
	s20 =	simm.s32 $0x1C0;
	_ =	swait.ge [sflag:s11], $0x1000  }
0x5c: {  	s15 =	simm.s32 $0x18B80;
	s8 =	simm.s32 $0x18780;
	[sflag:s11] =	ssyncset.done $0x0  }
0x5d: {  	s10 =	simm.s32 $0x18880;
	s13 =	simm.s32 $0x18980;
	[sflag:s11] =	ssyncadd.s32 $0xFFFFF000  }
0x5e: {  	s9 =	simm.s32 $0x18A80;
	s12 =	simm.s32 $0xE0;
	_ =	swait.ge [sflag:s11], $0x1000  }
0x5f: {  	s2 =	simm.s32 $0x18C80;
	s6 =	simm.s32 $0x18D80;
	[sflag:s11] =	ssyncset.done $0x0  }
.LBB2_2:
0x60: {  	s22 =	sadd.s32 s12, s14  }
0x61: {  	[sflag:s11] =	ssyncadd.s32 $0xFFFFF000;
	s12 =	smov.u32 s20;
	s5 =	sadd.s32 $0xE0, s20  }
0x62: {  	[tilespmem:s17], [sflag:$0x3] =	stream.linear.gather [hbm4b:s22+s24], $0x700, $0x38;
	[tilespmem:$0x1FE00] =	vst v63  }
0x63: {  	s22 =	simm.s32 $0x18800  }
0x64: {  	p0 =	sne.s32 s20, $0xB60;
	_ =	swait.ge [sflag:s16], $0x700  }
0x65: {  	[sflag:s16] =	ssyncset.done $0x0  }
0x66: {  	[sflag:s16] =	ssyncadd.s32 $0xFFFFF900  }
0x67: {  	[tilespmem:s19], [sflag:$0x1] =	stream.indirect.gather [hbm4b:s1+s18], $0x20, s17, s18, $0xb8;
	[tilespmem:$0x1FE00] =	vst v63  }
0x68: {  	_ = 	snop  }
0x69: {  	[tilespmem:s21], [sflag:$0x1] =	stream.indirect.gather [hbm4b:s1+s18], $0x20, s22, s18, $0xb8;
	[tilespmem:$0x1FE00] =	vst v63  }
0x6a: {  	s20 =	simm.s32 $0x18900  }
0x6b: {  	[tilespmem:s23], [sflag:$0x1] =	stream.indirect.gather [hbm4b:s1+s18], $0x20, s20, s18, $0xb8;
	[tilespmem:$0x1FE00] =	vst v63  }
0x6c: {  	s20 =	simm.s32 $0x18A00  }
0x6d: {  	[tilespmem:s25], [sflag:$0x1] =	stream.indirect.gather [hbm4b:s1+s18], $0x20, s20, s18, $0xb8;
	[tilespmem:$0x1FE00] =	vst v63  }
0x6e: {  	_ = 	snop  }
0x6f: {  	[tilespmem:s28], [sflag:$0x1] =	stream.indirect.gather [hbm4b:s1+s18], $0x20, s29, s18, $0xb8;
	[tilespmem:$0x1FE00] =	vst v63  }
0x70: {  	_ = 	snop  }
0x71: {  	[tilespmem:s30], [sflag:$0x1] =	stream.indirect.gather [hbm4b:s1+s18], $0x20, s26, s18, $0xb8;
	[tilespmem:$0x1FE00] =	vst v63  }
0x72: {  	_ = 	snop  }
0x73: {  	[tilespmem:s0], [sflag:$0x1] =	stream.indirect.gather [hbm4b:s1+s18], $0x20, s31, s18, $0xb8;
	[tilespmem:$0x1FE00] =	vst v63  }
0x74: {  	_ =	swait.ge [sflag:s4], $0x1000  }
0x75: {  	[sflag:s4] =	ssyncset.done $0x0  }
0x76: {  	[sflag:s4] =	ssyncadd.s32 $0xFFFFF000  }
0x77: {  	[spmem:s3] =	stream.indirect.scatter.add.f32 [tilespmem:s19], [sflag:$0x2], $0x20, s8, s18, $0xb8;
	[tilespmem:$0x1FE00] =	vst v63  }
0x78: {  	_ =	swait.ge [sflag:s4], $0x1000  }
0x79: {  	[sflag:s4] =	ssyncset.done $0x0  }
0x7a: {  	[sflag:s4] =	ssyncadd.s32 $0xFFFFF000  }
0x7b: {  	[spmem:s3] =	stream.indirect.scatter.add.f32 [tilespmem:s21], [sflag:$0x2], $0x20, s10, s18, $0xb8;
	[tilespmem:$0x1FE00] =	vst v63  }
0x7c: {  	_ =	swait.ge [sflag:s4], $0x1000  }
0x7d: {  	[sflag:s4] =	ssyncset.done $0x0  }
0x7e: {  	[sflag:s4] =	ssyncadd.s32 $0xFFFFF000  }
0x7f: {  	[spmem:s3] =	stream.indirect.scatter.add.f32 [tilespmem:s23], [sflag:$0x2], $0x20, s13, s18, $0xb8;
	[tilespmem:$0x1FE00] =	vst v63  }
0x80: {  	_ =	swait.ge [sflag:s4], $0x1000  }
0x81: {  	[sflag:s4] =	ssyncset.done $0x0  }
0x82: {  	[sflag:s4] =	ssyncadd.s32 $0xFFFFF000  }
0x83: {  	[spmem:s3] =	stream.indirect.scatter.add.f32 [tilespmem:s25], [sflag:$0x2], $0x20, s9, s18, $0xb8;
	[tilespmem:$0x1FE00] =	vst v63  }
0x84: {  	_ =	swait.ge [sflag:s4], $0x1000  }
0x85: {  	[sflag:s4] =	ssyncset.done $0x0  }
0x86: {  	[sflag:s4] =	ssyncadd.s32 $0xFFFFF000  }
0x87: {  	[spmem:s3] =	stream.indirect.scatter.add.f32 [tilespmem:s28], [sflag:$0x2], $0x20, s15, s18, $0xb8;
	[tilespmem:$0x1FE00] =	vst v63  }
0x88: {  	_ =	swait.ge [sflag:s4], $0x1000  }
0x89: {  	[sflag:s4] =	ssyncset.done $0x0  }
0x8a: {  	[sflag:s4] =	ssyncadd.s32 $0xFFFFF000  }
0x8b: {  	[spmem:s3] =	stream.indirect.scatter.add.f32 [tilespmem:s30], [sflag:$0x2], $0x20, s2, s18, $0xb8;
	[tilespmem:$0x1FE00] =	vst v63  }
0x8c: {  	_ =	swait.ge [sflag:s4], $0x1000  }
0x8d: {  	[sflag:s4] =	ssyncset.done $0x0  }
0x8e: {  	[sflag:s4] =	ssyncadd.s32 $0xFFFFF000  }
0x8f: {  	[spmem:s3] =	stream.indirect.scatter.add.f32 [tilespmem:s0], [sflag:$0x2], $0x20, s6, s18, $0xb8;
	[tilespmem:$0x1FE00] =	vst v63  }
0x90: {  	_ =	swait.ge [sflag:s11], $0x1000  }
0x91: {  	[sflag:s11] =	ssyncset.done $0x0  }
0x92: {  	[sflag:s11] =	ssyncadd.s32 $0xFFFFF000  }
0x93: {  	_ =	swait.ge [sflag:s11], $0x1000  }
0x94: {  	[sflag:s11] =	ssyncset.done $0x0  }
0x95: {  	[sflag:s11] =	ssyncadd.s32 $0xFFFFF000  }
0x96: {  	_ =	swait.ge [sflag:s11], $0x1000  }
0x97: {  	[sflag:s11] =	ssyncset.done $0x0  }
0x98: {  	[sflag:s11] =	ssyncadd.s32 $0xFFFFF000  }
0x99: {  	_ =	swait.ge [sflag:s11], $0x1000  }
0x9a: {  	[sflag:s11] =	ssyncset.done $0x0  }
0x9b: {  	[sflag:s11] =	ssyncadd.s32 $0xFFFFF000  }
0x9c: {  	_ =	swait.ge [sflag:s11], $0x1000  }
0x9d: {  	[sflag:s11] =	ssyncset.done $0x0  }
0x9e: {  	[sflag:s11] =	ssyncadd.s32 $0xFFFFF000  }
.Ltmp0:
0x9f: {  	_ =	swait.ge [sflag:s11], $0x1000;
	(pc) =	sbr.rel @p0 .LBB2_2-.Ltmp0, $4  }
0xa0: {  	[sflag:s11] =	ssyncset.done $0x0  }
0xa1: {  	[sflag:s11] =	ssyncadd.s32 $0xFFFFF000  }
0xa2: {  	_ =	swait.ge [sflag:s11], $0x1000  }
0xa3: {  	s20 =	smov.u32 s5;
	[sflag:s11] =	ssyncset.done $0x0  }
0xa4: {  	s5 =	sadd.s32 s12, s14;
	[sflag:s11] =	ssyncadd.s32 $0xFFFFF000  }
0xa5: {  	[tilespmem:s17], [sflag:$0x3] =	stream.linear.gather [hbm4b:s5+s24], $0x700, $0x38;
	[tilespmem:$0x1FE00] =	vst v63  }
0xa6: {  	_ =	swait.ge [sflag:s16], $0x700  }
0xa7: {  	[sflag:s16] =	ssyncset.done $0x0  }
0xa8: {  	[sflag:s16] =	ssyncadd.s32 $0xFFFFF900  }
0xa9: {  	[tilespmem:s19], [sflag:$0x1] =	stream.indirect.gather [hbm4b:s1+s18], $0x20, s17, s18, $0xb8;
	[tilespmem:$0x1FE00] =	vst v63  }
0xaa: {  	_ = 	snop  }
0xab: {  	[tilespmem:s21], [sflag:$0x1] =	stream.indirect.gather [hbm4b:s1+s18], $0x20, s22, s18, $0xb8;
	[tilespmem:$0x1FE00] =	vst v63  }
0xac: {  	s26 =	simm.s32 $0x18900  }
0xad: {  	[tilespmem:s23], [sflag:$0x1] =	stream.indirect.gather [hbm4b:s1+s18], $0x20, s26, s18, $0xb8;
	[tilespmem:$0x1FE00] =	vst v63  }
0xae: {  	s29 =	simm.s32 $0x18A00  }
0xaf: {  	[tilespmem:s25], [sflag:$0x1] =	stream.indirect.gather [hbm4b:s1+s18], $0x20, s29, s18, $0xb8;
	[tilespmem:$0x1FE00] =	vst v63  }
0xb0: {  	s31 =	simm.s32 $0x18B00  }
0xb1: {  	[tilespmem:s28], [sflag:$0x1] =	stream.indirect.gather [hbm4b:s1+s18], $0x20, s31, s18, $0xb8;
	[tilespmem:$0x1FE00] =	vst v63  }
0xb2: {  	s2 =	simm.s32 $0x18C00  }
0xb3: {  	[tilespmem:s30], [sflag:$0x1] =	stream.indirect.gather [hbm4b:s1+s18], $0x20, s2, s18, $0xb8;
	[tilespmem:$0x1FE00] =	vst v63  }
0xb4: {  	s8 =	simm.s32 $0x18D00  }
0xb5: {  	[tilespmem:s0], [sflag:$0x1] =	stream.indirect.gather [hbm4b:s1+s18], $0x20, s8, s18, $0xb8;
	[tilespmem:$0x1FE00] =	vst v63  }
0xb6: {  	_ =	swait.ge [sflag:s4], $0x1000  }
0xb7: {  	[sflag:s4] =	ssyncset.done $0x0  }
0xb8: {  	s10 =	simm.s32 $0x18780;
	[sflag:s4] =	ssyncadd.s32 $0xFFFFF000  }
0xb9: {  	[spmem:s3] =	stream.indirect.scatter.add.f32 [tilespmem:s19], [sflag:$0x2], $0x20, s10, s18, $0xb8;
	[tilespmem:$0x1FE00] =	vst v63  }
0xba: {  	_ =	swait.ge [sflag:s4], $0x1000  }
0xbb: {  	[sflag:s4] =	ssyncset.done $0x0  }
0xbc: {  	s13 =	simm.s32 $0x18880;
	[sflag:s4] =	ssyncadd.s32 $0xFFFFF000  }
0xbd: {  	[spmem:s3] =	stream.indirect.scatter.add.f32 [tilespmem:s21], [sflag:$0x2], $0x20, s13, s18, $0xb8;
	[tilespmem:$0x1FE00] =	vst v63  }
0xbe: {  	_ =	swait.ge [sflag:s4], $0x1000  }
0xbf: {  	[sflag:s4] =	ssyncset.done $0x0  }
0xc0: {  	s9 =	simm.s32 $0x18980;
	[sflag:s4] =	ssyncadd.s32 $0xFFFFF000  }
0xc1: {  	[spmem:s3] =	stream.indirect.scatter.add.f32 [tilespmem:s23], [sflag:$0x2], $0x20, s9, s18, $0xb8;
	[tilespmem:$0x1FE00] =	vst v63  }
0xc2: {  	_ =	swait.ge [sflag:s4], $0x1000  }
0xc3: {  	[sflag:s4] =	ssyncset.done $0x0  }
0xc4: {  	s15 =	simm.s32 $0x18A80;
	[sflag:s4] =	ssyncadd.s32 $0xFFFFF000  }
0xc5: {  	[spmem:s3] =	stream.indirect.scatter.add.f32 [tilespmem:s25], [sflag:$0x2], $0x20, s15, s18, $0xb8;
	[tilespmem:$0x1FE00] =	vst v63  }
0xc6: {  	_ =	swait.ge [sflag:s4], $0x1000  }
0xc7: {  	[sflag:s4] =	ssyncset.done $0x0  }
0xc8: {  	s2 =	simm.s32 $0x18B80;
	[sflag:s4] =	ssyncadd.s32 $0xFFFFF000  }
0xc9: {  	[spmem:s3] =	stream.indirect.scatter.add.f32 [tilespmem:s28], [sflag:$0x2], $0x20, s2, s18, $0xb8;
	[tilespmem:$0x1FE00] =	vst v63  }
0xca: {  	_ =	swait.ge [sflag:s4], $0x1000  }
0xcb: {  	[sflag:s4] =	ssyncset.done $0x0  }
0xcc: {  	s6 =	simm.s32 $0x18C80;
	[sflag:s4] =	ssyncadd.s32 $0xFFFFF000  }
0xcd: {  	[spmem:s3] =	stream.indirect.scatter.add.f32 [tilespmem:s30], [sflag:$0x2], $0x20, s6, s18, $0xb8;
	[tilespmem:$0x1FE00] =	vst v63  }
0xce: {  	_ =	swait.ge [sflag:s4], $0x1000  }
0xcf: {  	[sflag:s4] =	ssyncset.done $0x0  }
0xd0: {  	s20 =	simm.s32 $0x18D80;
	[sflag:s4] =	ssyncadd.s32 $0xFFFFF000  }
0xd1: {  	[spmem:s3] =	stream.indirect.scatter.add.f32 [tilespmem:s0], [sflag:$0x2], $0x20, s20, s18, $0xb8;
	[tilespmem:$0x1FE00] =	vst v63  }
0xd2: {  	_ =	swait.ge [sflag:s11], $0x1000  }
0xd3: {  	[sflag:s11] =	ssyncset.done $0x0  }
0xd4: {  	[sflag:s11] =	ssyncadd.s32 $0xFFFFF000  }
0xd5: {  	_ =	swait.ge [sflag:s11], $0x1000  }
0xd6: {  	[sflag:s11] =	ssyncset.done $0x0  }
0xd7: {  	[sflag:s11] =	ssyncadd.s32 $0xFFFFF000  }
0xd8: {  	_ =	swait.ge [sflag:s11], $0x1000  }
0xd9: {  	[sflag:s11] =	ssyncset.done $0x0  }
0xda: {  	[sflag:s11] =	ssyncadd.s32 $0xFFFFF000  }
0xdb: {  	_ =	swait.ge [sflag:s11], $0x1000  }
0xdc: {  	[sflag:s11] =	ssyncset.done $0x0  }
0xdd: {  	[sflag:s11] =	ssyncadd.s32 $0xFFFFF000  }
0xde: {  	_ =	swait.ge [sflag:s11], $0x1000  }
0xdf: {  	[sflag:s11] =	ssyncset.done $0x0  }
0xe0: {  	[sflag:s11] =	ssyncadd.s32 $0xFFFFF000  }
0xe1: {  	_ =	swait.ge [sflag:s11], $0x1000  }
0xe2: {  	[sflag:s11] =	ssyncset.done $0x0  }
0xe3: {  	[sflag:s11] =	ssyncadd.s32 $0xFFFFF000  }
0xe4: {  	_ =	swait.ge [sflag:s11], $0x1000  }
0xe5: {  	[sflag:s11] =	ssyncset.done $0x0  }
0xe6: {  	[sflag:s11] =	ssyncadd.s32 $0xFFFFF000  }
0xe7: {  	[bflag:$0x0] =	sbarrier.arrive $0xFFFF  }
0xe8: {  	s5 =	rddreg [dreg:$0x7]  }
0xe9: {  	s12 =	rddreg [dreg:$0x8]  }
0xea: {  	s20 =	rddreg [dreg:$0xc]  }
0xeb: {  	[hbm:s12], [sflag:s5] =	dma.local [spmem:s20], $0x30E0  }
0xec: {  	_ =	swait.ge [sflag:s16], $0x30E0  }
0xed: {  	[sflag:s16] =	ssyncset.done $0x0  }
0xee: {  	[sflag:s16] =	ssyncadd.s32 $0xFFFFCF20  }
0xef: {  	s12 =	sadd.s32 $0x0, s14;
	[bflag:$0x0] =	sbarrier.arrive $0xFFFF  }
0xf0: {  	[tilespmem:s17], [sflag:$0x3] =	stream.linear.gather [hbm4b:s12+s24], $0x700, $0x38;
	[tilespmem:$0x1FE00] =	vst v63  }
0xf1: {  	_ =	swait.ge [sflag:s16], $0x700  }
0xf2: {  	[sflag:s16] =	ssyncset.done $0x0  }
0xf3: {  	[sflag:s16] =	ssyncadd.s32 $0xFFFFF900  }
0xf4: {  	[tilespmem:s19], [sflag:$0x1] =	stream.indirect.gather [hbm4b:s7+s18], $0x20, s17, s18, $0xb8;
	[tilespmem:$0x1FE00] =	vst v63  }
0xf5: {  	_ = 	snop  }
0xf6: {  	[tilespmem:s21], [sflag:$0x1] =	stream.indirect.gather [hbm4b:s7+s18], $0x20, s22, s18, $0xb8;
	[tilespmem:$0x1FE00] =	vst v63  }
0xf7: {  	_ = 	snop  }
0xf8: {  	[tilespmem:s23], [sflag:$0x1] =	stream.indirect.gather [hbm4b:s7+s18], $0x20, s26, s18, $0xb8;
	[tilespmem:$0x1FE00] =	vst v63  }
0xf9: {  	_ = 	snop  }
0xfa: {  	[tilespmem:s25], [sflag:$0x1] =	stream.indirect.gather [hbm4b:s7+s18], $0x20, s29, s18, $0xb8;
	[tilespmem:$0x1FE00] =	vst v63  }
0xfb: {  	_ = 	snop  }
0xfc: {  	[tilespmem:s28], [sflag:$0x1] =	stream.indirect.gather [hbm4b:s7+s18], $0x20, s31, s18, $0xb8;
	[tilespmem:$0x1FE00] =	vst v63  }
0xfd: {  	s20 =	simm.s32 $0x18C00  }
0xfe: {  	[tilespmem:s30], [sflag:$0x1] =	stream.indirect.gather [hbm4b:s7+s18], $0x20, s20, s18, $0xb8;
	[tilespmem:$0x1FE00] =	vst v63  }
0xff: {  	_ = 	snop  }
0x100: {  	[tilespmem:s0], [sflag:$0x1] =	stream.indirect.gather [hbm4b:s7+s18], $0x20, s8, s18, $0xb8;
	[tilespmem:$0x1FE00] =	vst v63  }
0x101: {  	_ =	swait.ge [sflag:s4], $0x1000  }
0x102: {  	[sflag:s4] =	ssyncset.done $0x0  }
0x103: {  	[sflag:s4] =	ssyncadd.s32 $0xFFFFF000  }
0x104: {  	[spmem:s3] =	stream.indirect.scatter.add.f32 [tilespmem:s19], [sflag:$0x2], $0x20, s10, s18, $0xb8;
	[tilespmem:$0x1FE00] =	vst v63  }
0x105: {  	_ =	swait.ge [sflag:s4], $0x1000  }
0x106: {  	[sflag:s4] =	ssyncset.done $0x0  }
0x107: {  	[sflag:s4] =	ssyncadd.s32 $0xFFFFF000  }
0x108: {  	[spmem:s3] =	stream.indirect.scatter.add.f32 [tilespmem:s21], [sflag:$0x2], $0x20, s13, s18, $0xb8;
	[tilespmem:$0x1FE00] =	vst v63  }
0x109: {  	_ =	swait.ge [sflag:s4], $0x1000  }
0x10a: {  	[sflag:s4] =	ssyncset.done $0x0  }
0x10b: {  	[sflag:s4] =	ssyncadd.s32 $0xFFFFF000  }
0x10c: {  	[spmem:s3] =	stream.indirect.scatter.add.f32 [tilespmem:s23], [sflag:$0x2], $0x20, s9, s18, $0xb8;
	[tilespmem:$0x1FE00] =	vst v63  }
0x10d: {  	_ =	swait.ge [sflag:s4], $0x1000  }
0x10e: {  	[sflag:s4] =	ssyncset.done $0x0  }
0x10f: {  	[sflag:s4] =	ssyncadd.s32 $0xFFFFF000  }
0x110: {  	[spmem:s3] =	stream.indirect.scatter.add.f32 [tilespmem:s25], [sflag:$0x2], $0x20, s15, s18, $0xb8;
	[tilespmem:$0x1FE00] =	vst v63  }
0x111: {  	_ =	swait.ge [sflag:s4], $0x1000  }
0x112: {  	[sflag:s4] =	ssyncset.done $0x0  }
0x113: {  	[sflag:s4] =	ssyncadd.s32 $0xFFFFF000  }
0x114: {  	[spmem:s3] =	stream.indirect.scatter.add.f32 [tilespmem:s28], [sflag:$0x2], $0x20, s2, s18, $0xb8;
	[tilespmem:$0x1FE00] =	vst v63  }
0x115: {  	_ =	swait.ge [sflag:s4], $0x1000  }
0x116: {  	[sflag:s4] =	ssyncset.done $0x0  }
0x117: {  	[sflag:s4] =	ssyncadd.s32 $0xFFFFF000  }
0x118: {  	[spmem:s3] =	stream.indirect.scatter.add.f32 [tilespmem:s30], [sflag:$0x2], $0x20, s6, s18, $0xb8;
	[tilespmem:$0x1FE00] =	vst v63  }
0x119: {  	_ =	swait.ge [sflag:s4], $0x1000  }
0x11a: {  	[sflag:s4] =	ssyncset.done $0x0  }
0x11b: {  	s22 =	simm.s32 $0x18D80;
	[sflag:s4] =	ssyncadd.s32 $0xFFFFF000  }
0x11c: {  	[spmem:s3] =	stream.indirect.scatter.add.f32 [tilespmem:s0], [sflag:$0x2], $0x20, s22, s18, $0xb8;
	[tilespmem:$0x1FE00] =	vst v63  }
0x11d: {  	_ =	swait.ge [sflag:s11], $0x1000  }
0x11e: {  	[sflag:s11] =	ssyncset.done $0x0  }
0x11f: {  	[sflag:s11] =	ssyncadd.s32 $0xFFFFF000  }
0x120: {  	_ =	swait.ge [sflag:s11], $0x1000  }
0x121: {  	[sflag:s11] =	ssyncset.done $0x0  }
0x122: {  	[sflag:s11] =	ssyncadd.s32 $0xFFFFF000  }
0x123: {  	_ =	swait.ge [sflag:s11], $0x1000  }
0x124: {  	[sflag:s11] =	ssyncset.done $0x0  }
0x125: {  	[sflag:s11] =	ssyncadd.s32 $0xFFFFF000  }
0x126: {  	_ =	swait.ge [sflag:s11], $0x1000  }
0x127: {  	[sflag:s11] =	ssyncset.done $0x0  }
0x128: {  	[sflag:s11] =	ssyncadd.s32 $0xFFFFF000  }
0x129: {  	_ =	swait.ge [sflag:s11], $0x1000  }
0x12a: {  	[sflag:s11] =	ssyncset.done $0x0  }
0x12b: {  	s12 =	simm.s32 $0xE0;
	s26 =	simm.s32 $0x18A00;
	[sflag:s11] =	ssyncadd.s32 $0xFFFFF000  }
0x12c: {  	s29 =	simm.s32 $0x18B00;
	s31 =	simm.s32 $0x18D00;
	_ =	swait.ge [sflag:s11], $0x1000  }
0x12d: {  	s20 =	simm.s32 $0x1C0;
	s8 =	simm.s32 $0x18780;
	[sflag:s11] =	ssyncset.done $0x0  }
0x12e: {  	s10 =	simm.s32 $0x18880;
	s13 =	simm.s32 $0x18980;
	[sflag:s11] =	ssyncadd.s32 $0xFFFFF000  }
0x12f: {  	s9 =	simm.s32 $0x18A80;
	s15 =	simm.s32 $0x18B80;
	_ =	swait.ge [sflag:s11], $0x1000  }
0x130: {  	s2 =	simm.s32 $0x18C80;
	s6 =	simm.s32 $0x18D80;
	[sflag:s11] =	ssyncset.done $0x0  }
.LBB2_4:
0x131: {  	s22 =	sadd.s32 s12, s14  }
0x132: {  	[sflag:s11] =	ssyncadd.s32 $0xFFFFF000;
	s12 =	smov.u32 s20;
	s5 =	sadd.s32 $0xE0, s20  }
0x133: {  	[tilespmem:s17], [sflag:$0x3] =	stream.linear.gather [hbm4b:s22+s24], $0x700, $0x38;
	[tilespmem:$0x1FE00] =	vst v63  }
0x134: {  	s22 =	simm.s32 $0x18800  }
0x135: {  	p0 =	sne.s32 s20, $0xB60;
	_ =	swait.ge [sflag:s16], $0x700  }
0x136: {  	[sflag:s16] =	ssyncset.done $0x0  }
0x137: {  	[sflag:s16] =	ssyncadd.s32 $0xFFFFF900  }
0x138: {  	[tilespmem:s19], [sflag:$0x1] =	stream.indirect.gather [hbm4b:s7+s18], $0x20, s17, s18, $0xb8;
	[tilespmem:$0x1FE00] =	vst v63  }
0x139: {  	_ = 	snop  }
0x13a: {  	[tilespmem:s21], [sflag:$0x1] =	stream.indirect.gather [hbm4b:s7+s18], $0x20, s22, s18, $0xb8;
	[tilespmem:$0x1FE00] =	vst v63  }
0x13b: {  	s20 =	simm.s32 $0x18900  }
0x13c: {  	[tilespmem:s23], [sflag:$0x1] =	stream.indirect.gather [hbm4b:s7+s18], $0x20, s20, s18, $0xb8;
	[tilespmem:$0x1FE00] =	vst v63  }
0x13d: {  	_ = 	snop  }
0x13e: {  	[tilespmem:s25], [sflag:$0x1] =	stream.indirect.gather [hbm4b:s7+s18], $0x20, s26, s18, $0xb8;
	[tilespmem:$0x1FE00] =	vst v63  }
0x13f: {  	_ = 	snop  }
0x140: {  	[tilespmem:s28], [sflag:$0x1] =	stream.indirect.gather [hbm4b:s7+s18], $0x20, s29, s18, $0xb8;
	[tilespmem:$0x1FE00] =	vst v63  }
0x141: {  	s20 =	simm.s32 $0x18C00  }
0x142: {  	[tilespmem:s30], [sflag:$0x1] =	stream.indirect.gather [hbm4b:s7+s18], $0x20, s20, s18, $0xb8;
	[tilespmem:$0x1FE00] =	vst v63  }
0x143: {  	_ = 	snop  }
0x144: {  	[tilespmem:s0], [sflag:$0x1] =	stream.indirect.gather [hbm4b:s7+s18], $0x20, s31, s18, $0xb8;
	[tilespmem:$0x1FE00] =	vst v63  }
0x145: {  	_ =	swait.ge [sflag:s4], $0x1000  }
0x146: {  	[sflag:s4] =	ssyncset.done $0x0  }
0x147: {  	[sflag:s4] =	ssyncadd.s32 $0xFFFFF000  }
0x148: {  	[spmem:s3] =	stream.indirect.scatter.add.f32 [tilespmem:s19], [sflag:$0x2], $0x20, s8, s18, $0xb8;
	[tilespmem:$0x1FE00] =	vst v63  }
0x149: {  	_ =	swait.ge [sflag:s4], $0x1000  }
0x14a: {  	[sflag:s4] =	ssyncset.done $0x0  }
0x14b: {  	[sflag:s4] =	ssyncadd.s32 $0xFFFFF000  }
0x14c: {  	[spmem:s3] =	stream.indirect.scatter.add.f32 [tilespmem:s21], [sflag:$0x2], $0x20, s10, s18, $0xb8;
	[tilespmem:$0x1FE00] =	vst v63  }
0x14d: {  	_ =	swait.ge [sflag:s4], $0x1000  }
0x14e: {  	[sflag:s4] =	ssyncset.done $0x0  }
0x14f: {  	[sflag:s4] =	ssyncadd.s32 $0xFFFFF000  }
0x150: {  	[spmem:s3] =	stream.indirect.scatter.add.f32 [tilespmem:s23], [sflag:$0x2], $0x20, s13, s18, $0xb8;
	[tilespmem:$0x1FE00] =	vst v63  }
0x151: {  	_ =	swait.ge [sflag:s4], $0x1000  }
0x152: {  	[sflag:s4] =	ssyncset.done $0x0  }
0x153: {  	[sflag:s4] =	ssyncadd.s32 $0xFFFFF000  }
0x154: {  	[spmem:s3] =	stream.indirect.scatter.add.f32 [tilespmem:s25], [sflag:$0x2], $0x20, s9, s18, $0xb8;
	[tilespmem:$0x1FE00] =	vst v63  }
0x155: {  	_ =	swait.ge [sflag:s4], $0x1000  }
0x156: {  	[sflag:s4] =	ssyncset.done $0x0  }
0x157: {  	[sflag:s4] =	ssyncadd.s32 $0xFFFFF000  }
0x158: {  	[spmem:s3] =	stream.indirect.scatter.add.f32 [tilespmem:s28], [sflag:$0x2], $0x20, s15, s18, $0xb8;
	[tilespmem:$0x1FE00] =	vst v63  }
0x159: {  	_ =	swait.ge [sflag:s4], $0x1000  }
0x15a: {  	[sflag:s4] =	ssyncset.done $0x0  }
0x15b: {  	[sflag:s4] =	ssyncadd.s32 $0xFFFFF000  }
0x15c: {  	[spmem:s3] =	stream.indirect.scatter.add.f32 [tilespmem:s30], [sflag:$0x2], $0x20, s2, s18, $0xb8;
	[tilespmem:$0x1FE00] =	vst v63  }
0x15d: {  	_ =	swait.ge [sflag:s4], $0x1000  }
0x15e: {  	[sflag:s4] =	ssyncset.done $0x0  }
0x15f: {  	[sflag:s4] =	ssyncadd.s32 $0xFFFFF000  }
0x160: {  	[spmem:s3] =	stream.indirect.scatter.add.f32 [tilespmem:s0], [sflag:$0x2], $0x20, s6, s18, $0xb8;
	[tilespmem:$0x1FE00] =	vst v63  }
0x161: {  	_ =	swait.ge [sflag:s11], $0x1000  }
0x162: {  	[sflag:s11] =	ssyncset.done $0x0  }
0x163: {  	[sflag:s11] =	ssyncadd.s32 $0xFFFFF000  }
0x164: {  	_ =	swait.ge [sflag:s11], $0x1000  }
0x165: {  	[sflag:s11] =	ssyncset.done $0x0  }
0x166: {  	[sflag:s11] =	ssyncadd.s32 $0xFFFFF000  }
0x167: {  	_ =	swait.ge [sflag:s11], $0x1000  }
0x168: {  	[sflag:s11] =	ssyncset.done $0x0  }
0x169: {  	[sflag:s11] =	ssyncadd.s32 $0xFFFFF000  }
0x16a: {  	_ =	swait.ge [sflag:s11], $0x1000  }
0x16b: {  	[sflag:s11] =	ssyncset.done $0x0  }
0x16c: {  	[sflag:s11] =	ssyncadd.s32 $0xFFFFF000  }
0x16d: {  	_ =	swait.ge [sflag:s11], $0x1000  }
0x16e: {  	[sflag:s11] =	ssyncset.done $0x0  }
0x16f: {  	[sflag:s11] =	ssyncadd.s32 $0xFFFFF000  }
.Ltmp1:
0x170: {  	_ =	swait.ge [sflag:s11], $0x1000;
	(pc) =	sbr.rel @p0 .LBB2_4-.Ltmp1, $4  }
0x171: {  	[sflag:s11] =	ssyncset.done $0x0  }
0x172: {  	[sflag:s11] =	ssyncadd.s32 $0xFFFFF000  }
0x173: {  	_ =	swait.ge [sflag:s11], $0x1000  }
0x174: {  	s20 =	smov.u32 s5;
	[sflag:s11] =	ssyncset.done $0x0  }
0x175: {  	s5 =	sadd.s32 s12, s14;
	[sflag:s11] =	ssyncadd.s32 $0xFFFFF000  }
0x176: {  	[tilespmem:s17], [sflag:$0x3] =	stream.linear.gather [hbm4b:s5+s24], $0x700, $0x38;
	[tilespmem:$0x1FE00] =	vst v63  }
0x177: {  	_ =	swait.ge [sflag:s16], $0x700  }
0x178: {  	[sflag:s16] =	ssyncset.done $0x0  }
0x179: {  	[sflag:s16] =	ssyncadd.s32 $0xFFFFF900  }
0x17a: {  	[tilespmem:s19], [sflag:$0x1] =	stream.indirect.gather [hbm4b:s7+s18], $0x20, s17, s18, $0xb8;
	[tilespmem:$0x1FE00] =	vst v63  }
0x17b: {  	_ = 	snop  }
0x17c: {  	[tilespmem:s21], [sflag:$0x1] =	stream.indirect.gather [hbm4b:s7+s18], $0x20, s22, s18, $0xb8;
	[tilespmem:$0x1FE00] =	vst v63  }
0x17d: {  	s24 =	simm.s32 $0x18900  }
0x17e: {  	[tilespmem:s23], [sflag:$0x1] =	stream.indirect.gather [hbm4b:s7+s18], $0x20, s24, s18, $0xb8;
	[tilespmem:$0x1FE00] =	vst v63  }
0x17f: {  	_ = 	snop  }
0x180: {  	[tilespmem:s25], [sflag:$0x1] =	stream.indirect.gather [hbm4b:s7+s18], $0x20, s26, s18, $0xb8;
	[tilespmem:$0x1FE00] =	vst v63  }
0x181: {  	_ = 	snop  }
0x182: {  	[tilespmem:s28], [sflag:$0x1] =	stream.indirect.gather [hbm4b:s7+s18], $0x20, s29, s18, $0xb8;
	[tilespmem:$0x1FE00] =	vst v63  }
0x183: {  	s29 =	simm.s32 $0x18C00  }
0x184: {  	[tilespmem:s30], [sflag:$0x1] =	stream.indirect.gather [hbm4b:s7+s18], $0x20, s29, s18, $0xb8;
	[tilespmem:$0x1FE00] =	vst v63  }
0x185: {  	_ = 	snop  }
0x186: {  	[tilespmem:s0], [sflag:$0x1] =	stream.indirect.gather [hbm4b:s7+s18], $0x20, s31, s18, $0xb8;
	[tilespmem:$0x1FE00] =	vst v63  }
0x187: {  	_ =	swait.ge [sflag:s4], $0x1000  }
0x188: {  	[sflag:s4] =	ssyncset.done $0x0  }
0x189: {  	[sflag:s4] =	ssyncadd.s32 $0xFFFFF000  }
0x18a: {  	[spmem:s3] =	stream.indirect.scatter.add.f32 [tilespmem:s19], [sflag:$0x2], $0x20, s8, s18, $0xb8;
	[tilespmem:$0x1FE00] =	vst v63  }
0x18b: {  	_ =	swait.ge [sflag:s4], $0x1000  }
0x18c: {  	[sflag:s4] =	ssyncset.done $0x0  }
0x18d: {  	[sflag:s4] =	ssyncadd.s32 $0xFFFFF000  }
0x18e: {  	[spmem:s3] =	stream.indirect.scatter.add.f32 [tilespmem:s21], [sflag:$0x2], $0x20, s10, s18, $0xb8;
	[tilespmem:$0x1FE00] =	vst v63  }
0x18f: {  	_ =	swait.ge [sflag:s4], $0x1000  }
0x190: {  	[sflag:s4] =	ssyncset.done $0x0  }
0x191: {  	[sflag:s4] =	ssyncadd.s32 $0xFFFFF000  }
0x192: {  	[spmem:s3] =	stream.indirect.scatter.add.f32 [tilespmem:s23], [sflag:$0x2], $0x20, s13, s18, $0xb8;
	[tilespmem:$0x1FE00] =	vst v63  }
0x193: {  	_ =	swait.ge [sflag:s4], $0x1000  }
0x194: {  	[sflag:s4] =	ssyncset.done $0x0  }
0x195: {  	[sflag:s4] =	ssyncadd.s32 $0xFFFFF000  }
0x196: {  	[spmem:s3] =	stream.indirect.scatter.add.f32 [tilespmem:s25], [sflag:$0x2], $0x20, s9, s18, $0xb8;
	[tilespmem:$0x1FE00] =	vst v63  }
0x197: {  	_ =	swait.ge [sflag:s4], $0x1000  }
0x198: {  	[sflag:s4] =	ssyncset.done $0x0  }
0x199: {  	[sflag:s4] =	ssyncadd.s32 $0xFFFFF000  }
0x19a: {  	[spmem:s3] =	stream.indirect.scatter.add.f32 [tilespmem:s28], [sflag:$0x2], $0x20, s15, s18, $0xb8;
	[tilespmem:$0x1FE00] =	vst v63  }
0x19b: {  	_ =	swait.ge [sflag:s4], $0x1000  }
0x19c: {  	[sflag:s4] =	ssyncset.done $0x0  }
0x19d: {  	[sflag:s4] =	ssyncadd.s32 $0xFFFFF000  }
0x19e: {  	[spmem:s3] =	stream.indirect.scatter.add.f32 [tilespmem:s30], [sflag:$0x2], $0x20, s2, s18, $0xb8;
	[tilespmem:$0x1FE00] =	vst v63  }
0x19f: {  	_ =	swait.ge [sflag:s4], $0x1000  }
0x1a0: {  	[sflag:s4] =	ssyncset.done $0x0  }
0x1a1: {  	[sflag:s4] =	ssyncadd.s32 $0xFFFFF000  }
0x1a2: {  	[spmem:s3] =	stream.indirect.scatter.add.f32 [tilespmem:s0], [sflag:$0x2], $0x20, s6, s18, $0xb8;
	[tilespmem:$0x1FE00] =	vst v63  }
0x1a3: {  	_ =	swait.ge [sflag:s11], $0x1000  }
0x1a4: {  	[sflag:s11] =	ssyncset.done $0x0  }
0x1a5: {  	[sflag:s11] =	ssyncadd.s32 $0xFFFFF000  }
0x1a6: {  	_ =	swait.ge [sflag:s11], $0x1000  }
0x1a7: {  	[sflag:s11] =	ssyncset.done $0x0  }
0x1a8: {  	[sflag:s11] =	ssyncadd.s32 $0xFFFFF000  }
0x1a9: {  	_ =	swait.ge [sflag:s11], $0x1000  }
0x1aa: {  	[sflag:s11] =	ssyncset.done $0x0  }
0x1ab: {  	[sflag:s11] =	ssyncadd.s32 $0xFFFFF000  }
0x1ac: {  	_ =	swait.ge [sflag:s11], $0x1000  }
0x1ad: {  	[sflag:s11] =	ssyncset.done $0x0  }
0x1ae: {  	[sflag:s11] =	ssyncadd.s32 $0xFFFFF000  }
0x1af: {  	_ =	swait.ge [sflag:s11], $0x1000  }
0x1b0: {  	[sflag:s11] =	ssyncset.done $0x0  }
0x1b1: {  	[sflag:s11] =	ssyncadd.s32 $0xFFFFF000  }
0x1b2: {  	_ =	swait.ge [sflag:s11], $0x1000  }
0x1b3: {  	[sflag:s11] =	ssyncset.done $0x0  }
0x1b4: {  	[sflag:s11] =	ssyncadd.s32 $0xFFFFF000  }
0x1b5: {  	_ =	swait.ge [sflag:s11], $0x1000  }
0x1b6: {  	[sflag:s11] =	ssyncset.done $0x0  }
0x1b7: {  	s12 =	simm.s32 $0x0;
	s8 =	simm.s32 $0x0;
	[sflag:s11] =	ssyncadd.s32 $0xFFFFF000  }
0x1b8: {  	s2 =	simm.s32 $0x20;
	s6 =	simm.s32 $0x40;
	[bflag:$0x0] =	sbarrier.arrive $0xFFFF  }
.LBB2_6:
0x1b9: {  	s5 =	smul.u32 $0x7D, s12  }
0x1ba: {  	s20 =	rddreg [dreg:$0x9]  }
0x1bb: {  	s26 =	rddreg [dreg:$0x5];
	s9 =	sadd.s32 s20, s5  }
0x1bc: {  	s5 =	sadd.s32 s26, s9  }
0x1bd: {  	s29 =	rddreg [dreg:$0x1];
	s5 =	sshll.u32 s5, $0x2  }
0x1be: {  	s20 =	sadd.s32 s29, s5  }
0x1bf: {  	[tilespmem:s19], [sflag:$0x3] =	stream.linear.gather [hbm4b:s20+s8], $0xFA0, $0x38;
	[tilespmem:$0x1FE00] =	vst v63  }
0x1c0: {  	_ =	swait.ge [sflag:s16], $0xFA0  }
0x1c1: {  	[sflag:s16] =	ssyncset.done $0x0  }
0x1c2: {  	s5 =	sadd.s32 s7, s5;
	[sflag:s16] =	ssyncadd.s32 $0xFFFFF060  }
0x1c3: {  	[tilespmem:s21], [sflag:$0x3] =	stream.linear.gather [hbm4b:s5+s8], $0xFA0, $0x38;
	[tilespmem:$0x1FE00] =	vst v63  }
0x1c4: {  	s31 =	sshll.u32 s9, $0x5;
	_ =	swait.ge [sflag:s16], $0xFA0  }
0x1c5: {  	s5 =	sand.u32 $0x3FFFFFE0, s31;
	[sflag:s16] =	ssyncset.done $0x0  }
0x1c6: {  	s5 =	sadd.s32 s5, s3;
	[sflag:s16] =	ssyncadd.s32 $0xFFFFF060  }
0x1c7: {  	[tilespmem:s23], [sflag:$0x3] =	stream.linear.gather [spmem:s5], $0xFA0, $0x38;
	[tilespmem:$0x1FE00] =	vst v63  }
0x1c8: {  	_ =	swait.ge [sflag:s16], $0xFA0  }
0x1c9: {  	[sflag:s16] =	ssyncset.done $0x0  }
0x1ca: {  	s5 =	simm.s32 $0x0;
	[sflag:s16] =	ssyncadd.s32 $0xFFFFF060  }
0x1cb: {  	v2 =	vld [tilespmem:s5+$0x18E10]  }
0x1cc: {  	v3 =	vld [tilespmem:s5+$0x19E10]  }
0x1cd: {  	v5 =	vld [tilespmem:s5+$0x18E00]  }
0x1ce: {  	v6 =	vld [tilespmem:s5+$0x1AE10]  }
0x1cf: {  	v7 =	vld [tilespmem:s5+$0x19E00]  }
0x1d0: {  	s20 =	simm.s32 $0x20;
	v0 =	vld [tilespmem:s5+$0x1AE00]  }
0x1d1: {  	v1 =	vld [tilespmem:s20+$0x18E10];
	v3 =	vadd.f32 v3, v2  }
0x1d2: {  	v4 =	vld [tilespmem:s20+$0x19E10]  }
0x1d3: {  	v2 =	vld [tilespmem:s20+$0x18E00];
	v6 =	vadd.f32 v6, v3  }
0x1d4: {  	v7 =	vadd.f32 v7, v5;
	v3 =	vld [tilespmem:s20+$0x1AE10]  }
0x1d5: {  	s22 =	simm.s32 $0x100;
	v5 =	vld [tilespmem:s20+$0x19E00];
	v6 =	vmul.f32 $3.333333430e-01, v6  }
.LBB2_7:
0x1d6: {  	s24 =	sshra.s32 s22, $0x2;
	v9 =	vadd.f32 v0, v7;
	v0 =	vld [tilespmem:s20+$0x1AE00];
	p0 =	sne.s32 s22, $0x3E00  }
.Ltmp2:
0x1d7: {  	s22 =	sadd.s32 $0x80, s22;
	v8 =	vadd.f32 v4, v1;
	v1 =	vld [tilespmem:s24+$0x18E10];
	[tilespmem:s5+$0x1BE10] =	vst v6;
	(pc) =	sbr.rel @p0 .LBB2_7-.Ltmp2, $4  }
0x1d8: {  	v4 =	vld [tilespmem:s24+$0x19E10];
	v6 =	vmul.f32 $3.333333430e-01, v9;
	v7 =	vmov v2  }
0x1d9: {  	v2 =	vld [tilespmem:s24+$0x18E00];
	v8 =	vadd.f32 v3, v8  }
0x1da: {  	v3 =	vld [tilespmem:s24+$0x1AE10];
	v7 =	vadd.f32 v5, v7;
	[tilespmem:s5+$0x1BE00] =	vst v6;
	s5 =	smov.u32 s20;
	s20 =	smov.u32 s24  }
0x1db: {  	v5 =	vld [tilespmem:s20+$0x19E00];
	v6 =	vmul.f32 $3.333333430e-01, v8  }
0x1dc: {  	_ = 	snop  }
0x1dd: {  	v8 =	vld [tilespmem:s20+$0x1AE00];
	_ =	sdelay $0x1  }
0x1de: {  	v1 =	vadd.f32 v4, v1  }
0x1df: {  	v0 =	vadd.f32 v0, v7;
	v2 =	vadd.f32 v5, v2  }
0x1e0: {  	v1 =	vadd.f32 v3, v1  }
0x1e1: {  	v0 =	vmul.f32 $3.333333430e-01, v0;
	v2 =	vadd.f32 v8, v2  }
0x1e2: {  	[tilespmem:s5+$0x1BE10] =	vst v6;
	v1 =	vmul.f32 $3.333333430e-01, v1  }
0x1e3: {  	s12 =	sadd.s32 $0x1, s12;
	[tilespmem:s5+$0x1BE00] =	vst v0;
	v63 =	vmul.f32 $3.333333430e-01, v2  }
0x1e4: {  	s29 =	sshll.u32 s9, $0x3;
	s31 =	rddreg [dreg:$0xa];
	p0 =	sne.s32 s12, $0x19;
	[tilespmem:s20+$0x1BE10] =	vst v1  }
.Ltmp3:
0x1e5: {  	s5 =	sadd.s32 s29, s31;
	[tilespmem:s20+$0x1BE00] =	vst v63;
	(pc) =	sbr.rel @p0 .LBB2_6-.Ltmp3, $4  }
0x1e6: {  	[hbm4b:s5+s2] =	stream.strided.scatter [tilespmem:s25], [sflag:$0x3], $0xFA0, s6, s2, $0x38;
	[tilespmem:$0x1FE00] =	vst v63  }
0x1e7: {  	_ =	swait.ge [sflag:s16], $0xFA0  }
0x1e8: {  	[sflag:s16] =	ssyncset.done $0x0  }
0x1e9: {  	[sflag:s16] =	ssyncadd.s32 $0xFFFFF060  }
0x1ea: {  	s2 =	rddreg [dreg:$0xd]  }
0x1eb: {  	s5 =	rddreg [dreg:$0xb];
	s2 =	sadd.s32 $0x1, s2  }
0x1ec: {  	p0 =	sne.s32 s2, s5  }
.Ltmp4:
0x1ed: {  	_ = 	snop;
	(pc) =	sbr.rel @p0 .LBB2_1-.Ltmp4, $3  }
0x1ee: {  	_ =	sdelay $0x1  }
0x1ef: {  	[bflag:$0x0] =	sbarrier.arrive $0xFFFF  }
0x1f0: {  	s24 =	simm.s32 $0x0;
	s22 =	simm.s32 $0x18800  }
0x1f1: {  	_ =	sfence.sel $0x180000  }
0x1f2: {  	[bflag:$0x0] =	sbarrier.arrive $0xFFFF  }
0x1f3: {  	_ =	strace $0x90000047  }
0x1f4: {  	s0 =	stileid.u32;
	[bflag:$0x2] =	sbarrier.arrive $0xFFFF  }
0x1f5: {  	p0 =	sne.s32 s0, $0x0;
	s0 =	rddreg [dreg:$0x4]  }
0x1f6: {  	s0 =	sadd.s32 @!p0 $0x100000, s0  }
0x1f7: {  	[sflag:s0] =	ssyncadd.tile.s32 @!p0 $0x1;
	_ =	shalt  }
.Lfunc_end2:
_tile_overlayer_lowered:
.L_overlay_start_2:
0x1f8: {  	(tag) =	ssettag $0x2  }
0x1f9: {  	s0 =	rddreg [dreg:$0x0];
	s2 =	stileid.u32  }
0x1fa: {  	s1 =	rddreg [dreg:$0x1];
	p0 =	sne.s32 s2, $0x0  }
0x1fb: {  	s3 =	rddreg [dreg:$0x2];
	[bflag:$0x3] =	sbarrier.arrive $0xFFFF;
	s2 =	simm.s32 @!p0 $0x1C03  }
0x1fc: {  	[timem:s3], [sflag:s2] =	dma.local @!p0 [hbm:s0], s1  }
0x1fd: {  	s0 =	simm.s32 @!p0 $0x3  }
0x1fe: {  	_ =	swait.ge @!p0 [sflag:s0], s1  }
0x1ff: {  	s1 =	ssub.s32 @!p0 $0x0, s1;
	[sflag:s0] =	ssyncset.done @!p0 $0x0  }
0x200: {  	[sflag:s0] =	ssyncadd.s32 @!p0 s1  }
0x201: {  	[bflag:$0x3] =	sbarrier.arrive $0xFFFF  }
0x202: {  	_ =	shalt  }

</sc_bundles>
